<compile_context>
chip_gen: v7x
topology: tpu7x:2x2x1
jax: 0.10.2.dev20260603
libtpu: 0.0.44.dev20260713+nightly
codegen_flags: <defaults>
</compile_context>

<pallas_src>
import functools

import jax
import jax.numpy as jnp
from jax import lax
from jax.experimental import pallas as pl
from jax.experimental.pallas import tpu as pltpu
from jax.experimental.pallas import tpu_sc as plsc

NUM_SAMPLE = 4096
S = 8192
NW = 32
R = NUM_SAMPLE // NW
C0 = 128
F0 = 64
CC = 512
LANES = 16


PREL_SC = 0
PREL_T0 = 48
PREL_H0 = 48 + C0
PREL_TF = 320
PREL_HF = 320 + S
PREL_LEN = 320 + 2 * S


def _prelude_body(tle_ref, bnd_ref, ratio_ref, ifb_ref, iast_hbm, exp_u_hbm,
                  out_ref, iast_v, exp_u_v, sem):
    cp1 = pltpu.make_async_copy(iast_hbm, iast_v, sem)
    cp1.start()
    cp2 = pltpu.make_async_copy(exp_u_hbm, exp_u_v, sem)
    cp2.start()
    r = ratio_ref[0, 0]
    tle = tle_ref[0, 0]
    bnd = bnd_ref[0, 0]
    bounds = jnp.max(jnp.sum(ifb_ref[...], axis=-1)) * 5.0
    sr = bounds * r
    cp2.wait()
    expn = -jnp.log1p(-jnp.clip(exp_u_v[...], 0.0, 1.0 - 1e-7))
    x = expn / sr
    lane = lax.broadcasted_iota(jnp.int32, (1, S), 1)
    sh = 1
    while sh < S:
        rolled = pltpu.roll(x, sh, axis=1)
        x = x + jnp.where(lane >= sh, rolled, 0.0)
        sh *= 2
    times = x + tle
    times1 = jnp.reshape(times, (S,))
    out_ref[pl.ds(PREL_TF, S)] = times1
    out_ref[pl.ds(PREL_T0, C0)] = lax.slice(times1, (0,), (C0,))
    cp1.wait()
    thr = jnp.sum(iast_v[...], axis=0, keepdims=True) * r / sr
    thr1 = jnp.reshape(thr, (S,))
    out_ref[pl.ds(PREL_HF, S)] = thr1
    out_ref[pl.ds(PREL_H0, C0)] = lax.slice(thr1, (0,), (C0,))
    last = jnp.max(times)
    big = last + 1.0
    fb = jnp.where(last > bnd, last, bnd)
    li = lax.broadcasted_iota(jnp.int32, (1, 48), 1)
    out_ref[pl.ds(PREL_SC, 48)] = jnp.reshape(
        jnp.where(li < 16, big, jnp.where(li < 32, fb, 0.0)), (48,))


def _prelude(ifb, iast_t, exp_u, tle, bnd, ratio):
    return pl.pallas_call(
        _prelude_body,
        in_specs=[
            pl.BlockSpec(memory_space=pltpu.SMEM),
            pl.BlockSpec(memory_space=pltpu.SMEM),
            pl.BlockSpec(memory_space=pltpu.SMEM),
            pl.BlockSpec(),
            pl.BlockSpec(memory_space=pl.ANY),
            pl.BlockSpec(memory_space=pl.ANY),
        ],
        out_shape=jax.ShapeDtypeStruct((PREL_LEN,), jnp.float32),
        scratch_shapes=[
            pltpu.VMEM((8, S), jnp.float32),
            pltpu.VMEM((1, S), jnp.float32),
            pltpu.SemaphoreType.DMA,
        ],
    )(tle, bnd, ratio, ifb, iast_t, exp_u)


def _weights_body(w_ref):
    w_ref[...] = jnp.full((NUM_SAMPLE,), 1.0 / NUM_SAMPLE, jnp.float32)


def _weights():
    return pl.pallas_call(
        _weights_body,
        out_shape=jax.ShapeDtypeStruct((NUM_SAMPLE,), jnp.float32),
    )()


@functools.partial(
    pl.kernel,
    out_type=jax.ShapeDtypeStruct((NUM_SAMPLE,), jnp.float32),
    mesh=plsc.VectorSubcoreMesh(core_axis_name="c", subcore_axis_name="s"),
    scratch_types=[
        pltpu.VMEM((PREL_TF,), jnp.float32),
        pltpu.VMEM((2 * S,), jnp.float32),
        pltpu.VMEM((R, C0), jnp.float32),
        pltpu.VMEM((8, CC), jnp.float32),
        pltpu.VMEM((R,), jnp.float32),
        pltpu.SMEM((R,), jnp.int32),
        pltpu.SMEM((1,), jnp.int32),
        pltpu.SemaphoreType.DMA,
        pltpu.SemaphoreType.DMA,
    ],
)
def _scan_kernel(prel_hbm, unif_hbm, rst_hbm,
                 head_v, full_v, buf_v, cbuf_v, rst_v, list_s, cnt_s,
                 sem, sem2):
    wid = lax.axis_index("s") * 2 + lax.axis_index("c")
    base = wid * R
    cp = pltpu.async_copy(unif_hbm.at[pl.ds(base, R), pl.ds(0, C0)], buf_v, sem)
    cp2 = pltpu.async_copy(prel_hbm.at[pl.ds(PREL_TF, 2 * S)], full_v, sem2)
    pltpu.sync_copy(prel_hbm.at[pl.ds(0, PREL_TF)], head_v)
    bigv = head_v[pl.ds(0, LANES)]
    fbv = head_v[pl.ds(16, LANES)]
    lane = lax.broadcasted_iota(jnp.int32, (LANES,), 0)
    cnt_s[0] = 0
    cp.wait()
    def lane_min(x):
        for k in (1, 2, 4, 8):
            x = jnp.minimum(x, x.at[lane ^ k].get(mode="promise_in_bounds"))
        return x

    def fold(load_u, tm_off, thr_off, ncols=CC):
        sels = []
        for v in range(ncols // LANES):
            u = load_u(v)
            t = full_v[pl.ds(thr_off + v * LANES, LANES)]
            tm = full_v[pl.ds(tm_off + v * LANES, LANES)]
            sels.append(jnp.where(u < t, tm, bigv))
        while len(sels) > 1:
            sels = [jnp.minimum(a, b) for a, b in zip(sels[::2], sels[1::2])]
        return sels[0]

    def fold_head(load_u, ncols):
        sels = []
        for v in range(ncols // LANES):
            u = load_u(v)
            t = head_v[pl.ds(PREL_H0 + v * LANES, LANES)]
            tm = head_v[pl.ds(PREL_T0 + v * LANES, LANES)]
            sels.append(jnp.where(u < t, tm, bigv))
        while len(sels) > 1:
            sels = [jnp.minimum(a, b) for a, b in zip(sels[::2], sels[1::2])]
        return sels[0]

    def scalar_of(vec):
        return jnp.reshape(lax.slice(vec, (0,), (1,)), ())

    def append_if_unresolved(row, minv):
        c = cnt_s[0]
        list_s[c] = row
        cnt_s[0] = c + scalar_of(jnp.where(minv < bigv, 0, 1))

    def result_of(minv):
        return jnp.where(minv < bigv, minv, fbv)

    UNROLL = 8

    def quad_fn(p, gvec):
        i0 = p * UNROLL
        accs = [fold_head(lambda v, i=i0 + u: buf_v[i, pl.ds(v * LANES, LANES)],
                          F0) for u in range(UNROLL)]
        mins = [lane_min(a) for a in accs]
        for u in range(UNROLL):
            append_if_unresolved(i0 + u, mins[u])
            gvec = jnp.where(lane == lax.rem(i0 + u, LANES),
                             result_of(mins[u]), gvec)

        @pl.when(lax.rem(i0 + UNROLL - 1, LANES) == LANES - 1)
        def _():
            rst_v[pl.ds((i0 // LANES) * LANES, LANES)] = gvec

        return gvec

    lax.fori_loop(0, R // UNROLL, quad_fn, jnp.zeros((LANES,), jnp.float32))
    cp2.wait()

    def round_fn(r, carry):
        n = cnt_s[0]
        cnt_s[0] = 0
        col = r * CC

        def item_fn(k, carry2):
            row = list_s[k]
            r8 = pl.multiple_of(base + (row // 8) * 8, 8)
            pltpu.sync_copy(unif_hbm.at[pl.ds(r8, 8), pl.ds(col, CC)], cbuf_v)
            sub = lax.rem(row, 8)
            acc = fold(lambda v: cbuf_v[sub, pl.ds(v * LANES, LANES)], col, S + col)
            minv = lane_min(acc)
            append_if_unresolved(row, minv)
            g16 = (row // LANES) * LANES
            old = rst_v[pl.ds(g16, LANES)]
            sel = lane == lax.rem(row, LANES)
            rst_v[pl.ds(g16, LANES)] = jnp.where(sel, result_of(minv), old)
            return carry2

        lax.fori_loop(0, n, item_fn, 0)
        return carry

    lax.fori_loop(0, S // CC, round_fn, 0)
    pltpu.sync_copy(rst_v, rst_hbm.at[pl.ds(base, R)])


def kernel(intensities_for_bound, intensities_at_sampled_times, exp_u,
           unif_numbers, time_last_event, boundary, ratio):
    iast_t = intensities_at_sampled_times.reshape(S, -1).T
    prel = _prelude(
        intensities_for_bound, iast_t, exp_u,
        time_last_event.reshape(1, 1), boundary.reshape(1, 1),
        ratio.reshape(1, 1))
    rst = _scan_kernel(prel, unif_numbers)
    return rst, _weights()

# --- scband reference (transcript-rebuilt; emitter-appended) ---
"""Pipeline reference for scband-event-sampler-15745350107649 (READ-ONLY COPY).

The authoritative reference and input builder live on the scoring server;
editing this copy changes nothing except your own understanding.
"""

import jax, jax.numpy as jnp
import numpy as np


def setup_inputs(seed: int = 0) -> dict:
    key = jax.random.key(seed)
    k1, k2, k3, k4 = jax.random.split(key, 4)
    num_sample, S, K = 4096, 8192, 8
    return {
        "intensities_for_bound": jax.random.uniform(k1, (10, K), dtype=jnp.float32),
        "intensities_at_sampled_times": jax.random.uniform(k2, (1, S, K), dtype=jnp.float32),
        "exp_u": jax.random.uniform(k3, (1, S), dtype=jnp.float32),
        "unif_numbers": jax.random.uniform(k4, (num_sample, S), dtype=jnp.float32),
        "time_last_event": jnp.zeros((1,), dtype=jnp.float32),
        "boundary": jnp.ones((1,), dtype=jnp.float32),
        "ratio": jnp.ones((1,), dtype=jnp.float32),
    }


def reference(intensities_for_bound, intensities_at_sampled_times, exp_u, unif_numbers, time_last_event, boundary, ratio):
    # Faithful jax translation of EventSampler.draw_next_time_ordinary (fastapprox=True).
    # Randomness (uniform/exponential draws) and datalog intensity evaluations are
    # materialized as inputs; exponential samples derived via inverse-CDF from exp_u.
    num_sample = unif_numbers.shape[0]
    over_sample_rate = 5.0
    tle = time_last_event[0]
    bnd = boundary[0]
    r = ratio[0]
    # conservative upper bound from intensities at 10 probe times
    bounds = jnp.max(jnp.sum(intensities_for_bound, axis=-1)) * over_sample_rate
    sample_rate = bounds * r  # next_event_name in types branch
    # dt ~ Exp(sample_rate) via inverse CDF
    exp_numbers = -jnp.log1p(-jnp.clip(exp_u, 0.0, 1.0 - 1e-7))
    sampled_times = jnp.cumsum(exp_numbers / sample_rate, axis=-1) + tle  # [1, S]
    total_intensities = jnp.sum(intensities_at_sampled_times, axis=-1) * r  # [1, S]
    # fastapprox: reuse proposed times across all draws
    S = sampled_times.shape[-1]
    sampled_times_b = jnp.broadcast_to(sampled_times, (num_sample, S))
    total_int_b = jnp.broadcast_to(total_intensities, (num_sample, S))
    # randomly accept proposed times
    criterion = unif_numbers * sample_rate / total_int_b
    min_cri_each_draw = jnp.min(criterion, axis=1)
    who_has_accepted_times = min_cri_each_draw < 1.0
    sampled_times_accepted = jnp.where(criterion >= 1.0, jnp.max(sampled_times_b) + 1.0, sampled_times_b)
    accepted_times_each_draw = jnp.min(sampled_times_accepted, axis=-1)
    rst = jnp.full((num_sample,), bnd, dtype=jnp.float32)
    weights = jnp.ones((num_sample,), dtype=jnp.float32)
    weights = weights / jnp.sum(weights)
    rst = jnp.where(who_has_accepted_times, accepted_times_each_draw, rst)
    who_not_accept = ~who_has_accepted_times
    who_reach_further = sampled_times_b[:, -1] > bnd
    rst = jnp.where(who_not_accept & who_reach_further, sampled_times_b[:, -1], rst)
    return (rst, weights)

if __name__ == "__main__":
    import jax
    _d = setup_inputs()
    print(jax.jit(kernel)(*tuple(_d.values())))

</pallas_src>

<mosaic_0001>
#map = affine_map<(d0, d1) -> (0)>
#map1 = affine_map<(d0, d1) -> (0, 0)>
module attributes {stable_mosaic.version = 14 : i64} {
  func.func @_scan_kernel(%arg0: i32, %arg1: i32, %arg2: memref<16704xf32, #tpu.memory_space<hbm>>, %arg3: memref<4096x8192xf32, #tpu.memory_space<hbm>>, %arg4: memref<4096xf32, #tpu.memory_space<hbm>>, %arg5: memref<320xf32, #tpu.memory_space<vmem>>, %arg6: memref<16384xf32, #tpu.memory_space<vmem>>, %arg7: memref<128x128xf32, #tpu.memory_space<vmem>>, %arg8: memref<8x512xf32, #tpu.memory_space<vmem>>, %arg9: memref<128xf32, #tpu.memory_space<vmem>>, %arg10: memref<128xi32, #tpu.memory_space<smem>>, %arg11: memref<1xi32, #tpu.memory_space<smem>>, %arg12: memref<!tpu.dma_semaphore, #tpu.memory_space<semaphore_mem>>, %arg13: memref<!tpu.dma_semaphore, #tpu.memory_space<semaphore_mem>>) attributes {dimension_semantics = [#tpu.dimension_semantics<core_parallel>, #tpu.dimension_semantics<subcore_parallel>], iteration_bounds = array<i64: 2, 16>, scalar_prefetch = 0 : i64, scratch_operands = 9 : i64, tpu.core_type = #tpu.core_type<sc_vector_subcore>, window_params = [{transform_indices = #map}, {transform_indices = #map1}, {transform_indices = #map}]} {
    %mul3A = arith.constant 2 : i32
    %mul3A_0 = arith.muli %arg1, %mul3A : i32
    %add3A = arith.addi %mul3A_0, %arg0 : i32
    %mul3A_1 = arith.constant 128 : i32
    %mul3A_2 = arith.muli %add3A, %mul3A_1 : i32
    %dma_start3A = arith.constant 0 : i32
    %dma_start3A_3 = tpu.memref_slice %arg3[%mul3A_2, %dma_start3A] : memref<4096x8192xf32, #tpu.memory_space<hbm>> -> memref<128x128xf32, #tpu.memory_space<hbm>>
    %dma_start3A_4 = arith.constant 0 : i32
    %dma_start3A_5 = tpu.memref_slice %arg3[%mul3A_2, %dma_start3A_4] : memref<4096x8192xf32, #tpu.memory_space<hbm>> -> memref<128x128xf32, #tpu.memory_space<hbm>>
    tpu.enqueue_dma source(%dma_start3A_5 : memref<128x128xf32, #tpu.memory_space<hbm>>) target(%arg7 : memref<128x128xf32, #tpu.memory_space<vmem>>) target_semaphore(%arg12 : memref<!tpu.dma_semaphore, #tpu.memory_space<semaphore_mem>>)
    %dma_start3A_6 = arith.constant 320 : i32
    %dma_start3A_7 = tpu.memref_slice %arg2[%dma_start3A_6] : memref<16704xf32, #tpu.memory_space<hbm>> -> memref<16384xf32, #tpu.memory_space<hbm>>
    %dma_start3A_8 = arith.constant 320 : i32
    %dma_start3A_9 = tpu.memref_slice %arg2[%dma_start3A_8] : memref<16704xf32, #tpu.memory_space<hbm>> -> memref<16384xf32, #tpu.memory_space<hbm>>
    tpu.enqueue_dma source(%dma_start3A_9 : memref<16384xf32, #tpu.memory_space<hbm>>) target(%arg6 : memref<16384xf32, #tpu.memory_space<vmem>>) target_semaphore(%arg13 : memref<!tpu.dma_semaphore, #tpu.memory_space<semaphore_mem>>)
    "tpu.region"() ({
      %run_scoped3A = tpu.sem_alloc : memref<!tpu.dma_semaphore, #tpu.memory_space<semaphore_mem>>
      %dma_start3A_37 = arith.constant 0 : i32
      %dma_start3A_38 = tpu.memref_slice %arg2[%dma_start3A_37] : memref<16704xf32, #tpu.memory_space<hbm>> -> memref<320xf32, #tpu.memory_space<hbm>>
      %dma_start3A_39 = arith.constant 0 : i32
      %dma_start3A_40 = tpu.memref_slice %arg2[%dma_start3A_39] : memref<16704xf32, #tpu.memory_space<hbm>> -> memref<320xf32, #tpu.memory_space<hbm>>
      tpu.enqueue_dma source(%dma_start3A_40 : memref<320xf32, #tpu.memory_space<hbm>>) target(%arg5 : memref<320xf32, #tpu.memory_space<vmem>>) target_semaphore(%run_scoped3A : memref<!tpu.dma_semaphore, #tpu.memory_space<semaphore_mem>>)
      %dma_wait3A_41 = arith.constant 0 : i32
      %dma_wait3A_42 = tpu.memref_slice %arg2[%dma_wait3A_41] : memref<16704xf32, #tpu.memory_space<hbm>> -> memref<320xf32, #tpu.memory_space<hbm>>
      %dma_wait3A_43 = arith.constant 0 : i32
      %dma_wait3A_44 = tpu.memref_slice %arg2[%dma_wait3A_43] : memref<16704xf32, #tpu.memory_space<hbm>> -> memref<320xf32, #tpu.memory_space<hbm>>
      tpu.wait_dma2 semaphore(%run_scoped3A : memref<!tpu.dma_semaphore, #tpu.memory_space<semaphore_mem>>) src(%dma_wait3A_44 : memref<320xf32, #tpu.memory_space<hbm>>) dst(%arg5 : memref<320xf32, #tpu.memory_space<vmem>>)
      tpu.yield
    }) : () -> ()
    %get3A = arith.constant 0 : index
    %get3A_10 = tpu.vector_load %arg5[%get3A] {strides = array<i32>} : memref<320xf32, #tpu.memory_space<vmem>>, vector<16xf32>,
    %get3A_11 = vector.shape_cast %get3A_10 : vector<16xf32> to vector<16xf32>
    %get3A_12 = arith.constant 16 : index
    %get3A_13 = tpu.vector_load %arg5[%get3A_12] {strides = array<i32>} : memref<320xf32, #tpu.memory_space<vmem>>, vector<16xf32>,
    %get3A_14 = vector.shape_cast %get3A_13 : vector<16xf32> to vector<16xf32>
    %iota3A = tpu.iota {dimensions = array<i32: 0>} : vector<16xi32>
    %swap3A = arith.constant 0 : i32
    %swap3A_15 = arith.constant 0 : i32
    %swap3A_16 = arith.index_cast %swap3A_15 : i32 to index
    %swap3A_17 = memref.load %arg11[%swap3A_16] : memref<1xi32, #tpu.memory_space<smem>>
    memref.store %swap3A, %arg11[%swap3A_16] : memref<1xi32, #tpu.memory_space<smem>>
    %dma_wait3A = arith.constant 0 : i32
    %dma_wait3A_18 = tpu.memref_slice %arg3[%mul3A_2, %dma_wait3A] : memref<4096x8192xf32, #tpu.memory_space<hbm>> -> memref<128x128xf32, #tpu.memory_space<hbm>>
    %dma_wait3A_19 = arith.constant 0 : i32
    %dma_wait3A_20 = tpu.memref_slice %arg3[%mul3A_2, %dma_wait3A_19] : memref<4096x8192xf32, #tpu.memory_space<hbm>> -> memref<128x128xf32, #tpu.memory_space<hbm>>
    tpu.wait_dma2 semaphore(%arg12 : memref<!tpu.dma_semaphore, #tpu.memory_space<semaphore_mem>>) src(%dma_wait3A_20 : memref<128x128xf32, #tpu.memory_space<hbm>>) dst(%arg7 : memref<128x128xf32, #tpu.memory_space<vmem>>)
    %broadcast_in_dim3A = arith.constant 0.000000e+00 : f32
    %broadcast_in_dim3A_21 = vector.broadcast %broadcast_in_dim3A : f32 to vector<16xf32>
    %scan3A = arith.constant 0 : i32
    %scan3A_22 = arith.constant 16 : i32
    %scan3A_23 = arith.addi %scan3A, %scan3A_22 : i32
    %scan3A_24 = arith.constant 1 : i32
    %scan3A_25 = scf.for %scan3A_37 = %scan3A to %scan3A_23 step %scan3A_24 iter_args(%scan3A_38 = %broadcast_in_dim3A_21) -> (vector<16xf32>)  : i32 {
      %mul3A_39 = arith.constant 8 : i32
      %mul3A_40 = arith.muli %scan3A_37, %mul3A_39 : i32
      %add3A_41 = arith.constant 0 : i32
      %add3A_42 = arith.addi %mul3A_40, %add3A_41 : i32
      %get3A_43 = arith.index_cast %add3A_42 : i32 to index
      %get3A_44 = arith.constant 0 : index
      %get3A_45 = tpu.vector_load %arg7[%get3A_43, %get3A_44] {strides = array<i32>} : memref<128x128xf32, #tpu.memory_space<vmem>>, vector<1x16xf32>,
      %get3A_46 = vector.shape_cast %get3A_45 : vector<1x16xf32> to vector<16xf32>
      %get3A_47 = arith.constant 176 : index
      %get3A_48 = tpu.vector_load %arg5[%get3A_47] {strides = array<i32>} : memref<320xf32, #tpu.memory_space<vmem>>, vector<16xf32>,
      %get3A_49 = vector.shape_cast %get3A_48 : vector<16xf32> to vector<16xf32>
      %get3A_50 = arith.constant 48 : index
      %get3A_51 = tpu.vector_load %arg5[%get3A_50] {strides = array<i32>} : memref<320xf32, #tpu.memory_space<vmem>>, vector<16xf32>,
      %get3A_52 = vector.shape_cast %get3A_51 : vector<16xf32> to vector<16xf32>
      %lt3A = arith.cmpf olt, %get3A_46, %get3A_49 : vector<16xf32>
      %select_n3A = arith.select %lt3A, %get3A_52, %get3A_11 : vector<16xi1>, vector<16xf32>
      %get3A_53 = arith.index_cast %add3A_42 : i32 to index
      %get3A_54 = arith.constant 16 : index
      %get3A_55 = tpu.vector_load %arg7[%get3A_53, %get3A_54] {strides = array<i32>} : memref<128x128xf32, #tpu.memory_space<vmem>>, vector<1x16xf32>,
      %get3A_56 = vector.shape_cast %get3A_55 : vector<1x16xf32> to vector<16xf32>
      %get3A_57 = arith.constant 192 : index
      %get3A_58 = tpu.vector_load %arg5[%get3A_57] {strides = array<i32>} : memref<320xf32, #tpu.memory_space<vmem>>, vector<16xf32>,
      %get3A_59 = vector.shape_cast %get3A_58 : vector<16xf32> to vector<16xf32>
      %get3A_60 = arith.constant 64 : index
      %get3A_61 = tpu.vector_load %arg5[%get3A_60] {strides = array<i32>} : memref<320xf32, #tpu.memory_space<vmem>>, vector<16xf32>,
      %get3A_62 = vector.shape_cast %get3A_61 : vector<16xf32> to vector<16xf32>
      %lt3A_63 = arith.cmpf olt, %get3A_56, %get3A_59 : vector<16xf32>
      %select_n3A_64 = arith.select %lt3A_63, %get3A_62, %get3A_11 : vector<16xi1>, vector<16xf32>
      %get3A_65 = arith.index_cast %add3A_42 : i32 to index
      %get3A_66 = arith.constant 32 : index
      %get3A_67 = tpu.vector_load %arg7[%get3A_65, %get3A_66] {strides = array<i32>} : memref<128x128xf32, #tpu.memory_space<vmem>>, vector<1x16xf32>,
      %get3A_68 = vector.shape_cast %get3A_67 : vector<1x16xf32> to vector<16xf32>
      %get3A_69 = arith.constant 208 : index
      %get3A_70 = tpu.vector_load %arg5[%get3A_69] {strides = array<i32>} : memref<320xf32, #tpu.memory_space<vmem>>, vector<16xf32>,
      %get3A_71 = vector.shape_cast %get3A_70 : vector<16xf32> to vector<16xf32>
      %get3A_72 = arith.constant 80 : index
      %get3A_73 = tpu.vector_load %arg5[%get3A_72] {strides = array<i32>} : memref<320xf32, #tpu.memory_space<vmem>>, vector<16xf32>,
      %get3A_74 = vector.shape_cast %get3A_73 : vector<16xf32> to vector<16xf32>
      %lt3A_75 = arith.cmpf olt, %get3A_68, %get3A_71 : vector<16xf32>
      %select_n3A_76 = arith.select %lt3A_75, %get3A_74, %get3A_11 : vector<16xi1>, vector<16xf32>
      %get3A_77 = arith.index_cast %add3A_42 : i32 to index
      %get3A_78 = arith.constant 48 : index
      %get3A_79 = tpu.vector_load %arg7[%get3A_77, %get3A_78] {strides = array<i32>} : memref<128x128xf32, #tpu.memory_space<vmem>>, vector<1x16xf32>,
      %get3A_80 = vector.shape_cast %get3A_79 : vector<1x16xf32> to vector<16xf32>
      %get3A_81 = arith.constant 224 : index
      %get3A_82 = tpu.vector_load %arg5[%get3A_81] {strides = array<i32>} : memref<320xf32, #tpu.memory_space<vmem>>, vector<16xf32>,
      %get3A_83 = vector.shape_cast %get3A_82 : vector<16xf32> to vector<16xf32>
      %get3A_84 = arith.constant 96 : index
      %get3A_85 = tpu.vector_load %arg5[%get3A_84] {strides = array<i32>} : memref<320xf32, #tpu.memory_space<vmem>>, vector<16xf32>,
      %get3A_86 = vector.shape_cast %get3A_85 : vector<16xf32> to vector<16xf32>
      %lt3A_87 = arith.cmpf olt, %get3A_80, %get3A_83 : vector<16xf32>
      %select_n3A_88 = arith.select %lt3A_87, %get3A_86, %get3A_11 : vector<16xi1>, vector<16xf32>
      %min3A = arith.minimumf %select_n3A, %select_n3A_64 : vector<16xf32>
      %min3A_89 = arith.minimumf %select_n3A_76, %select_n3A_88 : vector<16xf32>
      %min3A_90 = arith.minimumf %min3A, %min3A_89 : vector<16xf32>
      %add3A_91 = arith.constant 1 : i32
      %add3A_92 = arith.addi %mul3A_40, %add3A_91 : i32
      %get3A_93 = arith.index_cast %add3A_92 : i32 to index
      %get3A_94 = arith.constant 0 : index
      %get3A_95 = tpu.vector_load %arg7[%get3A_93, %get3A_94] {strides = array<i32>} : memref<128x128xf32, #tpu.memory_space<vmem>>, vector<1x16xf32>,
      %get3A_96 = vector.shape_cast %get3A_95 : vector<1x16xf32> to vector<16xf32>
      %get3A_97 = arith.constant 176 : index
      %get3A_98 = tpu.vector_load %arg5[%get3A_97] {strides = array<i32>} : memref<320xf32, #tpu.memory_space<vmem>>, vector<16xf32>,
      %get3A_99 = vector.shape_cast %get3A_98 : vector<16xf32> to vector<16xf32>
      %get3A_100 = arith.constant 48 : index
      %get3A_101 = tpu.vector_load %arg5[%get3A_100] {strides = array<i32>} : memref<320xf32, #tpu.memory_space<vmem>>, vector<16xf32>,
      %get3A_102 = vector.shape_cast %get3A_101 : vector<16xf32> to vector<16xf32>
      %lt3A_103 = arith.cmpf olt, %get3A_96, %get3A_99 : vector<16xf32>
      %select_n3A_104 = arith.select %lt3A_103, %get3A_102, %get3A_11 : vector<16xi1>, vector<16xf32>
      %get3A_105 = arith.index_cast %add3A_92 : i32 to index
      %get3A_106 = arith.constant 16 : index
      %get3A_107 = tpu.vector_load %arg7[%get3A_105, %get3A_106] {strides = array<i32>} : memref<128x128xf32, #tpu.memory_space<vmem>>, vector<1x16xf32>,
      %get3A_108 = vector.shape_cast %get3A_107 : vector<1x16xf32> to vector<16xf32>
      %get3A_109 = arith.constant 192 : index
      %get3A_110 = tpu.vector_load %arg5[%get3A_109] {strides = array<i32>} : memref<320xf32, #tpu.memory_space<vmem>>, vector<16xf32>,
      %get3A_111 = vector.shape_cast %get3A_110 : vector<16xf32> to vector<16xf32>
      %get3A_112 = arith.constant 64 : index
      %get3A_113 = tpu.vector_load %arg5[%get3A_112] {strides = array<i32>} : memref<320xf32, #tpu.memory_space<vmem>>, vector<16xf32>,
      %get3A_114 = vector.shape_cast %get3A_113 : vector<16xf32> to vector<16xf32>
      %lt3A_115 = arith.cmpf olt, %get3A_108, %get3A_111 : vector<16xf32>
      %select_n3A_116 = arith.select %lt3A_115, %get3A_114, %get3A_11 : vector<16xi1>, vector<16xf32>
      %get3A_117 = arith.index_cast %add3A_92 : i32 to index
      %get3A_118 = arith.constant 32 : index
      %get3A_119 = tpu.vector_load %arg7[%get3A_117, %get3A_118] {strides = array<i32>} : memref<128x128xf32, #tpu.memory_space<vmem>>, vector<1x16xf32>,
      %get3A_120 = vector.shape_cast %get3A_119 : vector<1x16xf32> to vector<16xf32>
      %get3A_121 = arith.constant 208 : index
      %get3A_122 = tpu.vector_load %arg5[%get3A_121] {strides = array<i32>} : memref<320xf32, #tpu.memory_space<vmem>>, vector<16xf32>,
      %get3A_123 = vector.shape_cast %get3A_122 : vector<16xf32> to vector<16xf32>
      %get3A_124 = arith.constant 80 : index
      %get3A_125 = tpu.vector_load %arg5[%get3A_124] {strides = array<i32>} : memref<320xf32, #tpu.memory_space<vmem>>, vector<16xf32>,
      %get3A_126 = vector.shape_cast %get3A_125 : vector<16xf32> to vector<16xf32>
      %lt3A_127 = arith.cmpf olt, %get3A_120, %get3A_123 : vector<16xf32>
      %select_n3A_128 = arith.select %lt3A_127, %get3A_126, %get3A_11 : vector<16xi1>, vector<16xf32>
      %get3A_129 = arith.index_cast %add3A_92 : i32 to index
      %get3A_130 = arith.constant 48 : index
      %get3A_131 = tpu.vector_load %arg7[%get3A_129, %get3A_130] {strides = array<i32>} : memref<128x128xf32, #tpu.memory_space<vmem>>, vector<1x16xf32>,
      %get3A_132 = vector.shape_cast %get3A_131 : vector<1x16xf32> to vector<16xf32>
      %get3A_133 = arith.constant 224 : index
      %get3A_134 = tpu.vector_load %arg5[%get3A_133] {strides = array<i32>} : memref<320xf32, #tpu.memory_space<vmem>>, vector<16xf32>,
      %get3A_135 = vector.shape_cast %get3A_134 : vector<16xf32> to vector<16xf32>
      %get3A_136 = arith.constant 96 : index
      %get3A_137 = tpu.vector_load %arg5[%get3A_136] {strides = array<i32>} : memref<320xf32, #tpu.memory_space<vmem>>, vector<16xf32>,
      %get3A_138 = vector.shape_cast %get3A_137 : vector<16xf32> to vector<16xf32>
      %lt3A_139 = arith.cmpf olt, %get3A_132, %get3A_135 : vector<16xf32>
      %select_n3A_140 = arith.select %lt3A_139, %get3A_138, %get3A_11 : vector<16xi1>, vector<16xf32>
      %min3A_141 = arith.minimumf %select_n3A_104, %select_n3A_116 : vector<16xf32>
      %min3A_142 = arith.minimumf %select_n3A_128, %select_n3A_140 : vector<16xf32>
      %min3A_143 = arith.minimumf %min3A_141, %min3A_142 : vector<16xf32>
      %add3A_144 = arith.constant 2 : i32
      %add3A_145 = arith.addi %mul3A_40, %add3A_144 : i32
      %get3A_146 = arith.index_cast %add3A_145 : i32 to index
      %get3A_147 = arith.constant 0 : index
      %get3A_148 = tpu.vector_load %arg7[%get3A_146, %get3A_147] {strides = array<i32>} : memref<128x128xf32, #tpu.memory_space<vmem>>, vector<1x16xf32>,
      %get3A_149 = vector.shape_cast %get3A_148 : vector<1x16xf32> to vector<16xf32>
      %get3A_150 = arith.constant 176 : index
      %get3A_151 = tpu.vector_load %arg5[%get3A_150] {strides = array<i32>} : memref<320xf32, #tpu.memory_space<vmem>>, vector<16xf32>,
      %get3A_152 = vector.shape_cast %get3A_151 : vector<16xf32> to vector<16xf32>
      %get3A_153 = arith.constant 48 : index
      %get3A_154 = tpu.vector_load %arg5[%get3A_153] {strides = array<i32>} : memref<320xf32, #tpu.memory_space<vmem>>, vector<16xf32>,
      %get3A_155 = vector.shape_cast %get3A_154 : vector<16xf32> to vector<16xf32>
      %lt3A_156 = arith.cmpf olt, %get3A_149, %get3A_152 : vector<16xf32>
      %select_n3A_157 = arith.select %lt3A_156, %get3A_155, %get3A_11 : vector<16xi1>, vector<16xf32>
      %get3A_158 = arith.index_cast %add3A_145 : i32 to index
      %get3A_159 = arith.constant 16 : index
      %get3A_160 = tpu.vector_load %arg7[%get3A_158, %get3A_159] {strides = array<i32>} : memref<128x128xf32, #tpu.memory_space<vmem>>, vector<1x16xf32>,
      %get3A_161 = vector.shape_cast %get3A_160 : vector<1x16xf32> to vector<16xf32>
      %get3A_162 = arith.constant 192 : index
      %get3A_163 = tpu.vector_load %arg5[%get3A_162] {strides = array<i32>} : memref<320xf32, #tpu.memory_space<vmem>>, vector<16xf32>,
      %get3A_164 = vector.shape_cast %get3A_163 : vector<16xf32> to vector<16xf32>
      %get3A_165 = arith.constant 64 : index
      %get3A_166 = tpu.vector_load %arg5[%get3A_165] {strides = array<i32>} : memref<320xf32, #tpu.memory_space<vmem>>, vector<16xf32>,
      %get3A_167 = vector.shape_cast %get3A_166 : vector<16xf32> to vector<16xf32>
      %lt3A_168 = arith.cmpf olt, %get3A_161, %get3A_164 : vector<16xf32>
      %select_n3A_169 = arith.select %lt3A_168, %get3A_167, %get3A_11 : vector<16xi1>, vector<16xf32>
      %get3A_170 = arith.index_cast %add3A_145 : i32 to index
      %get3A_171 = arith.constant 32 : index
      %get3A_172 = tpu.vector_load %arg7[%get3A_170, %get3A_171] {strides = array<i32>} : memref<128x128xf32, #tpu.memory_space<vmem>>, vector<1x16xf32>,
      %get3A_173 = vector.shape_cast %get3A_172 : vector<1x16xf32> to vector<16xf32>
      %get3A_174 = arith.constant 208 : index
      %get3A_175 = tpu.vector_load %arg5[%get3A_174] {strides = array<i32>} : memref<320xf32, #tpu.memory_space<vmem>>, vector<16xf32>,
      %get3A_176 = vector.shape_cast %get3A_175 : vector<16xf32> to vector<16xf32>
      %get3A_177 = arith.constant 80 : index
      %get3A_178 = tpu.vector_load %arg5[%get3A_177] {strides = array<i32>} : memref<320xf32, #tpu.memory_space<vmem>>, vector<16xf32>,
      %get3A_179 = vector.shape_cast %get3A_178 : vector<16xf32> to vector<16xf32>
      %lt3A_180 = arith.cmpf olt, %get3A_173, %get3A_176 : vector<16xf32>
      %select_n3A_181 = arith.select %lt3A_180, %get3A_179, %get3A_11 : vector<16xi1>, vector<16xf32>
      %get3A_182 = arith.index_cast %add3A_145 : i32 to index
      %get3A_183 = arith.constant 48 : index
      %get3A_184 = tpu.vector_load %arg7[%get3A_182, %get3A_183] {strides = array<i32>} : memref<128x128xf32, #tpu.memory_space<vmem>>, vector<1x16xf32>,
      %get3A_185 = vector.shape_cast %get3A_184 : vector<1x16xf32> to vector<16xf32>
      %get3A_186 = arith.constant 224 : index
      %get3A_187 = tpu.vector_load %arg5[%get3A_186] {strides = array<i32>} : memref<320xf32, #tpu.memory_space<vmem>>, vector<16xf32>,
      %get3A_188 = vector.shape_cast %get3A_187 : vector<16xf32> to vector<16xf32>
      %get3A_189 = arith.constant 96 : index
      %get3A_190 = tpu.vector_load %arg5[%get3A_189] {strides = array<i32>} : memref<320xf32, #tpu.memory_space<vmem>>, vector<16xf32>,
      %get3A_191 = vector.shape_cast %get3A_190 : vector<16xf32> to vector<16xf32>
      %lt3A_192 = arith.cmpf olt, %get3A_185, %get3A_188 : vector<16xf32>
      %select_n3A_193 = arith.select %lt3A_192, %get3A_191, %get3A_11 : vector<16xi1>, vector<16xf32>
      %min3A_194 = arith.minimumf %select_n3A_157, %select_n3A_169 : vector<16xf32>
      %min3A_195 = arith.minimumf %select_n3A_181, %select_n3A_193 : vector<16xf32>
      %min3A_196 = arith.minimumf %min3A_194, %min3A_195 : vector<16xf32>
      %add3A_197 = arith.constant 3 : i32
      %add3A_198 = arith.addi %mul3A_40, %add3A_197 : i32
      %get3A_199 = arith.index_cast %add3A_198 : i32 to index
      %get3A_200 = arith.constant 0 : index
      %get3A_201 = tpu.vector_load %arg7[%get3A_199, %get3A_200] {strides = array<i32>} : memref<128x128xf32, #tpu.memory_space<vmem>>, vector<1x16xf32>,
      %get3A_202 = vector.shape_cast %get3A_201 : vector<1x16xf32> to vector<16xf32>
      %get3A_203 = arith.constant 176 : index
      %get3A_204 = tpu.vector_load %arg5[%get3A_203] {strides = array<i32>} : memref<320xf32, #tpu.memory_space<vmem>>, vector<16xf32>,
      %get3A_205 = vector.shape_cast %get3A_204 : vector<16xf32> to vector<16xf32>
      %get3A_206 = arith.constant 48 : index
      %get3A_207 = tpu.vector_load %arg5[%get3A_206] {strides = array<i32>} : memref<320xf32, #tpu.memory_space<vmem>>, vector<16xf32>,
      %get3A_208 = vector.shape_cast %get3A_207 : vector<16xf32> to vector<16xf32>
      %lt3A_209 = arith.cmpf olt, %get3A_202, %get3A_205 : vector<16xf32>
      %select_n3A_210 = arith.select %lt3A_209, %get3A_208, %get3A_11 : vector<16xi1>, vector<16xf32>
      %get3A_211 = arith.index_cast %add3A_198 : i32 to index
      %get3A_212 = arith.constant 16 : index
      %get3A_213 = tpu.vector_load %arg7[%get3A_211, %get3A_212] {strides = array<i32>} : memref<128x128xf32, #tpu.memory_space<vmem>>, vector<1x16xf32>,
      %get3A_214 = vector.shape_cast %get3A_213 : vector<1x16xf32> to vector<16xf32>
      %get3A_215 = arith.constant 192 : index
      %get3A_216 = tpu.vector_load %arg5[%get3A_215] {strides = array<i32>} : memref<320xf32, #tpu.memory_space<vmem>>, vector<16xf32>,
      %get3A_217 = vector.shape_cast %get3A_216 : vector<16xf32> to vector<16xf32>
      %get3A_218 = arith.constant 64 : index
      %get3A_219 = tpu.vector_load %arg5[%get3A_218] {strides = array<i32>} : memref<320xf32, #tpu.memory_space<vmem>>, vector<16xf32>,
      %get3A_220 = vector.shape_cast %get3A_219 : vector<16xf32> to vector<16xf32>
      %lt3A_221 = arith.cmpf olt, %get3A_214, %get3A_217 : vector<16xf32>
      %select_n3A_222 = arith.select %lt3A_221, %get3A_220, %get3A_11 : vector<16xi1>, vector<16xf32>
      %get3A_223 = arith.index_cast %add3A_198 : i32 to index
      %get3A_224 = arith.constant 32 : index
      %get3A_225 = tpu.vector_load %arg7[%get3A_223, %get3A_224] {strides = array<i32>} : memref<128x128xf32, #tpu.memory_space<vmem>>, vector<1x16xf32>,
      %get3A_226 = vector.shape_cast %get3A_225 : vector<1x16xf32> to vector<16xf32>
      %get3A_227 = arith.constant 208 : index
      %get3A_228 = tpu.vector_load %arg5[%get3A_227] {strides = array<i32>} : memref<320xf32, #tpu.memory_space<vmem>>, vector<16xf32>,
      %get3A_229 = vector.shape_cast %get3A_228 : vector<16xf32> to vector<16xf32>
      %get3A_230 = arith.constant 80 : index
      %get3A_231 = tpu.vector_load %arg5[%get3A_230] {strides = array<i32>} : memref<320xf32, #tpu.memory_space<vmem>>, vector<16xf32>,
      %get3A_232 = vector.shape_cast %get3A_231 : vector<16xf32> to vector<16xf32>
      %lt3A_233 = arith.cmpf olt, %get3A_226, %get3A_229 : vector<16xf32>
      %select_n3A_234 = arith.select %lt3A_233, %get3A_232, %get3A_11 : vector<16xi1>, vector<16xf32>
      %get3A_235 = arith.index_cast %add3A_198 : i32 to index
      %get3A_236 = arith.constant 48 : index
      %get3A_237 = tpu.vector_load %arg7[%get3A_235, %get3A_236] {strides = array<i32>} : memref<128x128xf32, #tpu.memory_space<vmem>>, vector<1x16xf32>,
      %get3A_238 = vector.shape_cast %get3A_237 : vector<1x16xf32> to vector<16xf32>
      %get3A_239 = arith.constant 224 : index
      %get3A_240 = tpu.vector_load %arg5[%get3A_239] {strides = array<i32>} : memref<320xf32, #tpu.memory_space<vmem>>, vector<16xf32>,
      %get3A_241 = vector.shape_cast %get3A_240 : vector<16xf32> to vector<16xf32>
      %get3A_242 = arith.constant 96 : index
      %get3A_243 = tpu.vector_load %arg5[%get3A_242] {strides = array<i32>} : memref<320xf32, #tpu.memory_space<vmem>>, vector<16xf32>,
      %get3A_244 = vector.shape_cast %get3A_243 : vector<16xf32> to vector<16xf32>
      %lt3A_245 = arith.cmpf olt, %get3A_238, %get3A_241 : vector<16xf32>
      %select_n3A_246 = arith.select %lt3A_245, %get3A_244, %get3A_11 : vector<16xi1>, vector<16xf32>
      %min3A_247 = arith.minimumf %select_n3A_210, %select_n3A_222 : vector<16xf32>
      %min3A_248 = arith.minimumf %select_n3A_234, %select_n3A_246 : vector<16xf32>
      %min3A_249 = arith.minimumf %min3A_247, %min3A_248 : vector<16xf32>
      %add3A_250 = arith.constant 4 : i32
      %add3A_251 = arith.addi %mul3A_40, %add3A_250 : i32
      %get3A_252 = arith.index_cast %add3A_251 : i32 to index
      %get3A_253 = arith.constant 0 : index
      %get3A_254 = tpu.vector_load %arg7[%get3A_252, %get3A_253] {strides = array<i32>} : memref<128x128xf32, #tpu.memory_space<vmem>>, vector<1x16xf32>,
      %get3A_255 = vector.shape_cast %get3A_254 : vector<1x16xf32> to vector<16xf32>
      %get3A_256 = arith.constant 176 : index
      %get3A_257 = tpu.vector_load %arg5[%get3A_256] {strides = array<i32>} : memref<320xf32, #tpu.memory_space<vmem>>, vector<16xf32>,
      %get3A_258 = vector.shape_cast %get3A_257 : vector<16xf32> to vector<16xf32>
      %get3A_259 = arith.constant 48 : index
      %get3A_260 = tpu.vector_load %arg5[%get3A_259] {strides = array<i32>} : memref<320xf32, #tpu.memory_space<vmem>>, vector<16xf32>,
      %get3A_261 = vector.shape_cast %get3A_260 : vector<16xf32> to vector<16xf32>
      %lt3A_262 = arith.cmpf olt, %get3A_255, %get3A_258 : vector<16xf32>
      %select_n3A_263 = arith.select %lt3A_262, %get3A_261, %get3A_11 : vector<16xi1>, vector<16xf32>
      %get3A_264 = arith.index_cast %add3A_251 : i32 to index
      %get3A_265 = arith.constant 16 : index
      %get3A_266 = tpu.vector_load %arg7[%get3A_264, %get3A_265] {strides = array<i32>} : memref<128x128xf32, #tpu.memory_space<vmem>>, vector<1x16xf32>,
      %get3A_267 = vector.shape_cast %get3A_266 : vector<1x16xf32> to vector<16xf32>
      %get3A_268 = arith.constant 192 : index
      %get3A_269 = tpu.vector_load %arg5[%get3A_268] {strides = array<i32>} : memref<320xf32, #tpu.memory_space<vmem>>, vector<16xf32>,
      %get3A_270 = vector.shape_cast %get3A_269 : vector<16xf32> to vector<16xf32>
      %get3A_271 = arith.constant 64 : index
      %get3A_272 = tpu.vector_load %arg5[%get3A_271] {strides = array<i32>} : memref<320xf32, #tpu.memory_space<vmem>>, vector<16xf32>,
      %get3A_273 = vector.shape_cast %get3A_272 : vector<16xf32> to vector<16xf32>
      %lt3A_274 = arith.cmpf olt, %get3A_267, %get3A_270 : vector<16xf32>
      %select_n3A_275 = arith.select %lt3A_274, %get3A_273, %get3A_11 : vector<16xi1>, vector<16xf32>
      %get3A_276 = arith.index_cast %add3A_251 : i32 to index
      %get3A_277 = arith.constant 32 : index
      %get3A_278 = tpu.vector_load %arg7[%get3A_276, %get3A_277] {strides = array<i32>} : memref<128x128xf32, #tpu.memory_space<vmem>>, vector<1x16xf32>,
      %get3A_279 = vector.shape_cast %get3A_278 : vector<1x16xf32> to vector<16xf32>
      %get3A_280 = arith.constant 208 : index
      %get3A_281 = tpu.vector_load %arg5[%get3A_280] {strides = array<i32>} : memref<320xf32, #tpu.memory_space<vmem>>, vector<16xf32>,
      %get3A_282 = vector.shape_cast %get3A_281 : vector<16xf32> to vector<16xf32>
      %get3A_283 = arith.constant 80 : index
      %get3A_284 = tpu.vector_load %arg5[%get3A_283] {strides = array<i32>} : memref<320xf32, #tpu.memory_space<vmem>>, vector<16xf32>,
      %get3A_285 = vector.shape_cast %get3A_284 : vector<16xf32> to vector<16xf32>
      %lt3A_286 = arith.cmpf olt, %get3A_279, %get3A_282 : vector<16xf32>
      %select_n3A_287 = arith.select %lt3A_286, %get3A_285, %get3A_11 : vector<16xi1>, vector<16xf32>
      %get3A_288 = arith.index_cast %add3A_251 : i32 to index
      %get3A_289 = arith.constant 48 : index
      %get3A_290 = tpu.vector_load %arg7[%get3A_288, %get3A_289] {strides = array<i32>} : memref<128x128xf32, #tpu.memory_space<vmem>>, vector<1x16xf32>,
      %get3A_291 = vector.shape_cast %get3A_290 : vector<1x16xf32> to vector<16xf32>
      %get3A_292 = arith.constant 224 : index
      %get3A_293 = tpu.vector_load %arg5[%get3A_292] {strides = array<i32>} : memref<320xf32, #tpu.memory_space<vmem>>, vector<16xf32>,
      %get3A_294 = vector.shape_cast %get3A_293 : vector<16xf32> to vector<16xf32>
      %get3A_295 = arith.constant 96 : index
      %get3A_296 = tpu.vector_load %arg5[%get3A_295] {strides = array<i32>} : memref<320xf32, #tpu.memory_space<vmem>>, vector<16xf32>,
      %get3A_297 = vector.shape_cast %get3A_296 : vector<16xf32> to vector<16xf32>
      %lt3A_298 = arith.cmpf olt, %get3A_291, %get3A_294 : vector<16xf32>
      %select_n3A_299 = arith.select %lt3A_298, %get3A_297, %get3A_11 : vector<16xi1>, vector<16xf32>
      %min3A_300 = arith.minimumf %select_n3A_263, %select_n3A_275 : vector<16xf32>
      %min3A_301 = arith.minimumf %select_n3A_287, %select_n3A_299 : vector<16xf32>
      %min3A_302 = arith.minimumf %min3A_300, %min3A_301 : vector<16xf32>
      %add3A_303 = arith.constant 5 : i32
      %add3A_304 = arith.addi %mul3A_40, %add3A_303 : i32
      %get3A_305 = arith.index_cast %add3A_304 : i32 to index
      %get3A_306 = arith.constant 0 : index
      %get3A_307 = tpu.vector_load %arg7[%get3A_305, %get3A_306] {strides = array<i32>} : memref<128x128xf32, #tpu.memory_space<vmem>>, vector<1x16xf32>,
      %get3A_308 = vector.shape_cast %get3A_307 : vector<1x16xf32> to vector<16xf32>
      %get3A_309 = arith.constant 176 : index
      %get3A_310 = tpu.vector_load %arg5[%get3A_309] {strides = array<i32>} : memref<320xf32, #tpu.memory_space<vmem>>, vector<16xf32>,
      %get3A_311 = vector.shape_cast %get3A_310 : vector<16xf32> to vector<16xf32>
      %get3A_312 = arith.constant 48 : index
      %get3A_313 = tpu.vector_load %arg5[%get3A_312] {strides = array<i32>} : memref<320xf32, #tpu.memory_space<vmem>>, vector<16xf32>,
      %get3A_314 = vector.shape_cast %get3A_313 : vector<16xf32> to vector<16xf32>
      %lt3A_315 = arith.cmpf olt, %get3A_308, %get3A_311 : vector<16xf32>
      %select_n3A_316 = arith.select %lt3A_315, %get3A_314, %get3A_11 : vector<16xi1>, vector<16xf32>
      %get3A_317 = arith.index_cast %add3A_304 : i32 to index
      %get3A_318 = arith.constant 16 : index
      %get3A_319 = tpu.vector_load %arg7[%get3A_317, %get3A_318] {strides = array<i32>} : memref<128x128xf32, #tpu.memory_space<vmem>>, vector<1x16xf32>,
      %get3A_320 = vector.shape_cast %get3A_319 : vector<1x16xf32> to vector<16xf32>
      %get3A_321 = arith.constant 192 : index
      %get3A_322 = tpu.vector_load %arg5[%get3A_321] {strides = array<i32>} : memref<320xf32, #tpu.memory_space<vmem>>, vector<16xf32>,
      %get3A_323 = vector.shape_cast %get3A_322 : vector<16xf32> to vector<16xf32>
      %get3A_324 = arith.constant 64 : index
      %get3A_325 = tpu.vector_load %arg5[%get3A_324] {strides = array<i32>} : memref<320xf32, #tpu.memory_space<vmem>>, vector<16xf32>,
      %get3A_326 = vector.shape_cast %get3A_325 : vector<16xf32> to vector<16xf32>
      %lt3A_327 = arith.cmpf olt, %get3A_320, %get3A_323 : vector<16xf32>
      %select_n3A_328 = arith.select %lt3A_327, %get3A_326, %get3A_11 : vector<16xi1>, vector<16xf32>
      %get3A_329 = arith.index_cast %add3A_304 : i32 to index
      %get3A_330 = arith.constant 32 : index
      %get3A_331 = tpu.vector_load %arg7[%get3A_329, %get3A_330] {strides = array<i32>} : memref<128x128xf32, #tpu.memory_space<vmem>>, vector<1x16xf32>,
      %get3A_332 = vector.shape_cast %get3A_331 : vector<1x16xf32> to vector<16xf32>
      %get3A_333 = arith.constant 208 : index
      %get3A_334 = tpu.vector_load %arg5[%get3A_333] {strides = array<i32>} : memref<320xf32, #tpu.memory_space<vmem>>, vector<16xf32>,
      %get3A_335 = vector.shape_cast %get3A_334 : vector<16xf32> to vector<16xf32>
      %get3A_336 = arith.constant 80 : index
      %get3A_337 = tpu.vector_load %arg5[%get3A_336] {strides = array<i32>} : memref<320xf32, #tpu.memory_space<vmem>>, vector<16xf32>,
      %get3A_338 = vector.shape_cast %get3A_337 : vector<16xf32> to vector<16xf32>
      %lt3A_339 = arith.cmpf olt, %get3A_332, %get3A_335 : vector<16xf32>
      %select_n3A_340 = arith.select %lt3A_339, %get3A_338, %get3A_11 : vector<16xi1>, vector<16xf32>
      %get3A_341 = arith.index_cast %add3A_304 : i32 to index
      %get3A_342 = arith.constant 48 : index
      %get3A_343 = tpu.vector_load %arg7[%get3A_341, %get3A_342] {strides = array<i32>} : memref<128x128xf32, #tpu.memory_space<vmem>>, vector<1x16xf32>,
      %get3A_344 = vector.shape_cast %get3A_343 : vector<1x16xf32> to vector<16xf32>
      %get3A_345 = arith.constant 224 : index
      %get3A_346 = tpu.vector_load %arg5[%get3A_345] {strides = array<i32>} : memref<320xf32, #tpu.memory_space<vmem>>, vector<16xf32>,
      %get3A_347 = vector.shape_cast %get3A_346 : vector<16xf32> to vector<16xf32>
      %get3A_348 = arith.constant 96 : index
      %get3A_349 = tpu.vector_load %arg5[%get3A_348] {strides = array<i32>} : memref<320xf32, #tpu.memory_space<vmem>>, vector<16xf32>,
      %get3A_350 = vector.shape_cast %get3A_349 : vector<16xf32> to vector<16xf32>
      %lt3A_351 = arith.cmpf olt, %get3A_344, %get3A_347 : vector<16xf32>
      %select_n3A_352 = arith.select %lt3A_351, %get3A_350, %get3A_11 : vector<16xi1>, vector<16xf32>
      %min3A_353 = arith.minimumf %select_n3A_316, %select_n3A_328 : vector<16xf32>
      %min3A_354 = arith.minimumf %select_n3A_340, %select_n3A_352 : vector<16xf32>
      %min3A_355 = arith.minimumf %min3A_353, %min3A_354 : vector<16xf32>
      %add3A_356 = arith.constant 6 : i32
      %add3A_357 = arith.addi %mul3A_40, %add3A_356 : i32
      %get3A_358 = arith.index_cast %add3A_357 : i32 to index
      %get3A_359 = arith.constant 0 : index
      %get3A_360 = tpu.vector_load %arg7[%get3A_358, %get3A_359] {strides = array<i32>} : memref<128x128xf32, #tpu.memory_space<vmem>>, vector<1x16xf32>,
      %get3A_361 = vector.shape_cast %get3A_360 : vector<1x16xf32> to vector<16xf32>
      %get3A_362 = arith.constant 176 : index
      %get3A_363 = tpu.vector_load %arg5[%get3A_362] {strides = array<i32>} : memref<320xf32, #tpu.memory_space<vmem>>, vector<16xf32>,
      %get3A_364 = vector.shape_cast %get3A_363 : vector<16xf32> to vector<16xf32>
      %get3A_365 = arith.constant 48 : index
      %get3A_366 = tpu.vector_load %arg5[%get3A_365] {strides = array<i32>} : memref<320xf32, #tpu.memory_space<vmem>>, vector<16xf32>,
      %get3A_367 = vector.shape_cast %get3A_366 : vector<16xf32> to vector<16xf32>
      %lt3A_368 = arith.cmpf olt, %get3A_361, %get3A_364 : vector<16xf32>
      %select_n3A_369 = arith.select %lt3A_368, %get3A_367, %get3A_11 : vector<16xi1>, vector<16xf32>
      %get3A_370 = arith.index_cast %add3A_357 : i32 to index
      %get3A_371 = arith.constant 16 : index
      %get3A_372 = tpu.vector_load %arg7[%get3A_370, %get3A_371] {strides = array<i32>} : memref<128x128xf32, #tpu.memory_space<vmem>>, vector<1x16xf32>,
      %get3A_373 = vector.shape_cast %get3A_372 : vector<1x16xf32> to vector<16xf32>
      %get3A_374 = arith.constant 192 : index
      %get3A_375 = tpu.vector_load %arg5[%get3A_374] {strides = array<i32>} : memref<320xf32, #tpu.memory_space<vmem>>, vector<16xf32>,
      %get3A_376 = vector.shape_cast %get3A_375 : vector<16xf32> to vector<16xf32>
      %get3A_377 = arith.constant 64 : index
      %get3A_378 = tpu.vector_load %arg5[%get3A_377] {strides = array<i32>} : memref<320xf32, #tpu.memory_space<vmem>>, vector<16xf32>,
      %get3A_379 = vector.shape_cast %get3A_378 : vector<16xf32> to vector<16xf32>
      %lt3A_380 = arith.cmpf olt, %get3A_373, %get3A_376 : vector<16xf32>
      %select_n3A_381 = arith.select %lt3A_380, %get3A_379, %get3A_11 : vector<16xi1>, vector<16xf32>
      %get3A_382 = arith.index_cast %add3A_357 : i32 to index
      %get3A_383 = arith.constant 32 : index
      %get3A_384 = tpu.vector_load %arg7[%get3A_382, %get3A_383] {strides = array<i32>} : memref<128x128xf32, #tpu.memory_space<vmem>>, vector<1x16xf32>,
      %get3A_385 = vector.shape_cast %get3A_384 : vector<1x16xf32> to vector<16xf32>
      %get3A_386 = arith.constant 208 : index
      %get3A_387 = tpu.vector_load %arg5[%get3A_386] {strides = array<i32>} : memref<320xf32, #tpu.memory_space<vmem>>, vector<16xf32>,
      %get3A_388 = vector.shape_cast %get3A_387 : vector<16xf32> to vector<16xf32>
      %get3A_389 = arith.constant 80 : index
      %get3A_390 = tpu.vector_load %arg5[%get3A_389] {strides = array<i32>} : memref<320xf32, #tpu.memory_space<vmem>>, vector<16xf32>,
      %get3A_391 = vector.shape_cast %get3A_390 : vector<16xf32> to vector<16xf32>
      %lt3A_392 = arith.cmpf olt, %get3A_385, %get3A_388 : vector<16xf32>
      %select_n3A_393 = arith.select %lt3A_392, %get3A_391, %get3A_11 : vector<16xi1>, vector<16xf32>
      %get3A_394 = arith.index_cast %add3A_357 : i32 to index
      %get3A_395 = arith.constant 48 : index
      %get3A_396 = tpu.vector_load %arg7[%get3A_394, %get3A_395] {strides = array<i32>} : memref<128x128xf32, #tpu.memory_space<vmem>>, vector<1x16xf32>,
      %get3A_397 = vector.shape_cast %get3A_396 : vector<1x16xf32> to vector<16xf32>
      %get3A_398 = arith.constant 224 : index
      %get3A_399 = tpu.vector_load %arg5[%get3A_398] {strides = array<i32>} : memref<320xf32, #tpu.memory_space<vmem>>, vector<16xf32>,
      %get3A_400 = vector.shape_cast %get3A_399 : vector<16xf32> to vector<16xf32>
      %get3A_401 = arith.constant 96 : index
      %get3A_402 = tpu.vector_load %arg5[%get3A_401] {strides = array<i32>} : memref<320xf32, #tpu.memory_space<vmem>>, vector<16xf32>,
      %get3A_403 = vector.shape_cast %get3A_402 : vector<16xf32> to vector<16xf32>
      %lt3A_404 = arith.cmpf olt, %get3A_397, %get3A_400 : vector<16xf32>
      %select_n3A_405 = arith.select %lt3A_404, %get3A_403, %get3A_11 : vector<16xi1>, vector<16xf32>
      %min3A_406 = arith.minimumf %select_n3A_369, %select_n3A_381 : vector<16xf32>
      %min3A_407 = arith.minimumf %select_n3A_393, %select_n3A_405 : vector<16xf32>
      %min3A_408 = arith.minimumf %min3A_406, %min3A_407 : vector<16xf32>
      %add3A_409 = arith.constant 7 : i32
      %add3A_410 = arith.addi %mul3A_40, %add3A_409 : i32
      %get3A_411 = arith.index_cast %add3A_410 : i32 to index
      %get3A_412 = arith.constant 0 : index
      %get3A_413 = tpu.vector_load %arg7[%get3A_411, %get3A_412] {strides = array<i32>} : memref<128x128xf32, #tpu.memory_space<vmem>>, vector<1x16xf32>,
      %get3A_414 = vector.shape_cast %get3A_413 : vector<1x16xf32> to vector<16xf32>
      %get3A_415 = arith.constant 176 : index
      %get3A_416 = tpu.vector_load %arg5[%get3A_415] {strides = array<i32>} : memref<320xf32, #tpu.memory_space<vmem>>, vector<16xf32>,
      %get3A_417 = vector.shape_cast %get3A_416 : vector<16xf32> to vector<16xf32>
      %get3A_418 = arith.constant 48 : index
      %get3A_419 = tpu.vector_load %arg5[%get3A_418] {strides = array<i32>} : memref<320xf32, #tpu.memory_space<vmem>>, vector<16xf32>,
      %get3A_420 = vector.shape_cast %get3A_419 : vector<16xf32> to vector<16xf32>
      %lt3A_421 = arith.cmpf olt, %get3A_414, %get3A_417 : vector<16xf32>
      %select_n3A_422 = arith.select %lt3A_421, %get3A_420, %get3A_11 : vector<16xi1>, vector<16xf32>
      %get3A_423 = arith.index_cast %add3A_410 : i32 to index
      %get3A_424 = arith.constant 16 : index
      %get3A_425 = tpu.vector_load %arg7[%get3A_423, %get3A_424] {strides = array<i32>} : memref<128x128xf32, #tpu.memory_space<vmem>>, vector<1x16xf32>,
      %get3A_426 = vector.shape_cast %get3A_425 : vector<1x16xf32> to vector<16xf32>
      %get3A_427 = arith.constant 192 : index
      %get3A_428 = tpu.vector_load %arg5[%get3A_427] {strides = array<i32>} : memref<320xf32, #tpu.memory_space<vmem>>, vector<16xf32>,
      %get3A_429 = vector.shape_cast %get3A_428 : vector<16xf32> to vector<16xf32>
      %get3A_430 = arith.constant 64 : index
      %get3A_431 = tpu.vector_load %arg5[%get3A_430] {strides = array<i32>} : memref<320xf32, #tpu.memory_space<vmem>>, vector<16xf32>,
      %get3A_432 = vector.shape_cast %get3A_431 : vector<16xf32> to vector<16xf32>
      %lt3A_433 = arith.cmpf olt, %get3A_426, %get3A_429 : vector<16xf32>
      %select_n3A_434 = arith.select %lt3A_433, %get3A_432, %get3A_11 : vector<16xi1>, vector<16xf32>
      %get3A_435 = arith.index_cast %add3A_410 : i32 to index
      %get3A_436 = arith.constant 32 : index
      %get3A_437 = tpu.vector_load %arg7[%get3A_435, %get3A_436] {strides = array<i32>} : memref<128x128xf32, #tpu.memory_space<vmem>>, vector<1x16xf32>,
      %get3A_438 = vector.shape_cast %get3A_437 : vector<1x16xf32> to vector<16xf32>
      %get3A_439 = arith.constant 208 : index
      %get3A_440 = tpu.vector_load %arg5[%get3A_439] {strides = array<i32>} : memref<320xf32, #tpu.memory_space<vmem>>, vector<16xf32>,
      %get3A_441 = vector.shape_cast %get3A_440 : vector<16xf32> to vector<16xf32>
      %get3A_442 = arith.constant 80 : index
      %get3A_443 = tpu.vector_load %arg5[%get3A_442] {strides = array<i32>} : memref<320xf32, #tpu.memory_space<vmem>>, vector<16xf32>,
      %get3A_444 = vector.shape_cast %get3A_443 : vector<16xf32> to vector<16xf32>
      %lt3A_445 = arith.cmpf olt, %get3A_438, %get3A_441 : vector<16xf32>
      %select_n3A_446 = arith.select %lt3A_445, %get3A_444, %get3A_11 : vector<16xi1>, vector<16xf32>
      %get3A_447 = arith.index_cast %add3A_410 : i32 to index
      %get3A_448 = arith.constant 48 : index
      %get3A_449 = tpu.vector_load %arg7[%get3A_447, %get3A_448] {strides = array<i32>} : memref<128x128xf32, #tpu.memory_space<vmem>>, vector<1x16xf32>,
      %get3A_450 = vector.shape_cast %get3A_449 : vector<1x16xf32> to vector<16xf32>
      %get3A_451 = arith.constant 224 : index
      %get3A_452 = tpu.vector_load %arg5[%get3A_451] {strides = array<i32>} : memref<320xf32, #tpu.memory_space<vmem>>, vector<16xf32>,
      %get3A_453 = vector.shape_cast %get3A_452 : vector<16xf32> to vector<16xf32>
      %get3A_454 = arith.constant 96 : index
      %get3A_455 = tpu.vector_load %arg5[%get3A_454] {strides = array<i32>} : memref<320xf32, #tpu.memory_space<vmem>>, vector<16xf32>,
      %get3A_456 = vector.shape_cast %get3A_455 : vector<16xf32> to vector<16xf32>
      %lt3A_457 = arith.cmpf olt, %get3A_450, %get3A_453 : vector<16xf32>
      %select_n3A_458 = arith.select %lt3A_457, %get3A_456, %get3A_11 : vector<16xi1>, vector<16xf32>
      %min3A_459 = arith.minimumf %select_n3A_422, %select_n3A_434 : vector<16xf32>
      %min3A_460 = arith.minimumf %select_n3A_446, %select_n3A_458 : vector<16xf32>
      %min3A_461 = arith.minimumf %min3A_459, %min3A_460 : vector<16xf32>
      %xor3A = arith.constant 1 : i32
      %xor3A_462 = vector.broadcast %xor3A : i32 to vector<16xi32>
      %xor3A_463 = arith.xori %iota3A, %xor3A_462 : vector<16xi32>
      %lt3A_464 = arith.constant 0 : i32
      %lt3A_465 = vector.broadcast %lt3A_464 : i32 to vector<16xi32>
      %lt3A_466 = arith.cmpi slt, %xor3A_463, %lt3A_465 : vector<16xi32>
      %add3A_467 = arith.constant 16 : i32
      %add3A_468 = vector.broadcast %add3A_467 : i32 to vector<16xi32>
      %add3A_469 = arith.addi %xor3A_463, %add3A_468 : vector<16xi32>
      %select_n3A_470 = arith.select %lt3A_466, %add3A_469, %xor3A_463 : vector<16xi1>, vector<16xi32>
      %broadcast_in_dim3A_471 = vector.shape_cast %select_n3A_470 : vector<16xi32> to vector<16x1xi32>
      %gather3A = vector.shape_cast %broadcast_in_dim3A_471 : vector<16x1xi32> to vector<16xi32>
      %gather3A_472 = tpu.dynamic_gather %min3A_90[%gather3A] in [0] : vector<16xf32>, vector<16xi32> -> vector<16xf32>
      %min3A_473 = arith.minimumf %min3A_90, %gather3A_472 : vector<16xf32>
      %xor3A_474 = arith.constant 2 : i32
      %xor3A_475 = vector.broadcast %xor3A_474 : i32 to vector<16xi32>
      %xor3A_476 = arith.xori %iota3A, %xor3A_475 : vector<16xi32>
      %lt3A_477 = arith.constant 0 : i32
      %lt3A_478 = vector.broadcast %lt3A_477 : i32 to vector<16xi32>
      %lt3A_479 = arith.cmpi slt, %xor3A_476, %lt3A_478 : vector<16xi32>
      %add3A_480 = arith.constant 16 : i32
      %add3A_481 = vector.broadcast %add3A_480 : i32 to vector<16xi32>
      %add3A_482 = arith.addi %xor3A_476, %add3A_481 : vector<16xi32>
      %select_n3A_483 = arith.select %lt3A_479, %add3A_482, %xor3A_476 : vector<16xi1>, vector<16xi32>
      %broadcast_in_dim3A_484 = vector.shape_cast %select_n3A_483 : vector<16xi32> to vector<16x1xi32>
      %gather3A_485 = vector.shape_cast %broadcast_in_dim3A_484 : vector<16x1xi32> to vector<16xi32>
      %gather3A_486 = tpu.dynamic_gather %min3A_473[%gather3A_485] in [0] : vector<16xf32>, vector<16xi32> -> vector<16xf32>
      %min3A_487 = arith.minimumf %min3A_473, %gather3A_486 : vector<16xf32>
      %xor3A_488 = arith.constant 4 : i32
      %xor3A_489 = vector.broadcast %xor3A_488 : i32 to vector<16xi32>
      %xor3A_490 = arith.xori %iota3A, %xor3A_489 : vector<16xi32>
      %lt3A_491 = arith.constant 0 : i32
      %lt3A_492 = vector.broadcast %lt3A_491 : i32 to vector<16xi32>
      %lt3A_493 = arith.cmpi slt, %xor3A_490, %lt3A_492 : vector<16xi32>
      %add3A_494 = arith.constant 16 : i32
      %add3A_495 = vector.broadcast %add3A_494 : i32 to vector<16xi32>
      %add3A_496 = arith.addi %xor3A_490, %add3A_495 : vector<16xi32>
      %select_n3A_497 = arith.select %lt3A_493, %add3A_496, %xor3A_490 : vector<16xi1>, vector<16xi32>
      %broadcast_in_dim3A_498 = vector.shape_cast %select_n3A_497 : vector<16xi32> to vector<16x1xi32>
      %gather3A_499 = vector.shape_cast %broadcast_in_dim3A_498 : vector<16x1xi32> to vector<16xi32>
      %gather3A_500 = tpu.dynamic_gather %min3A_487[%gather3A_499] in [0] : vector<16xf32>, vector<16xi32> -> vector<16xf32>
      %min3A_501 = arith.minimumf %min3A_487, %gather3A_500 : vector<16xf32>
      %xor3A_502 = arith.constant 8 : i32
      %xor3A_503 = vector.broadcast %xor3A_502 : i32 to vector<16xi32>
      %xor3A_504 = arith.xori %iota3A, %xor3A_503 : vector<16xi32>
      %lt3A_505 = arith.constant 0 : i32
      %lt3A_506 = vector.broadcast %lt3A_505 : i32 to vector<16xi32>
      %lt3A_507 = arith.cmpi slt, %xor3A_504, %lt3A_506 : vector<16xi32>
      %add3A_508 = arith.constant 16 : i32
      %add3A_509 = vector.broadcast %add3A_508 : i32 to vector<16xi32>
      %add3A_510 = arith.addi %xor3A_504, %add3A_509 : vector<16xi32>
      %select_n3A_511 = arith.select %lt3A_507, %add3A_510, %xor3A_504 : vector<16xi1>, vector<16xi32>
      %broadcast_in_dim3A_512 = vector.shape_cast %select_n3A_511 : vector<16xi32> to vector<16x1xi32>
      %gather3A_513 = vector.shape_cast %broadcast_in_dim3A_512 : vector<16x1xi32> to vector<16xi32>
      %gather3A_514 = tpu.dynamic_gather %min3A_501[%gather3A_513] in [0] : vector<16xf32>, vector<16xi32> -> vector<16xf32>
      %min3A_515 = arith.minimumf %min3A_501, %gather3A_514 : vector<16xf32>
      %xor3A_516 = arith.constant 1 : i32
      %xor3A_517 = vector.broadcast %xor3A_516 : i32 to vector<16xi32>
      %xor3A_518 = arith.xori %iota3A, %xor3A_517 : vector<16xi32>
      %lt3A_519 = arith.constant 0 : i32
      %lt3A_520 = vector.broadcast %lt3A_519 : i32 to vector<16xi32>
      %lt3A_521 = arith.cmpi slt, %xor3A_518, %lt3A_520 : vector<16xi32>
      %add3A_522 = arith.constant 16 : i32
      %add3A_523 = vector.broadcast %add3A_522 : i32 to vector<16xi32>
      %add3A_524 = arith.addi %xor3A_518, %add3A_523 : vector<16xi32>
      %select_n3A_525 = arith.select %lt3A_521, %add3A_524, %xor3A_518 : vector<16xi1>, vector<16xi32>
      %broadcast_in_dim3A_526 = vector.shape_cast %select_n3A_525 : vector<16xi32> to vector<16x1xi32>
      %gather3A_527 = vector.shape_cast %broadcast_in_dim3A_526 : vector<16x1xi32> to vector<16xi32>
      %gather3A_528 = tpu.dynamic_gather %min3A_143[%gather3A_527] in [0] : vector<16xf32>, vector<16xi32> -> vector<16xf32>
      %min3A_529 = arith.minimumf %min3A_143, %gather3A_528 : vector<16xf32>
      %xor3A_530 = arith.constant 2 : i32
      %xor3A_531 = vector.broadcast %xor3A_530 : i32 to vector<16xi32>
      %xor3A_532 = arith.xori %iota3A, %xor3A_531 : vector<16xi32>
      %lt3A_533 = arith.constant 0 : i32
      %lt3A_534 = vector.broadcast %lt3A_533 : i32 to vector<16xi32>
      %lt3A_535 = arith.cmpi slt, %xor3A_532, %lt3A_534 : vector<16xi32>
      %add3A_536 = arith.constant 16 : i32
      %add3A_537 = vector.broadcast %add3A_536 : i32 to vector<16xi32>
      %add3A_538 = arith.addi %xor3A_532, %add3A_537 : vector<16xi32>
      %select_n3A_539 = arith.select %lt3A_535, %add3A_538, %xor3A_532 : vector<16xi1>, vector<16xi32>
      %broadcast_in_dim3A_540 = vector.shape_cast %select_n3A_539 : vector<16xi32> to vector<16x1xi32>
      %gather3A_541 = vector.shape_cast %broadcast_in_dim3A_540 : vector<16x1xi32> to vector<16xi32>
      %gather3A_542 = tpu.dynamic_gather %min3A_529[%gather3A_541] in [0] : vector<16xf32>, vector<16xi32> -> vector<16xf32>
      %min3A_543 = arith.minimumf %min3A_529, %gather3A_542 : vector<16xf32>
      %xor3A_544 = arith.constant 4 : i32
      %xor3A_545 = vector.broadcast %xor3A_544 : i32 to vector<16xi32>
      %xor3A_546 = arith.xori %iota3A, %xor3A_545 : vector<16xi32>
      %lt3A_547 = arith.constant 0 : i32
      %lt3A_548 = vector.broadcast %lt3A_547 : i32 to vector<16xi32>
      %lt3A_549 = arith.cmpi slt, %xor3A_546, %lt3A_548 : vector<16xi32>
      %add3A_550 = arith.constant 16 : i32
      %add3A_551 = vector.broadcast %add3A_550 : i32 to vector<16xi32>
      %add3A_552 = arith.addi %xor3A_546, %add3A_551 : vector<16xi32>
      %select_n3A_553 = arith.select %lt3A_549, %add3A_552, %xor3A_546 : vector<16xi1>, vector<16xi32>
      %broadcast_in_dim3A_554 = vector.shape_cast %select_n3A_553 : vector<16xi32> to vector<16x1xi32>
      %gather3A_555 = vector.shape_cast %broadcast_in_dim3A_554 : vector<16x1xi32> to vector<16xi32>
      %gather3A_556 = tpu.dynamic_gather %min3A_543[%gather3A_555] in [0] : vector<16xf32>, vector<16xi32> -> vector<16xf32>
      %min3A_557 = arith.minimumf %min3A_543, %gather3A_556 : vector<16xf32>
      %xor3A_558 = arith.constant 8 : i32
      %xor3A_559 = vector.broadcast %xor3A_558 : i32 to vector<16xi32>
      %xor3A_560 = arith.xori %iota3A, %xor3A_559 : vector<16xi32>
      %lt3A_561 = arith.constant 0 : i32
      %lt3A_562 = vector.broadcast %lt3A_561 : i32 to vector<16xi32>
      %lt3A_563 = arith.cmpi slt, %xor3A_560, %lt3A_562 : vector<16xi32>
      %add3A_564 = arith.constant 16 : i32
      %add3A_565 = vector.broadcast %add3A_564 : i32 to vector<16xi32>
      %add3A_566 = arith.addi %xor3A_560, %add3A_565 : vector<16xi32>
      %select_n3A_567 = arith.select %lt3A_563, %add3A_566, %xor3A_560 : vector<16xi1>, vector<16xi32>
      %broadcast_in_dim3A_568 = vector.shape_cast %select_n3A_567 : vector<16xi32> to vector<16x1xi32>
      %gather3A_569 = vector.shape_cast %broadcast_in_dim3A_568 : vector<16x1xi32> to vector<16xi32>
      %gather3A_570 = tpu.dynamic_gather %min3A_557[%gather3A_569] in [0] : vector<16xf32>, vector<16xi32> -> vector<16xf32>
      %min3A_571 = arith.minimumf %min3A_557, %gather3A_570 : vector<16xf32>
      %xor3A_572 = arith.constant 1 : i32
      %xor3A_573 = vector.broadcast %xor3A_572 : i32 to vector<16xi32>
      %xor3A_574 = arith.xori %iota3A, %xor3A_573 : vector<16xi32>
      %lt3A_575 = arith.constant 0 : i32
      %lt3A_576 = vector.broadcast %lt3A_575 : i32 to vector<16xi32>
      %lt3A_577 = arith.cmpi slt, %xor3A_574, %lt3A_576 : vector<16xi32>
      %add3A_578 = arith.constant 16 : i32
      %add3A_579 = vector.broadcast %add3A_578 : i32 to vector<16xi32>
      %add3A_580 = arith.addi %xor3A_574, %add3A_579 : vector<16xi32>
      %select_n3A_581 = arith.select %lt3A_577, %add3A_580, %xor3A_574 : vector<16xi1>, vector<16xi32>
      %broadcast_in_dim3A_582 = vector.shape_cast %select_n3A_581 : vector<16xi32> to vector<16x1xi32>
      %gather3A_583 = vector.shape_cast %broadcast_in_dim3A_582 : vector<16x1xi32> to vector<16xi32>
      %gather3A_584 = tpu.dynamic_gather %min3A_196[%gather3A_583] in [0] : vector<16xf32>, vector<16xi32> -> vector<16xf32>
      %min3A_585 = arith.minimumf %min3A_196, %gather3A_584 : vector<16xf32>
      %xor3A_586 = arith.constant 2 : i32
      %xor3A_587 = vector.broadcast %xor3A_586 : i32 to vector<16xi32>
      %xor3A_588 = arith.xori %iota3A, %xor3A_587 : vector<16xi32>
      %lt3A_589 = arith.constant 0 : i32
      %lt3A_590 = vector.broadcast %lt3A_589 : i32 to vector<16xi32>
      %lt3A_591 = arith.cmpi slt, %xor3A_588, %lt3A_590 : vector<16xi32>
      %add3A_592 = arith.constant 16 : i32
      %add3A_593 = vector.broadcast %add3A_592 : i32 to vector<16xi32>
      %add3A_594 = arith.addi %xor3A_588, %add3A_593 : vector<16xi32>
      %select_n3A_595 = arith.select %lt3A_591, %add3A_594, %xor3A_588 : vector<16xi1>, vector<16xi32>
      %broadcast_in_dim3A_596 = vector.shape_cast %select_n3A_595 : vector<16xi32> to vector<16x1xi32>
      %gather3A_597 = vector.shape_cast %broadcast_in_dim3A_596 : vector<16x1xi32> to vector<16xi32>
      %gather3A_598 = tpu.dynamic_gather %min3A_585[%gather3A_597] in [0] : vector<16xf32>, vector<16xi32> -> vector<16xf32>
      %min3A_599 = arith.minimumf %min3A_585, %gather3A_598 : vector<16xf32>
      %xor3A_600 = arith.constant 4 : i32
      %xor3A_601 = vector.broadcast %xor3A_600 : i32 to vector<16xi32>
      %xor3A_602 = arith.xori %iota3A, %xor3A_601 : vector<16xi32>
      %lt3A_603 = arith.constant 0 : i32
      %lt3A_604 = vector.broadcast %lt3A_603 : i32 to vector<16xi32>
      %lt3A_605 = arith.cmpi slt, %xor3A_602, %lt3A_604 : vector<16xi32>
      %add3A_606 = arith.constant 16 : i32
      %add3A_607 = vector.broadcast %add3A_606 : i32 to vector<16xi32>
      %add3A_608 = arith.addi %xor3A_602, %add3A_607 : vector<16xi32>
      %select_n3A_609 = arith.select %lt3A_605, %add3A_608, %xor3A_602 : vector<16xi1>, vector<16xi32>
      %broadcast_in_dim3A_610 = vector.shape_cast %select_n3A_609 : vector<16xi32> to vector<16x1xi32>
      %gather3A_611 = vector.shape_cast %broadcast_in_dim3A_610 : vector<16x1xi32> to vector<16xi32>
      %gather3A_612 = tpu.dynamic_gather %min3A_599[%gather3A_611] in [0] : vector<16xf32>, vector<16xi32> -> vector<16xf32>
      %min3A_613 = arith.minimumf %min3A_599, %gather3A_612 : vector<16xf32>
      %xor3A_614 = arith.constant 8 : i32
      %xor3A_615 = vector.broadcast %xor3A_614 : i32 to vector<16xi32>
      %xor3A_616 = arith.xori %iota3A, %xor3A_615 : vector<16xi32>
      %lt3A_617 = arith.constant 0 : i32
      %lt3A_618 = vector.broadcast %lt3A_617 : i32 to vector<16xi32>
      %lt3A_619 = arith.cmpi slt, %xor3A_616, %lt3A_618 : vector<16xi32>
      %add3A_620 = arith.constant 16 : i32
      %add3A_621 = vector.broadcast %add3A_620 : i32 to vector<16xi32>
      %add3A_622 = arith.addi %xor3A_616, %add3A_621 : vector<16xi32>
      %select_n3A_623 = arith.select %lt3A_619, %add3A_622, %xor3A_616 : vector<16xi1>, vector<16xi32>
      %broadcast_in_dim3A_624 = vector.shape_cast %select_n3A_623 : vector<16xi32> to vector<16x1xi32>
      %gather3A_625 = vector.shape_cast %broadcast_in_dim3A_624 : vector<16x1xi32> to vector<16xi32>
      %gather3A_626 = tpu.dynamic_gather %min3A_613[%gather3A_625] in [0] : vector<16xf32>, vector<16xi32> -> vector<16xf32>
      %min3A_627 = arith.minimumf %min3A_613, %gather3A_626 : vector<16xf32>
      %xor3A_628 = arith.constant 1 : i32
      %xor3A_629 = vector.broadcast %xor3A_628 : i32 to vector<16xi32>
      %xor3A_630 = arith.xori %iota3A, %xor3A_629 : vector<16xi32>
      %lt3A_631 = arith.constant 0 : i32
      %lt3A_632 = vector.broadcast %lt3A_631 : i32 to vector<16xi32>
      %lt3A_633 = arith.cmpi slt, %xor3A_630, %lt3A_632 : vector<16xi32>
      %add3A_634 = arith.constant 16 : i32
      %add3A_635 = vector.broadcast %add3A_634 : i32 to vector<16xi32>
      %add3A_636 = arith.addi %xor3A_630, %add3A_635 : vector<16xi32>
      %select_n3A_637 = arith.select %lt3A_633, %add3A_636, %xor3A_630 : vector<16xi1>, vector<16xi32>
      %broadcast_in_dim3A_638 = vector.shape_cast %select_n3A_637 : vector<16xi32> to vector<16x1xi32>
      %gather3A_639 = vector.shape_cast %broadcast_in_dim3A_638 : vector<16x1xi32> to vector<16xi32>
      %gather3A_640 = tpu.dynamic_gather %min3A_249[%gather3A_639] in [0] : vector<16xf32>, vector<16xi32> -> vector<16xf32>
      %min3A_641 = arith.minimumf %min3A_249, %gather3A_640 : vector<16xf32>
      %xor3A_642 = arith.constant 2 : i32
      %xor3A_643 = vector.broadcast %xor3A_642 : i32 to vector<16xi32>
      %xor3A_644 = arith.xori %iota3A, %xor3A_643 : vector<16xi32>
      %lt3A_645 = arith.constant 0 : i32
      %lt3A_646 = vector.broadcast %lt3A_645 : i32 to vector<16xi32>
      %lt3A_647 = arith.cmpi slt, %xor3A_644, %lt3A_646 : vector<16xi32>
      %add3A_648 = arith.constant 16 : i32
      %add3A_649 = vector.broadcast %add3A_648 : i32 to vector<16xi32>
      %add3A_650 = arith.addi %xor3A_644, %add3A_649 : vector<16xi32>
      %select_n3A_651 = arith.select %lt3A_647, %add3A_650, %xor3A_644 : vector<16xi1>, vector<16xi32>
      %broadcast_in_dim3A_652 = vector.shape_cast %select_n3A_651 : vector<16xi32> to vector<16x1xi32>
      %gather3A_653 = vector.shape_cast %broadcast_in_dim3A_652 : vector<16x1xi32> to vector<16xi32>
      %gather3A_654 = tpu.dynamic_gather %min3A_641[%gather3A_653] in [0] : vector<16xf32>, vector<16xi32> -> vector<16xf32>
      %min3A_655 = arith.minimumf %min3A_641, %gather3A_654 : vector<16xf32>
      %xor3A_656 = arith.constant 4 : i32
      %xor3A_657 = vector.broadcast %xor3A_656 : i32 to vector<16xi32>
      %xor3A_658 = arith.xori %iota3A, %xor3A_657 : vector<16xi32>
      %lt3A_659 = arith.constant 0 : i32
      %lt3A_660 = vector.broadcast %lt3A_659 : i32 to vector<16xi32>
      %lt3A_661 = arith.cmpi slt, %xor3A_658, %lt3A_660 : vector<16xi32>
      %add3A_662 = arith.constant 16 : i32
      %add3A_663 = vector.broadcast %add3A_662 : i32 to vector<16xi32>
      %add3A_664 = arith.addi %xor3A_658, %add3A_663 : vector<16xi32>
      %select_n3A_665 = arith.select %lt3A_661, %add3A_664, %xor3A_658 : vector<16xi1>, vector<16xi32>
      %broadcast_in_dim3A_666 = vector.shape_cast %select_n3A_665 : vector<16xi32> to vector<16x1xi32>
      %gather3A_667 = vector.shape_cast %broadcast_in_dim3A_666 : vector<16x1xi32> to vector<16xi32>
      %gather3A_668 = tpu.dynamic_gather %min3A_655[%gather3A_667] in [0] : vector<16xf32>, vector<16xi32> -> vector<16xf32>
      %min3A_669 = arith.minimumf %min3A_655, %gather3A_668 : vector<16xf32>
      %xor3A_670 = arith.constant 8 : i32
      %xor3A_671 = vector.broadcast %xor3A_670 : i32 to vector<16xi32>
      %xor3A_672 = arith.xori %iota3A, %xor3A_671 : vector<16xi32>
      %lt3A_673 = arith.constant 0 : i32
      %lt3A_674 = vector.broadcast %lt3A_673 : i32 to vector<16xi32>
      %lt3A_675 = arith.cmpi slt, %xor3A_672, %lt3A_674 : vector<16xi32>
      %add3A_676 = arith.constant 16 : i32
      %add3A_677 = vector.broadcast %add3A_676 : i32 to vector<16xi32>
      %add3A_678 = arith.addi %xor3A_672, %add3A_677 : vector<16xi32>
      %select_n3A_679 = arith.select %lt3A_675, %add3A_678, %xor3A_672 : vector<16xi1>, vector<16xi32>
      %broadcast_in_dim3A_680 = vector.shape_cast %select_n3A_679 : vector<16xi32> to vector<16x1xi32>
      %gather3A_681 = vector.shape_cast %broadcast_in_dim3A_680 : vector<16x1xi32> to vector<16xi32>
      %gather3A_682 = tpu.dynamic_gather %min3A_669[%gather3A_681] in [0] : vector<16xf32>, vector<16xi32> -> vector<16xf32>
      %min3A_683 = arith.minimumf %min3A_669, %gather3A_682 : vector<16xf32>
      %xor3A_684 = arith.constant 1 : i32
      %xor3A_685 = vector.broadcast %xor3A_684 : i32 to vector<16xi32>
      %xor3A_686 = arith.xori %iota3A, %xor3A_685 : vector<16xi32>
      %lt3A_687 = arith.constant 0 : i32
      %lt3A_688 = vector.broadcast %lt3A_687 : i32 to vector<16xi32>
      %lt3A_689 = arith.cmpi slt, %xor3A_686, %lt3A_688 : vector<16xi32>
      %add3A_690 = arith.constant 16 : i32
      %add3A_691 = vector.broadcast %add3A_690 : i32 to vector<16xi32>
      %add3A_692 = arith.addi %xor3A_686, %add3A_691 : vector<16xi32>
      %select_n3A_693 = arith.select %lt3A_689, %add3A_692, %xor3A_686 : vector<16xi1>, vector<16xi32>
      %broadcast_in_dim3A_694 = vector.shape_cast %select_n3A_693 : vector<16xi32> to vector<16x1xi32>
      %gather3A_695 = vector.shape_cast %broadcast_in_dim3A_694 : vector<16x1xi32> to vector<16xi32>
      %gather3A_696 = tpu.dynamic_gather %min3A_302[%gather3A_695] in [0] : vector<16xf32>, vector<16xi32> -> vector<16xf32>
      %min3A_697 = arith.minimumf %min3A_302, %gather3A_696 : vector<16xf32>
      %xor3A_698 = arith.constant 2 : i32
      %xor3A_699 = vector.broadcast %xor3A_698 : i32 to vector<16xi32>
      %xor3A_700 = arith.xori %iota3A, %xor3A_699 : vector<16xi32>
      %lt3A_701 = arith.constant 0 : i32
      %lt3A_702 = vector.broadcast %lt3A_701 : i32 to vector<16xi32>
      %lt3A_703 = arith.cmpi slt, %xor3A_700, %lt3A_702 : vector<16xi32>
      %add3A_704 = arith.constant 16 : i32
      %add3A_705 = vector.broadcast %add3A_704 : i32 to vector<16xi32>
      %add3A_706 = arith.addi %xor3A_700, %add3A_705 : vector<16xi32>
      %select_n3A_707 = arith.select %lt3A_703, %add3A_706, %xor3A_700 : vector<16xi1>, vector<16xi32>
      %broadcast_in_dim3A_708 = vector.shape_cast %select_n3A_707 : vector<16xi32> to vector<16x1xi32>
      %gather3A_709 = vector.shape_cast %broadcast_in_dim3A_708 : vector<16x1xi32> to vector<16xi32>
      %gather3A_710 = tpu.dynamic_gather %min3A_697[%gather3A_709] in [0] : vector<16xf32>, vector<16xi32> -> vector<16xf32>
      %min3A_711 = arith.minimumf %min3A_697, %gather3A_710 : vector<16xf32>
      %xor3A_712 = arith.constant 4 : i32
      %xor3A_713 = vector.broadcast %xor3A_712 : i32 to vector<16xi32>
      %xor3A_714 = arith.xori %iota3A, %xor3A_713 : vector<16xi32>
      %lt3A_715 = arith.constant 0 : i32
      %lt3A_716 = vector.broadcast %lt3A_715 : i32 to vector<16xi32>
      %lt3A_717 = arith.cmpi slt, %xor3A_714, %lt3A_716 : vector<16xi32>
      %add3A_718 = arith.constant 16 : i32
      %add3A_719 = vector.broadcast %add3A_718 : i32 to vector<16xi32>
      %add3A_720 = arith.addi %xor3A_714, %add3A_719 : vector<16xi32>
      %select_n3A_721 = arith.select %lt3A_717, %add3A_720, %xor3A_714 : vector<16xi1>, vector<16xi32>
      %broadcast_in_dim3A_722 = vector.shape_cast %select_n3A_721 : vector<16xi32> to vector<16x1xi32>
      %gather3A_723 = vector.shape_cast %broadcast_in_dim3A_722 : vector<16x1xi32> to vector<16xi32>
      %gather3A_724 = tpu.dynamic_gather %min3A_711[%gather3A_723] in [0] : vector<16xf32>, vector<16xi32> -> vector<16xf32>
      %min3A_725 = arith.minimumf %min3A_711, %gather3A_724 : vector<16xf32>
      %xor3A_726 = arith.constant 8 : i32
      %xor3A_727 = vector.broadcast %xor3A_726 : i32 to vector<16xi32>
      %xor3A_728 = arith.xori %iota3A, %xor3A_727 : vector<16xi32>
      %lt3A_729 = arith.constant 0 : i32
      %lt3A_730 = vector.broadcast %lt3A_729 : i32 to vector<16xi32>
      %lt3A_731 = arith.cmpi slt, %xor3A_728, %lt3A_730 : vector<16xi32>
      %add3A_732 = arith.constant 16 : i32
      %add3A_733 = vector.broadcast %add3A_732 : i32 to vector<16xi32>
      %add3A_734 = arith.addi %xor3A_728, %add3A_733 : vector<16xi32>
      %select_n3A_735 = arith.select %lt3A_731, %add3A_734, %xor3A_728 : vector<16xi1>, vector<16xi32>
      %broadcast_in_dim3A_736 = vector.shape_cast %select_n3A_735 : vector<16xi32> to vector<16x1xi32>
      %gather3A_737 = vector.shape_cast %broadcast_in_dim3A_736 : vector<16x1xi32> to vector<16xi32>
      %gather3A_738 = tpu.dynamic_gather %min3A_725[%gather3A_737] in [0] : vector<16xf32>, vector<16xi32> -> vector<16xf32>
      %min3A_739 = arith.minimumf %min3A_725, %gather3A_738 : vector<16xf32>
      %xor3A_740 = arith.constant 1 : i32
      %xor3A_741 = vector.broadcast %xor3A_740 : i32 to vector<16xi32>
      %xor3A_742 = arith.xori %iota3A, %xor3A_741 : vector<16xi32>
      %lt3A_743 = arith.constant 0 : i32
      %lt3A_744 = vector.broadcast %lt3A_743 : i32 to vector<16xi32>
      %lt3A_745 = arith.cmpi slt, %xor3A_742, %lt3A_744 : vector<16xi32>
      %add3A_746 = arith.constant 16 : i32
      %add3A_747 = vector.broadcast %add3A_746 : i32 to vector<16xi32>
      %add3A_748 = arith.addi %xor3A_742, %add3A_747 : vector<16xi32>
      %select_n3A_749 = arith.select %lt3A_745, %add3A_748, %xor3A_742 : vector<16xi1>, vector<16xi32>
      %broadcast_in_dim3A_750 = vector.shape_cast %select_n3A_749 : vector<16xi32> to vector<16x1xi32>
      %gather3A_751 = vector.shape_cast %broadcast_in_dim3A_750 : vector<16x1xi32> to vector<16xi32>
      %gather3A_752 = tpu.dynamic_gather %min3A_355[%gather3A_751] in [0] : vector<16xf32>, vector<16xi32> -> vector<16xf32>
      %min3A_753 = arith.minimumf %min3A_355, %gather3A_752 : vector<16xf32>
      %xor3A_754 = arith.constant 2 : i32
      %xor3A_755 = vector.broadcast %xor3A_754 : i32 to vector<16xi32>
      %xor3A_756 = arith.xori %iota3A, %xor3A_755 : vector<16xi32>
      %lt3A_757 = arith.constant 0 : i32
      %lt3A_758 = vector.broadcast %lt3A_757 : i32 to vector<16xi32>
      %lt3A_759 = arith.cmpi slt, %xor3A_756, %lt3A_758 : vector<16xi32>
      %add3A_760 = arith.constant 16 : i32
      %add3A_761 = vector.broadcast %add3A_760 : i32 to vector<16xi32>
      %add3A_762 = arith.addi %xor3A_756, %add3A_761 : vector<16xi32>
      %select_n3A_763 = arith.select %lt3A_759, %add3A_762, %xor3A_756 : vector<16xi1>, vector<16xi32>
      %broadcast_in_dim3A_764 = vector.shape_cast %select_n3A_763 : vector<16xi32> to vector<16x1xi32>
      %gather3A_765 = vector.shape_cast %broadcast_in_dim3A_764 : vector<16x1xi32> to vector<16xi32>
      %gather3A_766 = tpu.dynamic_gather %min3A_753[%gather3A_765] in [0] : vector<16xf32>, vector<16xi32> -> vector<16xf32>
      %min3A_767 = arith.minimumf %min3A_753, %gather3A_766 : vector<16xf32>
      %xor3A_768 = arith.constant 4 : i32
      %xor3A_769 = vector.broadcast %xor3A_768 : i32 to vector<16xi32>
      %xor3A_770 = arith.xori %iota3A, %xor3A_769 : vector<16xi32>
      %lt3A_771 = arith.constant 0 : i32
      %lt3A_772 = vector.broadcast %lt3A_771 : i32 to vector<16xi32>
      %lt3A_773 = arith.cmpi slt, %xor3A_770, %lt3A_772 : vector<16xi32>
      %add3A_774 = arith.constant 16 : i32
      %add3A_775 = vector.broadcast %add3A_774 : i32 to vector<16xi32>
      %add3A_776 = arith.addi %xor3A_770, %add3A_775 : vector<16xi32>
      %select_n3A_777 = arith.select %lt3A_773, %add3A_776, %xor3A_770 : vector<16xi1>, vector<16xi32>
      %broadcast_in_dim3A_778 = vector.shape_cast %select_n3A_777 : vector<16xi32> to vector<16x1xi32>
      %gather3A_779 = vector.shape_cast %broadcast_in_dim3A_778 : vector<16x1xi32> to vector<16xi32>
      %gather3A_780 = tpu.dynamic_gather %min3A_767[%gather3A_779] in [0] : vector<16xf32>, vector<16xi32> -> vector<16xf32>
      %min3A_781 = arith.minimumf %min3A_767, %gather3A_780 : vector<16xf32>
      %xor3A_782 = arith.constant 8 : i32
      %xor3A_783 = vector.broadcast %xor3A_782 : i32 to vector<16xi32>
      %xor3A_784 = arith.xori %iota3A, %xor3A_783 : vector<16xi32>
      %lt3A_785 = arith.constant 0 : i32
      %lt3A_786 = vector.broadcast %lt3A_785 : i32 to vector<16xi32>
      %lt3A_787 = arith.cmpi slt, %xor3A_784, %lt3A_786 : vector<16xi32>
      %add3A_788 = arith.constant 16 : i32
      %add3A_789 = vector.broadcast %add3A_788 : i32 to vector<16xi32>
      %add3A_790 = arith.addi %xor3A_784, %add3A_789 : vector<16xi32>
      %select_n3A_791 = arith.select %lt3A_787, %add3A_790, %xor3A_784 : vector<16xi1>, vector<16xi32>
      %broadcast_in_dim3A_792 = vector.shape_cast %select_n3A_791 : vector<16xi32> to vector<16x1xi32>
      %gather3A_793 = vector.shape_cast %broadcast_in_dim3A_792 : vector<16x1xi32> to vector<16xi32>
      %gather3A_794 = tpu.dynamic_gather %min3A_781[%gather3A_793] in [0] : vector<16xf32>, vector<16xi32> -> vector<16xf32>
      %min3A_795 = arith.minimumf %min3A_781, %gather3A_794 : vector<16xf32>
      %xor3A_796 = arith.constant 1 : i32
      %xor3A_797 = vector.broadcast %xor3A_796 : i32 to vector<16xi32>
      %xor3A_798 = arith.xori %iota3A, %xor3A_797 : vector<16xi32>
      %lt3A_799 = arith.constant 0 : i32
      %lt3A_800 = vector.broadcast %lt3A_799 : i32 to vector<16xi32>
      %lt3A_801 = arith.cmpi slt, %xor3A_798, %lt3A_800 : vector<16xi32>
      %add3A_802 = arith.constant 16 : i32
      %add3A_803 = vector.broadcast %add3A_802 : i32 to vector<16xi32>
      %add3A_804 = arith.addi %xor3A_798, %add3A_803 : vector<16xi32>
      %select_n3A_805 = arith.select %lt3A_801, %add3A_804, %xor3A_798 : vector<16xi1>, vector<16xi32>
      %broadcast_in_dim3A_806 = vector.shape_cast %select_n3A_805 : vector<16xi32> to vector<16x1xi32>
      %gather3A_807 = vector.shape_cast %broadcast_in_dim3A_806 : vector<16x1xi32> to vector<16xi32>
      %gather3A_808 = tpu.dynamic_gather %min3A_408[%gather3A_807] in [0] : vector<16xf32>, vector<16xi32> -> vector<16xf32>
      %min3A_809 = arith.minimumf %min3A_408, %gather3A_808 : vector<16xf32>
      %xor3A_810 = arith.constant 2 : i32
      %xor3A_811 = vector.broadcast %xor3A_810 : i32 to vector<16xi32>
      %xor3A_812 = arith.xori %iota3A, %xor3A_811 : vector<16xi32>
      %lt3A_813 = arith.constant 0 : i32
      %lt3A_814 = vector.broadcast %lt3A_813 : i32 to vector<16xi32>
      %lt3A_815 = arith.cmpi slt, %xor3A_812, %lt3A_814 : vector<16xi32>
      %add3A_816 = arith.constant 16 : i32
      %add3A_817 = vector.broadcast %add3A_816 : i32 to vector<16xi32>
      %add3A_818 = arith.addi %xor3A_812, %add3A_817 : vector<16xi32>
      %select_n3A_819 = arith.select %lt3A_815, %add3A_818, %xor3A_812 : vector<16xi1>, vector<16xi32>
      %broadcast_in_dim3A_820 = vector.shape_cast %select_n3A_819 : vector<16xi32> to vector<16x1xi32>
      %gather3A_821 = vector.shape_cast %broadcast_in_dim3A_820 : vector<16x1xi32> to vector<16xi32>
      %gather3A_822 = tpu.dynamic_gather %min3A_809[%gather3A_821] in [0] : vector<16xf32>, vector<16xi32> -> vector<16xf32>
      %min3A_823 = arith.minimumf %min3A_809, %gather3A_822 : vector<16xf32>
      %xor3A_824 = arith.constant 4 : i32
      %xor3A_825 = vector.broadcast %xor3A_824 : i32 to vector<16xi32>
      %xor3A_826 = arith.xori %iota3A, %xor3A_825 : vector<16xi32>
      %lt3A_827 = arith.constant 0 : i32
      %lt3A_828 = vector.broadcast %lt3A_827 : i32 to vector<16xi32>
      %lt3A_829 = arith.cmpi slt, %xor3A_826, %lt3A_828 : vector<16xi32>
      %add3A_830 = arith.constant 16 : i32
      %add3A_831 = vector.broadcast %add3A_830 : i32 to vector<16xi32>
      %add3A_832 = arith.addi %xor3A_826, %add3A_831 : vector<16xi32>
      %select_n3A_833 = arith.select %lt3A_829, %add3A_832, %xor3A_826 : vector<16xi1>, vector<16xi32>
      %broadcast_in_dim3A_834 = vector.shape_cast %select_n3A_833 : vector<16xi32> to vector<16x1xi32>
      %gather3A_835 = vector.shape_cast %broadcast_in_dim3A_834 : vector<16x1xi32> to vector<16xi32>
      %gather3A_836 = tpu.dynamic_gather %min3A_823[%gather3A_835] in [0] : vector<16xf32>, vector<16xi32> -> vector<16xf32>
      %min3A_837 = arith.minimumf %min3A_823, %gather3A_836 : vector<16xf32>
      %xor3A_838 = arith.constant 8 : i32
      %xor3A_839 = vector.broadcast %xor3A_838 : i32 to vector<16xi32>
      %xor3A_840 = arith.xori %iota3A, %xor3A_839 : vector<16xi32>
      %lt3A_841 = arith.constant 0 : i32
      %lt3A_842 = vector.broadcast %lt3A_841 : i32 to vector<16xi32>
      %lt3A_843 = arith.cmpi slt, %xor3A_840, %lt3A_842 : vector<16xi32>
      %add3A_844 = arith.constant 16 : i32
      %add3A_845 = vector.broadcast %add3A_844 : i32 to vector<16xi32>
      %add3A_846 = arith.addi %xor3A_840, %add3A_845 : vector<16xi32>
      %select_n3A_847 = arith.select %lt3A_843, %add3A_846, %xor3A_840 : vector<16xi1>, vector<16xi32>
      %broadcast_in_dim3A_848 = vector.shape_cast %select_n3A_847 : vector<16xi32> to vector<16x1xi32>
      %gather3A_849 = vector.shape_cast %broadcast_in_dim3A_848 : vector<16x1xi32> to vector<16xi32>
      %gather3A_850 = tpu.dynamic_gather %min3A_837[%gather3A_849] in [0] : vector<16xf32>, vector<16xi32> -> vector<16xf32>
      %min3A_851 = arith.minimumf %min3A_837, %gather3A_850 : vector<16xf32>
      %xor3A_852 = arith.constant 1 : i32
      %xor3A_853 = vector.broadcast %xor3A_852 : i32 to vector<16xi32>
      %xor3A_854 = arith.xori %iota3A, %xor3A_853 : vector<16xi32>
      %lt3A_855 = arith.constant 0 : i32
      %lt3A_856 = vector.broadcast %lt3A_855 : i32 to vector<16xi32>
      %lt3A_857 = arith.cmpi slt, %xor3A_854, %lt3A_856 : vector<16xi32>
      %add3A_858 = arith.constant 16 : i32
      %add3A_859 = vector.broadcast %add3A_858 : i32 to vector<16xi32>
      %add3A_860 = arith.addi %xor3A_854, %add3A_859 : vector<16xi32>
      %select_n3A_861 = arith.select %lt3A_857, %add3A_860, %xor3A_854 : vector<16xi1>, vector<16xi32>
      %broadcast_in_dim3A_862 = vector.shape_cast %select_n3A_861 : vector<16xi32> to vector<16x1xi32>
      %gather3A_863 = vector.shape_cast %broadcast_in_dim3A_862 : vector<16x1xi32> to vector<16xi32>
      %gather3A_864 = tpu.dynamic_gather %min3A_461[%gather3A_863] in [0] : vector<16xf32>, vector<16xi32> -> vector<16xf32>
      %min3A_865 = arith.minimumf %min3A_461, %gather3A_864 : vector<16xf32>
      %xor3A_866 = arith.constant 2 : i32
      %xor3A_867 = vector.broadcast %xor3A_866 : i32 to vector<16xi32>
      %xor3A_868 = arith.xori %iota3A, %xor3A_867 : vector<16xi32>
      %lt3A_869 = arith.constant 0 : i32
      %lt3A_870 = vector.broadcast %lt3A_869 : i32 to vector<16xi32>
      %lt3A_871 = arith.cmpi slt, %xor3A_868, %lt3A_870 : vector<16xi32>
      %add3A_872 = arith.constant 16 : i32
      %add3A_873 = vector.broadcast %add3A_872 : i32 to vector<16xi32>
      %add3A_874 = arith.addi %xor3A_868, %add3A_873 : vector<16xi32>
      %select_n3A_875 = arith.select %lt3A_871, %add3A_874, %xor3A_868 : vector<16xi1>, vector<16xi32>
      %broadcast_in_dim3A_876 = vector.shape_cast %select_n3A_875 : vector<16xi32> to vector<16x1xi32>
      %gather3A_877 = vector.shape_cast %broadcast_in_dim3A_876 : vector<16x1xi32> to vector<16xi32>
      %gather3A_878 = tpu.dynamic_gather %min3A_865[%gather3A_877] in [0] : vector<16xf32>, vector<16xi32> -> vector<16xf32>
      %min3A_879 = arith.minimumf %min3A_865, %gather3A_878 : vector<16xf32>
      %xor3A_880 = arith.constant 4 : i32
      %xor3A_881 = vector.broadcast %xor3A_880 : i32 to vector<16xi32>
      %xor3A_882 = arith.xori %iota3A, %xor3A_881 : vector<16xi32>
      %lt3A_883 = arith.constant 0 : i32
      %lt3A_884 = vector.broadcast %lt3A_883 : i32 to vector<16xi32>
      %lt3A_885 = arith.cmpi slt, %xor3A_882, %lt3A_884 : vector<16xi32>
      %add3A_886 = arith.constant 16 : i32
      %add3A_887 = vector.broadcast %add3A_886 : i32 to vector<16xi32>
      %add3A_888 = arith.addi %xor3A_882, %add3A_887 : vector<16xi32>
      %select_n3A_889 = arith.select %lt3A_885, %add3A_888, %xor3A_882 : vector<16xi1>, vector<16xi32>
      %broadcast_in_dim3A_890 = vector.shape_cast %select_n3A_889 : vector<16xi32> to vector<16x1xi32>
      %gather3A_891 = vector.shape_cast %broadcast_in_dim3A_890 : vector<16x1xi32> to vector<16xi32>
      %gather3A_892 = tpu.dynamic_gather %min3A_879[%gather3A_891] in [0] : vector<16xf32>, vector<16xi32> -> vector<16xf32>
      %min3A_893 = arith.minimumf %min3A_879, %gather3A_892 : vector<16xf32>
      %xor3A_894 = arith.constant 8 : i32
      %xor3A_895 = vector.broadcast %xor3A_894 : i32 to vector<16xi32>
      %xor3A_896 = arith.xori %iota3A, %xor3A_895 : vector<16xi32>
      %lt3A_897 = arith.constant 0 : i32
      %lt3A_898 = vector.broadcast %lt3A_897 : i32 to vector<16xi32>
      %lt3A_899 = arith.cmpi slt, %xor3A_896, %lt3A_898 : vector<16xi32>
      %add3A_900 = arith.constant 16 : i32
      %add3A_901 = vector.broadcast %add3A_900 : i32 to vector<16xi32>
      %add3A_902 = arith.addi %xor3A_896, %add3A_901 : vector<16xi32>
      %select_n3A_903 = arith.select %lt3A_899, %add3A_902, %xor3A_896 : vector<16xi1>, vector<16xi32>
      %broadcast_in_dim3A_904 = vector.shape_cast %select_n3A_903 : vector<16xi32> to vector<16x1xi32>
      %gather3A_905 = vector.shape_cast %broadcast_in_dim3A_904 : vector<16x1xi32> to vector<16xi32>
      %gather3A_906 = tpu.dynamic_gather %min3A_893[%gather3A_905] in [0] : vector<16xf32>, vector<16xi32> -> vector<16xf32>
      %min3A_907 = arith.minimumf %min3A_893, %gather3A_906 : vector<16xf32>
      %add3A_908 = arith.constant 0 : i32
      %add3A_909 = arith.addi %mul3A_40, %add3A_908 : i32
      %get3A_910 = arith.constant 0 : i32
      %get3A_911 = arith.index_cast %get3A_910 : i32 to index
      %get3A_912 = memref.load %arg11[%get3A_911] : memref<1xi32, #tpu.memory_space<smem>>
      %swap3A_913 = arith.index_cast %get3A_912 : i32 to index
      %swap3A_914 = memref.load %arg10[%swap3A_913] : memref<128xi32, #tpu.memory_space<smem>>
      memref.store %add3A_909, %arg10[%swap3A_913] : memref<128xi32, #tpu.memory_space<smem>>
      %lt3A_915 = arith.cmpf olt, %min3A_515, %get3A_11 : vector<16xf32>
      %jit3A = arith.constant 0 : i32
      %jit3A_916 = arith.constant 1 : i32
      %broadcast_in_dim3A_917 = vector.broadcast %jit3A : i32 to vector<16xi32>
      %broadcast_in_dim3A_918 = vector.broadcast %jit3A_916 : i32 to vector<16xi32>
      %select_n3A_919 = arith.select %lt3A_915, %broadcast_in_dim3A_917, %broadcast_in_dim3A_918 : vector<16xi1>, vector<16xi32>
      %slice3A = vector.extract_strided_slice %select_n3A_919 {offsets = [0], sizes = [1], strides = [1]} : vector<16xi32> to vector<1xi32>
      %reshape3A = vector.extract %slice3A[0] : i32 from vector<1xi32>
      %add3A_920 = arith.addi %get3A_912, %reshape3A : i32
      %swap3A_921 = arith.constant 0 : i32
      %swap3A_922 = arith.index_cast %swap3A_921 : i32 to index
      %swap3A_923 = memref.load %arg11[%swap3A_922] : memref<1xi32, #tpu.memory_space<smem>>
      memref.store %add3A_920, %arg11[%swap3A_922] : memref<1xi32, #tpu.memory_space<smem>>
      %add3A_924 = arith.constant 0 : i32
      %add3A_925 = arith.addi %mul3A_40, %add3A_924 : i32
      %rem3A = arith.constant 16 : i32
      %rem3A_926 = arith.remsi %add3A_925, %rem3A : i32
      %eq3A = vector.broadcast %rem3A_926 : i32 to vector<16xi32>
      %eq3A_927 = arith.cmpi eq, %iota3A, %eq3A : vector<16xi32>
      %lt3A_928 = arith.cmpf olt, %min3A_515, %get3A_11 : vector<16xf32>
      %select_n3A_929 = arith.select %lt3A_928, %min3A_515, %get3A_14 : vector<16xi1>, vector<16xf32>
      %select_n3A_930 = arith.select %eq3A_927, %select_n3A_929, %scan3A_38 : vector<16xi1>, vector<16xf32>
      %add3A_931 = arith.constant 1 : i32
      %add3A_932 = arith.addi %mul3A_40, %add3A_931 : i32
      %get3A_933 = arith.constant 0 : i32
      %get3A_934 = arith.index_cast %get3A_933 : i32 to index
      %get3A_935 = memref.load %arg11[%get3A_934] : memref<1xi32, #tpu.memory_space<smem>>
      %swap3A_936 = arith.index_cast %get3A_935 : i32 to index
      %swap3A_937 = memref.load %arg10[%swap3A_936] : memref<128xi32, #tpu.memory_space<smem>>
      memref.store %add3A_932, %arg10[%swap3A_936] : memref<128xi32, #tpu.memory_space<smem>>
      %lt3A_938 = arith.cmpf olt, %min3A_571, %get3A_11 : vector<16xf32>
      %jit3A_939 = arith.constant 0 : i32
      %jit3A_940 = arith.constant 1 : i32
      %broadcast_in_dim3A_941 = vector.broadcast %jit3A_939 : i32 to vector<16xi32>
      %broadcast_in_dim3A_942 = vector.broadcast %jit3A_940 : i32 to vector<16xi32>
      %select_n3A_943 = arith.select %lt3A_938, %broadcast_in_dim3A_941, %broadcast_in_dim3A_942 : vector<16xi1>, vector<16xi32>
      %slice3A_944 = vector.extract_strided_slice %select_n3A_943 {offsets = [0], sizes = [1], strides = [1]} : vector<16xi32> to vector<1xi32>
      %reshape3A_945 = vector.extract %slice3A_944[0] : i32 from vector<1xi32>
      %add3A_946 = arith.addi %get3A_935, %reshape3A_945 : i32
      %swap3A_947 = arith.constant 0 : i32
      %swap3A_948 = arith.index_cast %swap3A_947 : i32 to index
      %swap3A_949 = memref.load %arg11[%swap3A_948] : memref<1xi32, #tpu.memory_space<smem>>
      memref.store %add3A_946, %arg11[%swap3A_948] : memref<1xi32, #tpu.memory_space<smem>>
      %add3A_950 = arith.constant 1 : i32
      %add3A_951 = arith.addi %mul3A_40, %add3A_950 : i32
      %rem3A_952 = arith.constant 16 : i32
      %rem3A_953 = arith.remsi %add3A_951, %rem3A_952 : i32
      %eq3A_954 = vector.broadcast %rem3A_953 : i32 to vector<16xi32>
      %eq3A_955 = arith.cmpi eq, %iota3A, %eq3A_954 : vector<16xi32>
      %lt3A_956 = arith.cmpf olt, %min3A_571, %get3A_11 : vector<16xf32>
      %select_n3A_957 = arith.select %lt3A_956, %min3A_571, %get3A_14 : vector<16xi1>, vector<16xf32>
      %select_n3A_958 = arith.select %eq3A_955, %select_n3A_957, %select_n3A_930 : vector<16xi1>, vector<16xf32>
      %add3A_959 = arith.constant 2 : i32
      %add3A_960 = arith.addi %mul3A_40, %add3A_959 : i32
      %get3A_961 = arith.constant 0 : i32
      %get3A_962 = arith.index_cast %get3A_961 : i32 to index
      %get3A_963 = memref.load %arg11[%get3A_962] : memref<1xi32, #tpu.memory_space<smem>>
      %swap3A_964 = arith.index_cast %get3A_963 : i32 to index
      %swap3A_965 = memref.load %arg10[%swap3A_964] : memref<128xi32, #tpu.memory_space<smem>>
      memref.store %add3A_960, %arg10[%swap3A_964] : memref<128xi32, #tpu.memory_space<smem>>
      %lt3A_966 = arith.cmpf olt, %min3A_627, %get3A_11 : vector<16xf32>
      %jit3A_967 = arith.constant 0 : i32
      %jit3A_968 = arith.constant 1 : i32
      %broadcast_in_dim3A_969 = vector.broadcast %jit3A_967 : i32 to vector<16xi32>
      %broadcast_in_dim3A_970 = vector.broadcast %jit3A_968 : i32 to vector<16xi32>
      %select_n3A_971 = arith.select %lt3A_966, %broadcast_in_dim3A_969, %broadcast_in_dim3A_970 : vector<16xi1>, vector<16xi32>
      %slice3A_972 = vector.extract_strided_slice %select_n3A_971 {offsets = [0], sizes = [1], strides = [1]} : vector<16xi32> to vector<1xi32>
      %reshape3A_973 = vector.extract %slice3A_972[0] : i32 from vector<1xi32>
      %add3A_974 = arith.addi %get3A_963, %reshape3A_973 : i32
      %swap3A_975 = arith.constant 0 : i32
      %swap3A_976 = arith.index_cast %swap3A_975 : i32 to index
      %swap3A_977 = memref.load %arg11[%swap3A_976] : memref<1xi32, #tpu.memory_space<smem>>
      memref.store %add3A_974, %arg11[%swap3A_976] : memref<1xi32, #tpu.memory_space<smem>>
      %add3A_978 = arith.constant 2 : i32
      %add3A_979 = arith.addi %mul3A_40, %add3A_978 : i32
      %rem3A_980 = arith.constant 16 : i32
      %rem3A_981 = arith.remsi %add3A_979, %rem3A_980 : i32
      %eq3A_982 = vector.broadcast %rem3A_981 : i32 to vector<16xi32>
      %eq3A_983 = arith.cmpi eq, %iota3A, %eq3A_982 : vector<16xi32>
      %lt3A_984 = arith.cmpf olt, %min3A_627, %get3A_11 : vector<16xf32>
      %select_n3A_985 = arith.select %lt3A_984, %min3A_627, %get3A_14 : vector<16xi1>, vector<16xf32>
      %select_n3A_986 = arith.select %eq3A_983, %select_n3A_985, %select_n3A_958 : vector<16xi1>, vector<16xf32>
      %add3A_987 = arith.constant 3 : i32
      %add3A_988 = arith.addi %mul3A_40, %add3A_987 : i32
      %get3A_989 = arith.constant 0 : i32
      %get3A_990 = arith.index_cast %get3A_989 : i32 to index
      %get3A_991 = memref.load %arg11[%get3A_990] : memref<1xi32, #tpu.memory_space<smem>>
      %swap3A_992 = arith.index_cast %get3A_991 : i32 to index
      %swap3A_993 = memref.load %arg10[%swap3A_992] : memref<128xi32, #tpu.memory_space<smem>>
      memref.store %add3A_988, %arg10[%swap3A_992] : memref<128xi32, #tpu.memory_space<smem>>
      %lt3A_994 = arith.cmpf olt, %min3A_683, %get3A_11 : vector<16xf32>
      %jit3A_995 = arith.constant 0 : i32
      %jit3A_996 = arith.constant 1 : i32
      %broadcast_in_dim3A_997 = vector.broadcast %jit3A_995 : i32 to vector<16xi32>
      %broadcast_in_dim3A_998 = vector.broadcast %jit3A_996 : i32 to vector<16xi32>
      %select_n3A_999 = arith.select %lt3A_994, %broadcast_in_dim3A_997, %broadcast_in_dim3A_998 : vector<16xi1>, vector<16xi32>
      %slice3A_1000 = vector.extract_strided_slice %select_n3A_999 {offsets = [0], sizes = [1], strides = [1]} : vector<16xi32> to vector<1xi32>
      %reshape3A_1001 = vector.extract %slice3A_1000[0] : i32 from vector<1xi32>
      %add3A_1002 = arith.addi %get3A_991, %reshape3A_1001 : i32
      %swap3A_1003 = arith.constant 0 : i32
      %swap3A_1004 = arith.index_cast %swap3A_1003 : i32 to index
      %swap3A_1005 = memref.load %arg11[%swap3A_1004] : memref<1xi32, #tpu.memory_space<smem>>
      memref.store %add3A_1002, %arg11[%swap3A_1004] : memref<1xi32, #tpu.memory_space<smem>>
      %add3A_1006 = arith.constant 3 : i32
      %add3A_1007 = arith.addi %mul3A_40, %add3A_1006 : i32
      %rem3A_1008 = arith.constant 16 : i32
      %rem3A_1009 = arith.remsi %add3A_1007, %rem3A_1008 : i32
      %eq3A_1010 = vector.broadcast %rem3A_1009 : i32 to vector<16xi32>
      %eq3A_1011 = arith.cmpi eq, %iota3A, %eq3A_1010 : vector<16xi32>
      %lt3A_1012 = arith.cmpf olt, %min3A_683, %get3A_11 : vector<16xf32>
      %select_n3A_1013 = arith.select %lt3A_1012, %min3A_683, %get3A_14 : vector<16xi1>, vector<16xf32>
      %select_n3A_1014 = arith.select %eq3A_1011, %select_n3A_1013, %select_n3A_986 : vector<16xi1>, vector<16xf32>
      %add3A_1015 = arith.constant 4 : i32
      %add3A_1016 = arith.addi %mul3A_40, %add3A_1015 : i32
      %get3A_1017 = arith.constant 0 : i32
      %get3A_1018 = arith.index_cast %get3A_1017 : i32 to index
      %get3A_1019 = memref.load %arg11[%get3A_1018] : memref<1xi32, #tpu.memory_space<smem>>
      %swap3A_1020 = arith.index_cast %get3A_1019 : i32 to index
      %swap3A_1021 = memref.load %arg10[%swap3A_1020] : memref<128xi32, #tpu.memory_space<smem>>
      memref.store %add3A_1016, %arg10[%swap3A_1020] : memref<128xi32, #tpu.memory_space<smem>>
      %lt3A_1022 = arith.cmpf olt, %min3A_739, %get3A_11 : vector<16xf32>
      %jit3A_1023 = arith.constant 0 : i32
      %jit3A_1024 = arith.constant 1 : i32
      %broadcast_in_dim3A_1025 = vector.broadcast %jit3A_1023 : i32 to vector<16xi32>
      %broadcast_in_dim3A_1026 = vector.broadcast %jit3A_1024 : i32 to vector<16xi32>
      %select_n3A_1027 = arith.select %lt3A_1022, %broadcast_in_dim3A_1025, %broadcast_in_dim3A_1026 : vector<16xi1>, vector<16xi32>
      %slice3A_1028 = vector.extract_strided_slice %select_n3A_1027 {offsets = [0], sizes = [1], strides = [1]} : vector<16xi32> to vector<1xi32>
      %reshape3A_1029 = vector.extract %slice3A_1028[0] : i32 from vector<1xi32>
      %add3A_1030 = arith.addi %get3A_1019, %reshape3A_1029 : i32
      %swap3A_1031 = arith.constant 0 : i32
      %swap3A_1032 = arith.index_cast %swap3A_1031 : i32 to index
      %swap3A_1033 = memref.load %arg11[%swap3A_1032] : memref<1xi32, #tpu.memory_space<smem>>
      memref.store %add3A_1030, %arg11[%swap3A_1032] : memref<1xi32, #tpu.memory_space<smem>>
      %add3A_1034 = arith.constant 4 : i32
      %add3A_1035 = arith.addi %mul3A_40, %add3A_1034 : i32
      %rem3A_1036 = arith.constant 16 : i32
      %rem3A_1037 = arith.remsi %add3A_1035, %rem3A_1036 : i32
      %eq3A_1038 = vector.broadcast %rem3A_1037 : i32 to vector<16xi32>
      %eq3A_1039 = arith.cmpi eq, %iota3A, %eq3A_1038 : vector<16xi32>
      %lt3A_1040 = arith.cmpf olt, %min3A_739, %get3A_11 : vector<16xf32>
      %select_n3A_1041 = arith.select %lt3A_1040, %min3A_739, %get3A_14 : vector<16xi1>, vector<16xf32>
      %select_n3A_1042 = arith.select %eq3A_1039, %select_n3A_1041, %select_n3A_1014 : vector<16xi1>, vector<16xf32>
      %add3A_1043 = arith.constant 5 : i32
      %add3A_1044 = arith.addi %mul3A_40, %add3A_1043 : i32
      %get3A_1045 = arith.constant 0 : i32
      %get3A_1046 = arith.index_cast %get3A_1045 : i32 to index
      %get3A_1047 = memref.load %arg11[%get3A_1046] : memref<1xi32, #tpu.memory_space<smem>>
      %swap3A_1048 = arith.index_cast %get3A_1047 : i32 to index
      %swap3A_1049 = memref.load %arg10[%swap3A_1048] : memref<128xi32, #tpu.memory_space<smem>>
      memref.store %add3A_1044, %arg10[%swap3A_1048] : memref<128xi32, #tpu.memory_space<smem>>
      %lt3A_1050 = arith.cmpf olt, %min3A_795, %get3A_11 : vector<16xf32>
      %jit3A_1051 = arith.constant 0 : i32
      %jit3A_1052 = arith.constant 1 : i32
      %broadcast_in_dim3A_1053 = vector.broadcast %jit3A_1051 : i32 to vector<16xi32>
      %broadcast_in_dim3A_1054 = vector.broadcast %jit3A_1052 : i32 to vector<16xi32>
      %select_n3A_1055 = arith.select %lt3A_1050, %broadcast_in_dim3A_1053, %broadcast_in_dim3A_1054 : vector<16xi1>, vector<16xi32>
      %slice3A_1056 = vector.extract_strided_slice %select_n3A_1055 {offsets = [0], sizes = [1], strides = [1]} : vector<16xi32> to vector<1xi32>
      %reshape3A_1057 = vector.extract %slice3A_1056[0] : i32 from vector<1xi32>
      %add3A_1058 = arith.addi %get3A_1047, %reshape3A_1057 : i32
      %swap3A_1059 = arith.constant 0 : i32
      %swap3A_1060 = arith.index_cast %swap3A_1059 : i32 to index
      %swap3A_1061 = memref.load %arg11[%swap3A_1060] : memref<1xi32, #tpu.memory_space<smem>>
      memref.store %add3A_1058, %arg11[%swap3A_1060] : memref<1xi32, #tpu.memory_space<smem>>
      %add3A_1062 = arith.constant 5 : i32
      %add3A_1063 = arith.addi %mul3A_40, %add3A_1062 : i32
      %rem3A_1064 = arith.constant 16 : i32
      %rem3A_1065 = arith.remsi %add3A_1063, %rem3A_1064 : i32
      %eq3A_1066 = vector.broadcast %rem3A_1065 : i32 to vector<16xi32>
      %eq3A_1067 = arith.cmpi eq, %iota3A, %eq3A_1066 : vector<16xi32>
      %lt3A_1068 = arith.cmpf olt, %min3A_795, %get3A_11 : vector<16xf32>
      %select_n3A_1069 = arith.select %lt3A_1068, %min3A_795, %get3A_14 : vector<16xi1>, vector<16xf32>
      %select_n3A_1070 = arith.select %eq3A_1067, %select_n3A_1069, %select_n3A_1042 : vector<16xi1>, vector<16xf32>
      %add3A_1071 = arith.constant 6 : i32
      %add3A_1072 = arith.addi %mul3A_40, %add3A_1071 : i32
      %get3A_1073 = arith.constant 0 : i32
      %get3A_1074 = arith.index_cast %get3A_1073 : i32 to index
      %get3A_1075 = memref.load %arg11[%get3A_1074] : memref<1xi32, #tpu.memory_space<smem>>
      %swap3A_1076 = arith.index_cast %get3A_1075 : i32 to index
      %swap3A_1077 = memref.load %arg10[%swap3A_1076] : memref<128xi32, #tpu.memory_space<smem>>
      memref.store %add3A_1072, %arg10[%swap3A_1076] : memref<128xi32, #tpu.memory_space<smem>>
      %lt3A_1078 = arith.cmpf olt, %min3A_851, %get3A_11 : vector<16xf32>
      %jit3A_1079 = arith.constant 0 : i32
      %jit3A_1080 = arith.constant 1 : i32
      %broadcast_in_dim3A_1081 = vector.broadcast %jit3A_1079 : i32 to vector<16xi32>
      %broadcast_in_dim3A_1082 = vector.broadcast %jit3A_1080 : i32 to vector<16xi32>
      %select_n3A_1083 = arith.select %lt3A_1078, %broadcast_in_dim3A_1081, %broadcast_in_dim3A_1082 : vector<16xi1>, vector<16xi32>
      %slice3A_1084 = vector.extract_strided_slice %select_n3A_1083 {offsets = [0], sizes = [1], strides = [1]} : vector<16xi32> to vector<1xi32>
      %reshape3A_1085 = vector.extract %slice3A_1084[0] : i32 from vector<1xi32>
      %add3A_1086 = arith.addi %get3A_1075, %reshape3A_1085 : i32
      %swap3A_1087 = arith.constant 0 : i32
      %swap3A_1088 = arith.index_cast %swap3A_1087 : i32 to index
      %swap3A_1089 = memref.load %arg11[%swap3A_1088] : memref<1xi32, #tpu.memory_space<smem>>
      memref.store %add3A_1086, %arg11[%swap3A_1088] : memref<1xi32, #tpu.memory_space<smem>>
      %add3A_1090 = arith.constant 6 : i32
      %add3A_1091 = arith.addi %mul3A_40, %add3A_1090 : i32
      %rem3A_1092 = arith.constant 16 : i32
      %rem3A_1093 = arith.remsi %add3A_1091, %rem3A_1092 : i32
      %eq3A_1094 = vector.broadcast %rem3A_1093 : i32 to vector<16xi32>
      %eq3A_1095 = arith.cmpi eq, %iota3A, %eq3A_1094 : vector<16xi32>
      %lt3A_1096 = arith.cmpf olt, %min3A_851, %get3A_11 : vector<16xf32>
      %select_n3A_1097 = arith.select %lt3A_1096, %min3A_851, %get3A_14 : vector<16xi1>, vector<16xf32>
      %select_n3A_1098 = arith.select %eq3A_1095, %select_n3A_1097, %select_n3A_1070 : vector<16xi1>, vector<16xf32>
      %add3A_1099 = arith.constant 7 : i32
      %add3A_1100 = arith.addi %mul3A_40, %add3A_1099 : i32
      %get3A_1101 = arith.constant 0 : i32
      %get3A_1102 = arith.index_cast %get3A_1101 : i32 to index
      %get3A_1103 = memref.load %arg11[%get3A_1102] : memref<1xi32, #tpu.memory_space<smem>>
      %swap3A_1104 = arith.index_cast %get3A_1103 : i32 to index
      %swap3A_1105 = memref.load %arg10[%swap3A_1104] : memref<128xi32, #tpu.memory_space<smem>>
      memref.store %add3A_1100, %arg10[%swap3A_1104] : memref<128xi32, #tpu.memory_space<smem>>
      %lt3A_1106 = arith.cmpf olt, %min3A_907, %get3A_11 : vector<16xf32>
      %jit3A_1107 = arith.constant 0 : i32
      %jit3A_1108 = arith.constant 1 : i32
      %broadcast_in_dim3A_1109 = vector.broadcast %jit3A_1107 : i32 to vector<16xi32>
      %broadcast_in_dim3A_1110 = vector.broadcast %jit3A_1108 : i32 to vector<16xi32>
      %select_n3A_1111 = arith.select %lt3A_1106, %broadcast_in_dim3A_1109, %broadcast_in_dim3A_1110 : vector<16xi1>, vector<16xi32>
      %slice3A_1112 = vector.extract_strided_slice %select_n3A_1111 {offsets = [0], sizes = [1], strides = [1]} : vector<16xi32> to vector<1xi32>
      %reshape3A_1113 = vector.extract %slice3A_1112[0] : i32 from vector<1xi32>
      %add3A_1114 = arith.addi %get3A_1103, %reshape3A_1113 : i32
      %swap3A_1115 = arith.constant 0 : i32
      %swap3A_1116 = arith.index_cast %swap3A_1115 : i32 to index
      %swap3A_1117 = memref.load %arg11[%swap3A_1116] : memref<1xi32, #tpu.memory_space<smem>>
      memref.store %add3A_1114, %arg11[%swap3A_1116] : memref<1xi32, #tpu.memory_space<smem>>
      %add3A_1118 = arith.constant 7 : i32
      %add3A_1119 = arith.addi %mul3A_40, %add3A_1118 : i32
      %rem3A_1120 = arith.constant 16 : i32
      %rem3A_1121 = arith.remsi %add3A_1119, %rem3A_1120 : i32
      %eq3A_1122 = vector.broadcast %rem3A_1121 : i32 to vector<16xi32>
      %eq3A_1123 = arith.cmpi eq, %iota3A, %eq3A_1122 : vector<16xi32>
      %lt3A_1124 = arith.cmpf olt, %min3A_907, %get3A_11 : vector<16xf32>
      %select_n3A_1125 = arith.select %lt3A_1124, %min3A_907, %get3A_14 : vector<16xi1>, vector<16xf32>
      %select_n3A_1126 = arith.select %eq3A_1123, %select_n3A_1125, %select_n3A_1098 : vector<16xi1>, vector<16xf32>
      %add3A_1127 = arith.constant 8 : i32
      %add3A_1128 = arith.addi %mul3A_40, %add3A_1127 : i32
      %sub3A = arith.constant 1 : i32
      %sub3A_1129 = arith.subi %add3A_1128, %sub3A : i32
      %rem3A_1130 = arith.constant 16 : i32
      %rem3A_1131 = arith.remsi %sub3A_1129, %rem3A_1130 : i32
      %eq3A_1132 = arith.constant 15 : i32
      %eq3A_1133 = arith.cmpi eq, %rem3A_1131, %eq3A_1132 : i32
      %convert_element_type3A = arith.extui %eq3A_1133 : i1 to i32
      %cond3A = arith.constant 0 : i32
      %cond3A_1134 = arith.cmpi ne, %convert_element_type3A, %cond3A : i32
      scf.if %cond3A_1134 {
        %jit3A_1135 = arith.constant 16 : i32
        %div3A = arith.divsi %mul3A_40, %jit3A_1135 : i32
        %sign3A = arith.constant 0 : i32
        %sign3A_1136 = arith.cmpi sgt, %mul3A_40, %sign3A : i32
        %sign3A_1137 = arith.extui %sign3A_1136 : i1 to i32
        %sign3A_1138 = arith.constant 0 : i32
        %sign3A_1139 = arith.cmpi slt, %mul3A_40, %sign3A_1138 : i32
        %sign3A_1140 = arith.extui %sign3A_1139 : i1 to i32
        %sign3A_1141 = arith.subi %sign3A_1137, %sign3A_1140 : i32
        %sign3A_1142 = arith.constant 0 : i32
        %sign3A_1143 = arith.cmpi sgt, %jit3A_1135, %sign3A_1142 : i32
        %sign3A_1144 = arith.extui %sign3A_1143 : i1 to i32
        %sign3A_1145 = arith.constant 0 : i32
        %sign3A_1146 = arith.cmpi slt, %jit3A_1135, %sign3A_1145 : i32
        %sign3A_1147 = arith.extui %sign3A_1146 : i1 to i32
        %sign3A_1148 = arith.subi %sign3A_1144, %sign3A_1147 : i32
        %ne3A = arith.cmpi ne, %sign3A_1141, %sign3A_1148 : i32
        %rem3A_1149 = arith.remsi %mul3A_40, %jit3A_1135 : i32
        %ne3A_1150 = arith.constant 0 : i32
        %ne3A_1151 = arith.cmpi ne, %rem3A_1149, %ne3A_1150 : i32
        %and3A = arith.andi %ne3A, %ne3A_1151 : i1
        %sub3A_1152 = arith.constant 1 : i32
        %sub3A_1153 = arith.subi %div3A, %sub3A_1152 : i32
        %select_n3A_1154 = arith.select %and3A, %sub3A_1153, %div3A : i32
        %mul3A_1155 = arith.constant 16 : i32
        %mul3A_1156 = arith.muli %select_n3A_1154, %mul3A_1155 : i32
        %swap3A_1157 = arith.index_cast %mul3A_1156 : i32 to index
        %swap3A_1158 = tpu.vector_load %arg9[%swap3A_1157] {strides = array<i32>} : memref<128xf32, #tpu.memory_space<vmem>>, vector<16xf32>,
        %swap3A_1159 = vector.shape_cast %swap3A_1158 : vector<16xf32> to vector<16xf32>
        %swap3A_1160 = vector.shape_cast %select_n3A_1126 : vector<16xf32> to vector<16xf32>
        tpu.vector_store %arg9[%swap3A_1157], %swap3A_1160 {strides = array<i32>} : memref<128xf32, #tpu.memory_space<vmem>>, vector<16xf32>,
      } else {
      }
      scf.yield %select_n3A_1126 : vector<16xf32>
    }
    %scan3A_26 = arith.constant 16 : i32
    %dma_wait3A_27 = arith.constant 320 : i32
    %dma_wait3A_28 = tpu.memref_slice %arg2[%dma_wait3A_27] : memref<16704xf32, #tpu.memory_space<hbm>> -> memref<16384xf32, #tpu.memory_space<hbm>>
    %dma_wait3A_29 = arith.constant 320 : i32
    %dma_wait3A_30 = tpu.memref_slice %arg2[%dma_wait3A_29] : memref<16704xf32, #tpu.memory_space<hbm>> -> memref<16384xf32, #tpu.memory_space<hbm>>
    tpu.wait_dma2 semaphore(%arg13 : memref<!tpu.dma_semaphore, #tpu.memory_space<semaphore_mem>>) src(%dma_wait3A_30 : memref<16384xf32, #tpu.memory_space<hbm>>) dst(%arg6 : memref<16384xf32, #tpu.memory_space<vmem>>)
    %scan3A_31 = arith.constant 0 : i32
    %scan3A_32 = arith.constant 0 : i32
    %scan3A_33 = arith.constant 16 : i32
    %scan3A_34 = arith.addi %scan3A_32, %scan3A_33 : i32
    %scan3A_35 = arith.constant 1 : i32
    scf.for %scan3A_37 = %scan3A_32 to %scan3A_34 step %scan3A_35  : i32 {
      %get3A_38 = arith.constant 0 : i32
      %get3A_39 = arith.index_cast %get3A_38 : i32 to index
      %get3A_40 = memref.load %arg11[%get3A_39] : memref<1xi32, #tpu.memory_space<smem>>
      %swap3A_41 = arith.constant 0 : i32
      %swap3A_42 = arith.constant 0 : i32
      %swap3A_43 = arith.index_cast %swap3A_42 : i32 to index
      %swap3A_44 = memref.load %arg11[%swap3A_43] : memref<1xi32, #tpu.memory_space<smem>>
      memref.store %swap3A_41, %arg11[%swap3A_43] : memref<1xi32, #tpu.memory_space<smem>>
      %mul3A_45 = arith.constant 512 : i32
      %mul3A_46 = arith.muli %scan3A_37, %mul3A_45 : i32
      %while3A = arith.constant 0 : i32
      %while3A_47 = arith.constant 0 : i32
      %while3A_48 = arith.subi %get3A_40, %while3A_47 : i32
      %while3A_49 = arith.addi %while3A_47, %while3A_48 : i32
      %while3A_50 = arith.constant 1 : i32
      %while3A_51 = arith.divsi %while3A_48, %while3A_50 : i32
      %while3A_52 = arith.muli %while3A_51, %while3A_50 : i32
      %while3A_53 = arith.addi %while3A_47, %while3A_52 : i32
      %while3A_54 = arith.constant 1 : i32
      scf.for %while3A_56 = %while3A_47 to %while3A_53 step %while3A_54  : i32 {
        %get3A_57 = arith.index_cast %while3A_56 : i32 to index
        %get3A_58 = memref.load %arg10[%get3A_57] : memref<128xi32, #tpu.memory_space<smem>>
        %jit3A = arith.constant 8 : i32
        %div3A = arith.divsi %get3A_58, %jit3A : i32
        %sign3A = arith.constant 0 : i32
        %sign3A_59 = arith.cmpi sgt, %get3A_58, %sign3A : i32
        %sign3A_60 = arith.extui %sign3A_59 : i1 to i32
        %sign3A_61 = arith.constant 0 : i32
        %sign3A_62 = arith.cmpi slt, %get3A_58, %sign3A_61 : i32
        %sign3A_63 = arith.extui %sign3A_62 : i1 to i32
        %sign3A_64 = arith.subi %sign3A_60, %sign3A_63 : i32
        %sign3A_65 = arith.constant 0 : i32
        %sign3A_66 = arith.cmpi sgt, %jit3A, %sign3A_65 : i32
        %sign3A_67 = arith.extui %sign3A_66 : i1 to i32
        %sign3A_68 = arith.constant 0 : i32
        %sign3A_69 = arith.cmpi slt, %jit3A, %sign3A_68 : i32
        %sign3A_70 = arith.extui %sign3A_69 : i1 to i32
        %sign3A_71 = arith.subi %sign3A_67, %sign3A_70 : i32
        %ne3A = arith.cmpi ne, %sign3A_64, %sign3A_71 : i32
        %rem3A = arith.remsi %get3A_58, %jit3A : i32
        %ne3A_72 = arith.constant 0 : i32
        %ne3A_73 = arith.cmpi ne, %rem3A, %ne3A_72 : i32
        %and3A = arith.andi %ne3A, %ne3A_73 : i1
        %sub3A = arith.constant 1 : i32
        %sub3A_74 = arith.subi %div3A, %sub3A : i32
        %select_n3A = arith.select %and3A, %sub3A_74, %div3A : i32
        %mul3A_75 = arith.constant 8 : i32
        %mul3A_76 = arith.muli %select_n3A, %mul3A_75 : i32
        %add3A_77 = arith.addi %mul3A_2, %mul3A_76 : i32
        %multiple_of3A = tpu.assume_multiple %add3A_77, 8 : i32
        "tpu.region"() ({
          %run_scoped3A = tpu.sem_alloc : memref<!tpu.dma_semaphore, #tpu.memory_space<semaphore_mem>>
          %dma_start3A_731 = tpu.memref_slice %arg3[%multiple_of3A, %mul3A_46] : memref<4096x8192xf32, #tpu.memory_space<hbm>> -> memref<8x512xf32, #tpu.memory_space<hbm>>
          %dma_start3A_732 = tpu.memref_slice %arg3[%multiple_of3A, %mul3A_46] : memref<4096x8192xf32, #tpu.memory_space<hbm>> -> memref<8x512xf32, #tpu.memory_space<hbm>>
          tpu.enqueue_dma source(%dma_start3A_732 : memref<8x512xf32, #tpu.memory_space<hbm>>) target(%arg8 : memref<8x512xf32, #tpu.memory_space<vmem>>) target_semaphore(%run_scoped3A : memref<!tpu.dma_semaphore, #tpu.memory_space<semaphore_mem>>)
          %dma_wait3A_733 = tpu.memref_slice %arg3[%multiple_of3A, %mul3A_46] : memref<4096x8192xf32, #tpu.memory_space<hbm>> -> memref<8x512xf32, #tpu.memory_space<hbm>>
          %dma_wait3A_734 = tpu.memref_slice %arg3[%multiple_of3A, %mul3A_46] : memref<4096x8192xf32, #tpu.memory_space<hbm>> -> memref<8x512xf32, #tpu.memory_space<hbm>>
          tpu.wait_dma2 semaphore(%run_scoped3A : memref<!tpu.dma_semaphore, #tpu.memory_space<semaphore_mem>>) src(%dma_wait3A_734 : memref<8x512xf32, #tpu.memory_space<hbm>>) dst(%arg8 : memref<8x512xf32, #tpu.memory_space<vmem>>)
          tpu.yield
        }) : () -> ()
        %rem3A_78 = arith.constant 8 : i32
        %rem3A_79 = arith.remsi %get3A_58, %rem3A_78 : i32
        %add3A_80 = arith.constant 8192 : i32
        %add3A_81 = arith.addi %add3A_80, %mul3A_46 : i32
        %get3A_82 = arith.index_cast %rem3A_79 : i32 to index
        %get3A_83 = arith.constant 0 : index
        %get3A_84 = tpu.vector_load %arg8[%get3A_82, %get3A_83] {strides = array<i32>} : memref<8x512xf32, #tpu.memory_space<vmem>>, vector<1x16xf32>,
        %get3A_85 = vector.shape_cast %get3A_84 : vector<1x16xf32> to vector<16xf32>
        %add3A_86 = arith.constant 0 : i32
        %add3A_87 = arith.addi %add3A_81, %add3A_86 : i32
        %get3A_88 = arith.index_cast %add3A_87 : i32 to index
        %get3A_89 = tpu.vector_load %arg6[%get3A_88] {strides = array<i32>} : memref<16384xf32, #tpu.memory_space<vmem>>, vector<16xf32>,
        %get3A_90 = vector.shape_cast %get3A_89 : vector<16xf32> to vector<16xf32>
        %add3A_91 = arith.constant 0 : i32
        %add3A_92 = arith.addi %mul3A_46, %add3A_91 : i32
        %get3A_93 = arith.index_cast %add3A_92 : i32 to index
        %get3A_94 = tpu.vector_load %arg6[%get3A_93] {strides = array<i32>} : memref<16384xf32, #tpu.memory_space<vmem>>, vector<16xf32>,
        %get3A_95 = vector.shape_cast %get3A_94 : vector<16xf32> to vector<16xf32>
        %lt3A = arith.cmpf olt, %get3A_85, %get3A_90 : vector<16xf32>
        %select_n3A_96 = arith.select %lt3A, %get3A_95, %get3A_11 : vector<16xi1>, vector<16xf32>
        %get3A_97 = arith.index_cast %rem3A_79 : i32 to index
        %get3A_98 = arith.constant 16 : index
        %get3A_99 = tpu.vector_load %arg8[%get3A_97, %get3A_98] {strides = array<i32>} : memref<8x512xf32, #tpu.memory_space<vmem>>, vector<1x16xf32>,
        %get3A_100 = vector.shape_cast %get3A_99 : vector<1x16xf32> to vector<16xf32>
        %add3A_101 = arith.constant 16 : i32
        %add3A_102 = arith.addi %add3A_81, %add3A_101 : i32
        %get3A_103 = arith.index_cast %add3A_102 : i32 to index
        %get3A_104 = tpu.vector_load %arg6[%get3A_103] {strides = array<i32>} : memref<16384xf32, #tpu.memory_space<vmem>>, vector<16xf32>,
        %get3A_105 = vector.shape_cast %get3A_104 : vector<16xf32> to vector<16xf32>
        %add3A_106 = arith.constant 16 : i32
        %add3A_107 = arith.addi %mul3A_46, %add3A_106 : i32
        %get3A_108 = arith.index_cast %add3A_107 : i32 to index
        %get3A_109 = tpu.vector_load %arg6[%get3A_108] {strides = array<i32>} : memref<16384xf32, #tpu.memory_space<vmem>>, vector<16xf32>,
        %get3A_110 = vector.shape_cast %get3A_109 : vector<16xf32> to vector<16xf32>
        %lt3A_111 = arith.cmpf olt, %get3A_100, %get3A_105 : vector<16xf32>
        %select_n3A_112 = arith.select %lt3A_111, %get3A_110, %get3A_11 : vector<16xi1>, vector<16xf32>
        %get3A_113 = arith.index_cast %rem3A_79 : i32 to index
        %get3A_114 = arith.constant 32 : index
        %get3A_115 = tpu.vector_load %arg8[%get3A_113, %get3A_114] {strides = array<i32>} : memref<8x512xf32, #tpu.memory_space<vmem>>, vector<1x16xf32>,
        %get3A_116 = vector.shape_cast %get3A_115 : vector<1x16xf32> to vector<16xf32>
        %add3A_117 = arith.constant 32 : i32
        %add3A_118 = arith.addi %add3A_81, %add3A_117 : i32
        %get3A_119 = arith.index_cast %add3A_118 : i32 to index
        %get3A_120 = tpu.vector_load %arg6[%get3A_119] {strides = array<i32>} : memref<16384xf32, #tpu.memory_space<vmem>>, vector<16xf32>,
        %get3A_121 = vector.shape_cast %get3A_120 : vector<16xf32> to vector<16xf32>
        %add3A_122 = arith.constant 32 : i32
        %add3A_123 = arith.addi %mul3A_46, %add3A_122 : i32
        %get3A_124 = arith.index_cast %add3A_123 : i32 to index
        %get3A_125 = tpu.vector_load %arg6[%get3A_124] {strides = array<i32>} : memref<16384xf32, #tpu.memory_space<vmem>>, vector<16xf32>,
        %get3A_126 = vector.shape_cast %get3A_125 : vector<16xf32> to vector<16xf32>
        %lt3A_127 = arith.cmpf olt, %get3A_116, %get3A_121 : vector<16xf32>
        %select_n3A_128 = arith.select %lt3A_127, %get3A_126, %get3A_11 : vector<16xi1>, vector<16xf32>
        %get3A_129 = arith.index_cast %rem3A_79 : i32 to index
        %get3A_130 = arith.constant 48 : index
        %get3A_131 = tpu.vector_load %arg8[%get3A_129, %get3A_130] {strides = array<i32>} : memref<8x512xf32, #tpu.memory_space<vmem>>, vector<1x16xf32>,
        %get3A_132 = vector.shape_cast %get3A_131 : vector<1x16xf32> to vector<16xf32>
        %add3A_133 = arith.constant 48 : i32
        %add3A_134 = arith.addi %add3A_81, %add3A_133 : i32
        %get3A_135 = arith.index_cast %add3A_134 : i32 to index
        %get3A_136 = tpu.vector_load %arg6[%get3A_135] {strides = array<i32>} : memref<16384xf32, #tpu.memory_space<vmem>>, vector<16xf32>,
        %get3A_137 = vector.shape_cast %get3A_136 : vector<16xf32> to vector<16xf32>
        %add3A_138 = arith.constant 48 : i32
        %add3A_139 = arith.addi %mul3A_46, %add3A_138 : i32
        %get3A_140 = arith.index_cast %add3A_139 : i32 to index
        %get3A_141 = tpu.vector_load %arg6[%get3A_140] {strides = array<i32>} : memref<16384xf32, #tpu.memory_space<vmem>>, vector<16xf32>,
        %get3A_142 = vector.shape_cast %get3A_141 : vector<16xf32> to vector<16xf32>
        %lt3A_143 = arith.cmpf olt, %get3A_132, %get3A_137 : vector<16xf32>
        %select_n3A_144 = arith.select %lt3A_143, %get3A_142, %get3A_11 : vector<16xi1>, vector<16xf32>
        %get3A_145 = arith.index_cast %rem3A_79 : i32 to index
        %get3A_146 = arith.constant 64 : index
        %get3A_147 = tpu.vector_load %arg8[%get3A_145, %get3A_146] {strides = array<i32>} : memref<8x512xf32, #tpu.memory_space<vmem>>, vector<1x16xf32>,
        %get3A_148 = vector.shape_cast %get3A_147 : vector<1x16xf32> to vector<16xf32>
        %add3A_149 = arith.constant 64 : i32
        %add3A_150 = arith.addi %add3A_81, %add3A_149 : i32
        %get3A_151 = arith.index_cast %add3A_150 : i32 to index
        %get3A_152 = tpu.vector_load %arg6[%get3A_151] {strides = array<i32>} : memref<16384xf32, #tpu.memory_space<vmem>>, vector<16xf32>,
        %get3A_153 = vector.shape_cast %get3A_152 : vector<16xf32> to vector<16xf32>
        %add3A_154 = arith.constant 64 : i32
        %add3A_155 = arith.addi %mul3A_46, %add3A_154 : i32
        %get3A_156 = arith.index_cast %add3A_155 : i32 to index
        %get3A_157 = tpu.vector_load %arg6[%get3A_156] {strides = array<i32>} : memref<16384xf32, #tpu.memory_space<vmem>>, vector<16xf32>,
        %get3A_158 = vector.shape_cast %get3A_157 : vector<16xf32> to vector<16xf32>
        %lt3A_159 = arith.cmpf olt, %get3A_148, %get3A_153 : vector<16xf32>
        %select_n3A_160 = arith.select %lt3A_159, %get3A_158, %get3A_11 : vector<16xi1>, vector<16xf32>
        %get3A_161 = arith.index_cast %rem3A_79 : i32 to index
        %get3A_162 = arith.constant 80 : index
        %get3A_163 = tpu.vector_load %arg8[%get3A_161, %get3A_162] {strides = array<i32>} : memref<8x512xf32, #tpu.memory_space<vmem>>, vector<1x16xf32>,
        %get3A_164 = vector.shape_cast %get3A_163 : vector<1x16xf32> to vector<16xf32>
        %add3A_165 = arith.constant 80 : i32
        %add3A_166 = arith.addi %add3A_81, %add3A_165 : i32
        %get3A_167 = arith.index_cast %add3A_166 : i32 to index
        %get3A_168 = tpu.vector_load %arg6[%get3A_167] {strides = array<i32>} : memref<16384xf32, #tpu.memory_space<vmem>>, vector<16xf32>,
        %get3A_169 = vector.shape_cast %get3A_168 : vector<16xf32> to vector<16xf32>
        %add3A_170 = arith.constant 80 : i32
        %add3A_171 = arith.addi %mul3A_46, %add3A_170 : i32
        %get3A_172 = arith.index_cast %add3A_171 : i32 to index
        %get3A_173 = tpu.vector_load %arg6[%get3A_172] {strides = array<i32>} : memref<16384xf32, #tpu.memory_space<vmem>>, vector<16xf32>,
        %get3A_174 = vector.shape_cast %get3A_173 : vector<16xf32> to vector<16xf32>
        %lt3A_175 = arith.cmpf olt, %get3A_164, %get3A_169 : vector<16xf32>
        %select_n3A_176 = arith.select %lt3A_175, %get3A_174, %get3A_11 : vector<16xi1>, vector<16xf32>
        %get3A_177 = arith.index_cast %rem3A_79 : i32 to index
        %get3A_178 = arith.constant 96 : index
        %get3A_179 = tpu.vector_load %arg8[%get3A_177, %get3A_178] {strides = array<i32>} : memref<8x512xf32, #tpu.memory_space<vmem>>, vector<1x16xf32>,
        %get3A_180 = vector.shape_cast %get3A_179 : vector<1x16xf32> to vector<16xf32>
        %add3A_181 = arith.constant 96 : i32
        %add3A_182 = arith.addi %add3A_81, %add3A_181 : i32
        %get3A_183 = arith.index_cast %add3A_182 : i32 to index
        %get3A_184 = tpu.vector_load %arg6[%get3A_183] {strides = array<i32>} : memref<16384xf32, #tpu.memory_space<vmem>>, vector<16xf32>,
        %get3A_185 = vector.shape_cast %get3A_184 : vector<16xf32> to vector<16xf32>
        %add3A_186 = arith.constant 96 : i32
        %add3A_187 = arith.addi %mul3A_46, %add3A_186 : i32
        %get3A_188 = arith.index_cast %add3A_187 : i32 to index
        %get3A_189 = tpu.vector_load %arg6[%get3A_188] {strides = array<i32>} : memref<16384xf32, #tpu.memory_space<vmem>>, vector<16xf32>,
        %get3A_190 = vector.shape_cast %get3A_189 : vector<16xf32> to vector<16xf32>
        %lt3A_191 = arith.cmpf olt, %get3A_180, %get3A_185 : vector<16xf32>
        %select_n3A_192 = arith.select %lt3A_191, %get3A_190, %get3A_11 : vector<16xi1>, vector<16xf32>
        %get3A_193 = arith.index_cast %rem3A_79 : i32 to index
        %get3A_194 = arith.constant 112 : index
        %get3A_195 = tpu.vector_load %arg8[%get3A_193, %get3A_194] {strides = array<i32>} : memref<8x512xf32, #tpu.memory_space<vmem>>, vector<1x16xf32>,
        %get3A_196 = vector.shape_cast %get3A_195 : vector<1x16xf32> to vector<16xf32>
        %add3A_197 = arith.constant 112 : i32
        %add3A_198 = arith.addi %add3A_81, %add3A_197 : i32
        %get3A_199 = arith.index_cast %add3A_198 : i32 to index
        %get3A_200 = tpu.vector_load %arg6[%get3A_199] {strides = array<i32>} : memref<16384xf32, #tpu.memory_space<vmem>>, vector<16xf32>,
        %get3A_201 = vector.shape_cast %get3A_200 : vector<16xf32> to vector<16xf32>
        %add3A_202 = arith.constant 112 : i32
        %add3A_203 = arith.addi %mul3A_46, %add3A_202 : i32
        %get3A_204 = arith.index_cast %add3A_203 : i32 to index
        %get3A_205 = tpu.vector_load %arg6[%get3A_204] {strides = array<i32>} : memref<16384xf32, #tpu.memory_space<vmem>>, vector<16xf32>,
        %get3A_206 = vector.shape_cast %get3A_205 : vector<16xf32> to vector<16xf32>
        %lt3A_207 = arith.cmpf olt, %get3A_196, %get3A_201 : vector<16xf32>
        %select_n3A_208 = arith.select %lt3A_207, %get3A_206, %get3A_11 : vector<16xi1>, vector<16xf32>
        %get3A_209 = arith.index_cast %rem3A_79 : i32 to index
        %get3A_210 = arith.constant 128 : index
        %get3A_211 = tpu.vector_load %arg8[%get3A_209, %get3A_210] {strides = array<i32>} : memref<8x512xf32, #tpu.memory_space<vmem>>, vector<1x16xf32>,
        %get3A_212 = vector.shape_cast %get3A_211 : vector<1x16xf32> to vector<16xf32>
        %add3A_213 = arith.constant 128 : i32
        %add3A_214 = arith.addi %add3A_81, %add3A_213 : i32
        %get3A_215 = arith.index_cast %add3A_214 : i32 to index
        %get3A_216 = tpu.vector_load %arg6[%get3A_215] {strides = array<i32>} : memref<16384xf32, #tpu.memory_space<vmem>>, vector<16xf32>,
        %get3A_217 = vector.shape_cast %get3A_216 : vector<16xf32> to vector<16xf32>
        %add3A_218 = arith.constant 128 : i32
        %add3A_219 = arith.addi %mul3A_46, %add3A_218 : i32
        %get3A_220 = arith.index_cast %add3A_219 : i32 to index
        %get3A_221 = tpu.vector_load %arg6[%get3A_220] {strides = array<i32>} : memref<16384xf32, #tpu.memory_space<vmem>>, vector<16xf32>,
        %get3A_222 = vector.shape_cast %get3A_221 : vector<16xf32> to vector<16xf32>
        %lt3A_223 = arith.cmpf olt, %get3A_212, %get3A_217 : vector<16xf32>
        %select_n3A_224 = arith.select %lt3A_223, %get3A_222, %get3A_11 : vector<16xi1>, vector<16xf32>
        %get3A_225 = arith.index_cast %rem3A_79 : i32 to index
        %get3A_226 = arith.constant 144 : index
        %get3A_227 = tpu.vector_load %arg8[%get3A_225, %get3A_226] {strides = array<i32>} : memref<8x512xf32, #tpu.memory_space<vmem>>, vector<1x16xf32>,
        %get3A_228 = vector.shape_cast %get3A_227 : vector<1x16xf32> to vector<16xf32>
        %add3A_229 = arith.constant 144 : i32
        %add3A_230 = arith.addi %add3A_81, %add3A_229 : i32
        %get3A_231 = arith.index_cast %add3A_230 : i32 to index
        %get3A_232 = tpu.vector_load %arg6[%get3A_231] {strides = array<i32>} : memref<16384xf32, #tpu.memory_space<vmem>>, vector<16xf32>,
        %get3A_233 = vector.shape_cast %get3A_232 : vector<16xf32> to vector<16xf32>
        %add3A_234 = arith.constant 144 : i32
        %add3A_235 = arith.addi %mul3A_46, %add3A_234 : i32
        %get3A_236 = arith.index_cast %add3A_235 : i32 to index
        %get3A_237 = tpu.vector_load %arg6[%get3A_236] {strides = array<i32>} : memref<16384xf32, #tpu.memory_space<vmem>>, vector<16xf32>,
        %get3A_238 = vector.shape_cast %get3A_237 : vector<16xf32> to vector<16xf32>
        %lt3A_239 = arith.cmpf olt, %get3A_228, %get3A_233 : vector<16xf32>
        %select_n3A_240 = arith.select %lt3A_239, %get3A_238, %get3A_11 : vector<16xi1>, vector<16xf32>
        %get3A_241 = arith.index_cast %rem3A_79 : i32 to index
        %get3A_242 = arith.constant 160 : index
        %get3A_243 = tpu.vector_load %arg8[%get3A_241, %get3A_242] {strides = array<i32>} : memref<8x512xf32, #tpu.memory_space<vmem>>, vector<1x16xf32>,
        %get3A_244 = vector.shape_cast %get3A_243 : vector<1x16xf32> to vector<16xf32>
        %add3A_245 = arith.constant 160 : i32
        %add3A_246 = arith.addi %add3A_81, %add3A_245 : i32
        %get3A_247 = arith.index_cast %add3A_246 : i32 to index
        %get3A_248 = tpu.vector_load %arg6[%get3A_247] {strides = array<i32>} : memref<16384xf32, #tpu.memory_space<vmem>>, vector<16xf32>,
        %get3A_249 = vector.shape_cast %get3A_248 : vector<16xf32> to vector<16xf32>
        %add3A_250 = arith.constant 160 : i32
        %add3A_251 = arith.addi %mul3A_46, %add3A_250 : i32
        %get3A_252 = arith.index_cast %add3A_251 : i32 to index
        %get3A_253 = tpu.vector_load %arg6[%get3A_252] {strides = array<i32>} : memref<16384xf32, #tpu.memory_space<vmem>>, vector<16xf32>,
        %get3A_254 = vector.shape_cast %get3A_253 : vector<16xf32> to vector<16xf32>
        %lt3A_255 = arith.cmpf olt, %get3A_244, %get3A_249 : vector<16xf32>
        %select_n3A_256 = arith.select %lt3A_255, %get3A_254, %get3A_11 : vector<16xi1>, vector<16xf32>
        %get3A_257 = arith.index_cast %rem3A_79 : i32 to index
        %get3A_258 = arith.constant 176 : index
        %get3A_259 = tpu.vector_load %arg8[%get3A_257, %get3A_258] {strides = array<i32>} : memref<8x512xf32, #tpu.memory_space<vmem>>, vector<1x16xf32>,
        %get3A_260 = vector.shape_cast %get3A_259 : vector<1x16xf32> to vector<16xf32>
        %add3A_261 = arith.constant 176 : i32
        %add3A_262 = arith.addi %add3A_81, %add3A_261 : i32
        %get3A_263 = arith.index_cast %add3A_262 : i32 to index
        %get3A_264 = tpu.vector_load %arg6[%get3A_263] {strides = array<i32>} : memref<16384xf32, #tpu.memory_space<vmem>>, vector<16xf32>,
        %get3A_265 = vector.shape_cast %get3A_264 : vector<16xf32> to vector<16xf32>
        %add3A_266 = arith.constant 176 : i32
        %add3A_267 = arith.addi %mul3A_46, %add3A_266 : i32
        %get3A_268 = arith.index_cast %add3A_267 : i32 to index
        %get3A_269 = tpu.vector_load %arg6[%get3A_268] {strides = array<i32>} : memref<16384xf32, #tpu.memory_space<vmem>>, vector<16xf32>,
        %get3A_270 = vector.shape_cast %get3A_269 : vector<16xf32> to vector<16xf32>
        %lt3A_271 = arith.cmpf olt, %get3A_260, %get3A_265 : vector<16xf32>
        %select_n3A_272 = arith.select %lt3A_271, %get3A_270, %get3A_11 : vector<16xi1>, vector<16xf32>
        %get3A_273 = arith.index_cast %rem3A_79 : i32 to index
        %get3A_274 = arith.constant 192 : index
        %get3A_275 = tpu.vector_load %arg8[%get3A_273, %get3A_274] {strides = array<i32>} : memref<8x512xf32, #tpu.memory_space<vmem>>, vector<1x16xf32>,
        %get3A_276 = vector.shape_cast %get3A_275 : vector<1x16xf32> to vector<16xf32>
        %add3A_277 = arith.constant 192 : i32
        %add3A_278 = arith.addi %add3A_81, %add3A_277 : i32
        %get3A_279 = arith.index_cast %add3A_278 : i32 to index
        %get3A_280 = tpu.vector_load %arg6[%get3A_279] {strides = array<i32>} : memref<16384xf32, #tpu.memory_space<vmem>>, vector<16xf32>,
        %get3A_281 = vector.shape_cast %get3A_280 : vector<16xf32> to vector<16xf32>
        %add3A_282 = arith.constant 192 : i32
        %add3A_283 = arith.addi %mul3A_46, %add3A_282 : i32
        %get3A_284 = arith.index_cast %add3A_283 : i32 to index
        %get3A_285 = tpu.vector_load %arg6[%get3A_284] {strides = array<i32>} : memref<16384xf32, #tpu.memory_space<vmem>>, vector<16xf32>,
        %get3A_286 = vector.shape_cast %get3A_285 : vector<16xf32> to vector<16xf32>
        %lt3A_287 = arith.cmpf olt, %get3A_276, %get3A_281 : vector<16xf32>
        %select_n3A_288 = arith.select %lt3A_287, %get3A_286, %get3A_11 : vector<16xi1>, vector<16xf32>
        %get3A_289 = arith.index_cast %rem3A_79 : i32 to index
        %get3A_290 = arith.constant 208 : index
        %get3A_291 = tpu.vector_load %arg8[%get3A_289, %get3A_290] {strides = array<i32>} : memref<8x512xf32, #tpu.memory_space<vmem>>, vector<1x16xf32>,
        %get3A_292 = vector.shape_cast %get3A_291 : vector<1x16xf32> to vector<16xf32>
        %add3A_293 = arith.constant 208 : i32
        %add3A_294 = arith.addi %add3A_81, %add3A_293 : i32
        %get3A_295 = arith.index_cast %add3A_294 : i32 to index
        %get3A_296 = tpu.vector_load %arg6[%get3A_295] {strides = array<i32>} : memref<16384xf32, #tpu.memory_space<vmem>>, vector<16xf32>,
        %get3A_297 = vector.shape_cast %get3A_296 : vector<16xf32> to vector<16xf32>
        %add3A_298 = arith.constant 208 : i32
        %add3A_299 = arith.addi %mul3A_46, %add3A_298 : i32
        %get3A_300 = arith.index_cast %add3A_299 : i32 to index
        %get3A_301 = tpu.vector_load %arg6[%get3A_300] {strides = array<i32>} : memref<16384xf32, #tpu.memory_space<vmem>>, vector<16xf32>,
        %get3A_302 = vector.shape_cast %get3A_301 : vector<16xf32> to vector<16xf32>
        %lt3A_303 = arith.cmpf olt, %get3A_292, %get3A_297 : vector<16xf32>
        %select_n3A_304 = arith.select %lt3A_303, %get3A_302, %get3A_11 : vector<16xi1>, vector<16xf32>
        %get3A_305 = arith.index_cast %rem3A_79 : i32 to index
        %get3A_306 = arith.constant 224 : index
        %get3A_307 = tpu.vector_load %arg8[%get3A_305, %get3A_306] {strides = array<i32>} : memref<8x512xf32, #tpu.memory_space<vmem>>, vector<1x16xf32>,
        %get3A_308 = vector.shape_cast %get3A_307 : vector<1x16xf32> to vector<16xf32>
        %add3A_309 = arith.constant 224 : i32
        %add3A_310 = arith.addi %add3A_81, %add3A_309 : i32
        %get3A_311 = arith.index_cast %add3A_310 : i32 to index
        %get3A_312 = tpu.vector_load %arg6[%get3A_311] {strides = array<i32>} : memref<16384xf32, #tpu.memory_space<vmem>>, vector<16xf32>,
        %get3A_313 = vector.shape_cast %get3A_312 : vector<16xf32> to vector<16xf32>
        %add3A_314 = arith.constant 224 : i32
        %add3A_315 = arith.addi %mul3A_46, %add3A_314 : i32
        %get3A_316 = arith.index_cast %add3A_315 : i32 to index
        %get3A_317 = tpu.vector_load %arg6[%get3A_316] {strides = array<i32>} : memref<16384xf32, #tpu.memory_space<vmem>>, vector<16xf32>,
        %get3A_318 = vector.shape_cast %get3A_317 : vector<16xf32> to vector<16xf32>
        %lt3A_319 = arith.cmpf olt, %get3A_308, %get3A_313 : vector<16xf32>
        %select_n3A_320 = arith.select %lt3A_319, %get3A_318, %get3A_11 : vector<16xi1>, vector<16xf32>
        %get3A_321 = arith.index_cast %rem3A_79 : i32 to index
        %get3A_322 = arith.constant 240 : index
        %get3A_323 = tpu.vector_load %arg8[%get3A_321, %get3A_322] {strides = array<i32>} : memref<8x512xf32, #tpu.memory_space<vmem>>, vector<1x16xf32>,
        %get3A_324 = vector.shape_cast %get3A_323 : vector<1x16xf32> to vector<16xf32>
        %add3A_325 = arith.constant 240 : i32
        %add3A_326 = arith.addi %add3A_81, %add3A_325 : i32
        %get3A_327 = arith.index_cast %add3A_326 : i32 to index
        %get3A_328 = tpu.vector_load %arg6[%get3A_327] {strides = array<i32>} : memref<16384xf32, #tpu.memory_space<vmem>>, vector<16xf32>,
        %get3A_329 = vector.shape_cast %get3A_328 : vector<16xf32> to vector<16xf32>
        %add3A_330 = arith.constant 240 : i32
        %add3A_331 = arith.addi %mul3A_46, %add3A_330 : i32
        %get3A_332 = arith.index_cast %add3A_331 : i32 to index
        %get3A_333 = tpu.vector_load %arg6[%get3A_332] {strides = array<i32>} : memref<16384xf32, #tpu.memory_space<vmem>>, vector<16xf32>,
        %get3A_334 = vector.shape_cast %get3A_333 : vector<16xf32> to vector<16xf32>
        %lt3A_335 = arith.cmpf olt, %get3A_324, %get3A_329 : vector<16xf32>
        %select_n3A_336 = arith.select %lt3A_335, %get3A_334, %get3A_11 : vector<16xi1>, vector<16xf32>
        %get3A_337 = arith.index_cast %rem3A_79 : i32 to index
        %get3A_338 = arith.constant 256 : index
        %get3A_339 = tpu.vector_load %arg8[%get3A_337, %get3A_338] {strides = array<i32>} : memref<8x512xf32, #tpu.memory_space<vmem>>, vector<1x16xf32>,
        %get3A_340 = vector.shape_cast %get3A_339 : vector<1x16xf32> to vector<16xf32>
        %add3A_341 = arith.constant 256 : i32
        %add3A_342 = arith.addi %add3A_81, %add3A_341 : i32
        %get3A_343 = arith.index_cast %add3A_342 : i32 to index
        %get3A_344 = tpu.vector_load %arg6[%get3A_343] {strides = array<i32>} : memref<16384xf32, #tpu.memory_space<vmem>>, vector<16xf32>,
        %get3A_345 = vector.shape_cast %get3A_344 : vector<16xf32> to vector<16xf32>
        %add3A_346 = arith.constant 256 : i32
        %add3A_347 = arith.addi %mul3A_46, %add3A_346 : i32
        %get3A_348 = arith.index_cast %add3A_347 : i32 to index
        %get3A_349 = tpu.vector_load %arg6[%get3A_348] {strides = array<i32>} : memref<16384xf32, #tpu.memory_space<vmem>>, vector<16xf32>,
        %get3A_350 = vector.shape_cast %get3A_349 : vector<16xf32> to vector<16xf32>
        %lt3A_351 = arith.cmpf olt, %get3A_340, %get3A_345 : vector<16xf32>
        %select_n3A_352 = arith.select %lt3A_351, %get3A_350, %get3A_11 : vector<16xi1>, vector<16xf32>
        %get3A_353 = arith.index_cast %rem3A_79 : i32 to index
        %get3A_354 = arith.constant 272 : index
        %get3A_355 = tpu.vector_load %arg8[%get3A_353, %get3A_354] {strides = array<i32>} : memref<8x512xf32, #tpu.memory_space<vmem>>, vector<1x16xf32>,
        %get3A_356 = vector.shape_cast %get3A_355 : vector<1x16xf32> to vector<16xf32>
        %add3A_357 = arith.constant 272 : i32
        %add3A_358 = arith.addi %add3A_81, %add3A_357 : i32
        %get3A_359 = arith.index_cast %add3A_358 : i32 to index
        %get3A_360 = tpu.vector_load %arg6[%get3A_359] {strides = array<i32>} : memref<16384xf32, #tpu.memory_space<vmem>>, vector<16xf32>,
        %get3A_361 = vector.shape_cast %get3A_360 : vector<16xf32> to vector<16xf32>
        %add3A_362 = arith.constant 272 : i32
        %add3A_363 = arith.addi %mul3A_46, %add3A_362 : i32
        %get3A_364 = arith.index_cast %add3A_363 : i32 to index
        %get3A_365 = tpu.vector_load %arg6[%get3A_364] {strides = array<i32>} : memref<16384xf32, #tpu.memory_space<vmem>>, vector<16xf32>,
        %get3A_366 = vector.shape_cast %get3A_365 : vector<16xf32> to vector<16xf32>
        %lt3A_367 = arith.cmpf olt, %get3A_356, %get3A_361 : vector<16xf32>
        %select_n3A_368 = arith.select %lt3A_367, %get3A_366, %get3A_11 : vector<16xi1>, vector<16xf32>
        %get3A_369 = arith.index_cast %rem3A_79 : i32 to index
        %get3A_370 = arith.constant 288 : index
        %get3A_371 = tpu.vector_load %arg8[%get3A_369, %get3A_370] {strides = array<i32>} : memref<8x512xf32, #tpu.memory_space<vmem>>, vector<1x16xf32>,
        %get3A_372 = vector.shape_cast %get3A_371 : vector<1x16xf32> to vector<16xf32>
        %add3A_373 = arith.constant 288 : i32
        %add3A_374 = arith.addi %add3A_81, %add3A_373 : i32
        %get3A_375 = arith.index_cast %add3A_374 : i32 to index
        %get3A_376 = tpu.vector_load %arg6[%get3A_375] {strides = array<i32>} : memref<16384xf32, #tpu.memory_space<vmem>>, vector<16xf32>,
        %get3A_377 = vector.shape_cast %get3A_376 : vector<16xf32> to vector<16xf32>
        %add3A_378 = arith.constant 288 : i32
        %add3A_379 = arith.addi %mul3A_46, %add3A_378 : i32
        %get3A_380 = arith.index_cast %add3A_379 : i32 to index
        %get3A_381 = tpu.vector_load %arg6[%get3A_380] {strides = array<i32>} : memref<16384xf32, #tpu.memory_space<vmem>>, vector<16xf32>,
        %get3A_382 = vector.shape_cast %get3A_381 : vector<16xf32> to vector<16xf32>
        %lt3A_383 = arith.cmpf olt, %get3A_372, %get3A_377 : vector<16xf32>
        %select_n3A_384 = arith.select %lt3A_383, %get3A_382, %get3A_11 : vector<16xi1>, vector<16xf32>
        %get3A_385 = arith.index_cast %rem3A_79 : i32 to index
        %get3A_386 = arith.constant 304 : index
        %get3A_387 = tpu.vector_load %arg8[%get3A_385, %get3A_386] {strides = array<i32>} : memref<8x512xf32, #tpu.memory_space<vmem>>, vector<1x16xf32>,
        %get3A_388 = vector.shape_cast %get3A_387 : vector<1x16xf32> to vector<16xf32>
        %add3A_389 = arith.constant 304 : i32
        %add3A_390 = arith.addi %add3A_81, %add3A_389 : i32
        %get3A_391 = arith.index_cast %add3A_390 : i32 to index
        %get3A_392 = tpu.vector_load %arg6[%get3A_391] {strides = array<i32>} : memref<16384xf32, #tpu.memory_space<vmem>>, vector<16xf32>,
        %get3A_393 = vector.shape_cast %get3A_392 : vector<16xf32> to vector<16xf32>
        %add3A_394 = arith.constant 304 : i32
        %add3A_395 = arith.addi %mul3A_46, %add3A_394 : i32
        %get3A_396 = arith.index_cast %add3A_395 : i32 to index
        %get3A_397 = tpu.vector_load %arg6[%get3A_396] {strides = array<i32>} : memref<16384xf32, #tpu.memory_space<vmem>>, vector<16xf32>,
        %get3A_398 = vector.shape_cast %get3A_397 : vector<16xf32> to vector<16xf32>
        %lt3A_399 = arith.cmpf olt, %get3A_388, %get3A_393 : vector<16xf32>
        %select_n3A_400 = arith.select %lt3A_399, %get3A_398, %get3A_11 : vector<16xi1>, vector<16xf32>
        %get3A_401 = arith.index_cast %rem3A_79 : i32 to index
        %get3A_402 = arith.constant 320 : index
        %get3A_403 = tpu.vector_load %arg8[%get3A_401, %get3A_402] {strides = array<i32>} : memref<8x512xf32, #tpu.memory_space<vmem>>, vector<1x16xf32>,
        %get3A_404 = vector.shape_cast %get3A_403 : vector<1x16xf32> to vector<16xf32>
        %add3A_405 = arith.constant 320 : i32
        %add3A_406 = arith.addi %add3A_81, %add3A_405 : i32
        %get3A_407 = arith.index_cast %add3A_406 : i32 to index
        %get3A_408 = tpu.vector_load %arg6[%get3A_407] {strides = array<i32>} : memref<16384xf32, #tpu.memory_space<vmem>>, vector<16xf32>,
        %get3A_409 = vector.shape_cast %get3A_408 : vector<16xf32> to vector<16xf32>
        %add3A_410 = arith.constant 320 : i32
        %add3A_411 = arith.addi %mul3A_46, %add3A_410 : i32
        %get3A_412 = arith.index_cast %add3A_411 : i32 to index
        %get3A_413 = tpu.vector_load %arg6[%get3A_412] {strides = array<i32>} : memref<16384xf32, #tpu.memory_space<vmem>>, vector<16xf32>,
        %get3A_414 = vector.shape_cast %get3A_413 : vector<16xf32> to vector<16xf32>
        %lt3A_415 = arith.cmpf olt, %get3A_404, %get3A_409 : vector<16xf32>
        %select_n3A_416 = arith.select %lt3A_415, %get3A_414, %get3A_11 : vector<16xi1>, vector<16xf32>
        %get3A_417 = arith.index_cast %rem3A_79 : i32 to index
        %get3A_418 = arith.constant 336 : index
        %get3A_419 = tpu.vector_load %arg8[%get3A_417, %get3A_418] {strides = array<i32>} : memref<8x512xf32, #tpu.memory_space<vmem>>, vector<1x16xf32>,
        %get3A_420 = vector.shape_cast %get3A_419 : vector<1x16xf32> to vector<16xf32>
        %add3A_421 = arith.constant 336 : i32
        %add3A_422 = arith.addi %add3A_81, %add3A_421 : i32
        %get3A_423 = arith.index_cast %add3A_422 : i32 to index
        %get3A_424 = tpu.vector_load %arg6[%get3A_423] {strides = array<i32>} : memref<16384xf32, #tpu.memory_space<vmem>>, vector<16xf32>,
        %get3A_425 = vector.shape_cast %get3A_424 : vector<16xf32> to vector<16xf32>
        %add3A_426 = arith.constant 336 : i32
        %add3A_427 = arith.addi %mul3A_46, %add3A_426 : i32
        %get3A_428 = arith.index_cast %add3A_427 : i32 to index
        %get3A_429 = tpu.vector_load %arg6[%get3A_428] {strides = array<i32>} : memref<16384xf32, #tpu.memory_space<vmem>>, vector<16xf32>,
        %get3A_430 = vector.shape_cast %get3A_429 : vector<16xf32> to vector<16xf32>
        %lt3A_431 = arith.cmpf olt, %get3A_420, %get3A_425 : vector<16xf32>
        %select_n3A_432 = arith.select %lt3A_431, %get3A_430, %get3A_11 : vector<16xi1>, vector<16xf32>
        %get3A_433 = arith.index_cast %rem3A_79 : i32 to index
        %get3A_434 = arith.constant 352 : index
        %get3A_435 = tpu.vector_load %arg8[%get3A_433, %get3A_434] {strides = array<i32>} : memref<8x512xf32, #tpu.memory_space<vmem>>, vector<1x16xf32>,
        %get3A_436 = vector.shape_cast %get3A_435 : vector<1x16xf32> to vector<16xf32>
        %add3A_437 = arith.constant 352 : i32
        %add3A_438 = arith.addi %add3A_81, %add3A_437 : i32
        %get3A_439 = arith.index_cast %add3A_438 : i32 to index
        %get3A_440 = tpu.vector_load %arg6[%get3A_439] {strides = array<i32>} : memref<16384xf32, #tpu.memory_space<vmem>>, vector<16xf32>,
        %get3A_441 = vector.shape_cast %get3A_440 : vector<16xf32> to vector<16xf32>
        %add3A_442 = arith.constant 352 : i32
        %add3A_443 = arith.addi %mul3A_46, %add3A_442 : i32
        %get3A_444 = arith.index_cast %add3A_443 : i32 to index
        %get3A_445 = tpu.vector_load %arg6[%get3A_444] {strides = array<i32>} : memref<16384xf32, #tpu.memory_space<vmem>>, vector<16xf32>,
        %get3A_446 = vector.shape_cast %get3A_445 : vector<16xf32> to vector<16xf32>
        %lt3A_447 = arith.cmpf olt, %get3A_436, %get3A_441 : vector<16xf32>
        %select_n3A_448 = arith.select %lt3A_447, %get3A_446, %get3A_11 : vector<16xi1>, vector<16xf32>
        %get3A_449 = arith.index_cast %rem3A_79 : i32 to index
        %get3A_450 = arith.constant 368 : index
        %get3A_451 = tpu.vector_load %arg8[%get3A_449, %get3A_450] {strides = array<i32>} : memref<8x512xf32, #tpu.memory_space<vmem>>, vector<1x16xf32>,
        %get3A_452 = vector.shape_cast %get3A_451 : vector<1x16xf32> to vector<16xf32>
        %add3A_453 = arith.constant 368 : i32
        %add3A_454 = arith.addi %add3A_81, %add3A_453 : i32
        %get3A_455 = arith.index_cast %add3A_454 : i32 to index
        %get3A_456 = tpu.vector_load %arg6[%get3A_455] {strides = array<i32>} : memref<16384xf32, #tpu.memory_space<vmem>>, vector<16xf32>,
        %get3A_457 = vector.shape_cast %get3A_456 : vector<16xf32> to vector<16xf32>
        %add3A_458 = arith.constant 368 : i32
        %add3A_459 = arith.addi %mul3A_46, %add3A_458 : i32
        %get3A_460 = arith.index_cast %add3A_459 : i32 to index
        %get3A_461 = tpu.vector_load %arg6[%get3A_460] {strides = array<i32>} : memref<16384xf32, #tpu.memory_space<vmem>>, vector<16xf32>,
        %get3A_462 = vector.shape_cast %get3A_461 : vector<16xf32> to vector<16xf32>
        %lt3A_463 = arith.cmpf olt, %get3A_452, %get3A_457 : vector<16xf32>
        %select_n3A_464 = arith.select %lt3A_463, %get3A_462, %get3A_11 : vector<16xi1>, vector<16xf32>
        %get3A_465 = arith.index_cast %rem3A_79 : i32 to index
        %get3A_466 = arith.constant 384 : index
        %get3A_467 = tpu.vector_load %arg8[%get3A_465, %get3A_466] {strides = array<i32>} : memref<8x512xf32, #tpu.memory_space<vmem>>, vector<1x16xf32>,
        %get3A_468 = vector.shape_cast %get3A_467 : vector<1x16xf32> to vector<16xf32>
        %add3A_469 = arith.constant 384 : i32
        %add3A_470 = arith.addi %add3A_81, %add3A_469 : i32
        %get3A_471 = arith.index_cast %add3A_470 : i32 to index
        %get3A_472 = tpu.vector_load %arg6[%get3A_471] {strides = array<i32>} : memref<16384xf32, #tpu.memory_space<vmem>>, vector<16xf32>,
        %get3A_473 = vector.shape_cast %get3A_472 : vector<16xf32> to vector<16xf32>
        %add3A_474 = arith.constant 384 : i32
        %add3A_475 = arith.addi %mul3A_46, %add3A_474 : i32
        %get3A_476 = arith.index_cast %add3A_475 : i32 to index
        %get3A_477 = tpu.vector_load %arg6[%get3A_476] {strides = array<i32>} : memref<16384xf32, #tpu.memory_space<vmem>>, vector<16xf32>,
        %get3A_478 = vector.shape_cast %get3A_477 : vector<16xf32> to vector<16xf32>
        %lt3A_479 = arith.cmpf olt, %get3A_468, %get3A_473 : vector<16xf32>
        %select_n3A_480 = arith.select %lt3A_479, %get3A_478, %get3A_11 : vector<16xi1>, vector<16xf32>
        %get3A_481 = arith.index_cast %rem3A_79 : i32 to index
        %get3A_482 = arith.constant 400 : index
        %get3A_483 = tpu.vector_load %arg8[%get3A_481, %get3A_482] {strides = array<i32>} : memref<8x512xf32, #tpu.memory_space<vmem>>, vector<1x16xf32>,
        %get3A_484 = vector.shape_cast %get3A_483 : vector<1x16xf32> to vector<16xf32>
        %add3A_485 = arith.constant 400 : i32
        %add3A_486 = arith.addi %add3A_81, %add3A_485 : i32
        %get3A_487 = arith.index_cast %add3A_486 : i32 to index
        %get3A_488 = tpu.vector_load %arg6[%get3A_487] {strides = array<i32>} : memref<16384xf32, #tpu.memory_space<vmem>>, vector<16xf32>,
        %get3A_489 = vector.shape_cast %get3A_488 : vector<16xf32> to vector<16xf32>
        %add3A_490 = arith.constant 400 : i32
        %add3A_491 = arith.addi %mul3A_46, %add3A_490 : i32
        %get3A_492 = arith.index_cast %add3A_491 : i32 to index
        %get3A_493 = tpu.vector_load %arg6[%get3A_492] {strides = array<i32>} : memref<16384xf32, #tpu.memory_space<vmem>>, vector<16xf32>,
        %get3A_494 = vector.shape_cast %get3A_493 : vector<16xf32> to vector<16xf32>
        %lt3A_495 = arith.cmpf olt, %get3A_484, %get3A_489 : vector<16xf32>
        %select_n3A_496 = arith.select %lt3A_495, %get3A_494, %get3A_11 : vector<16xi1>, vector<16xf32>
        %get3A_497 = arith.index_cast %rem3A_79 : i32 to index
        %get3A_498 = arith.constant 416 : index
        %get3A_499 = tpu.vector_load %arg8[%get3A_497, %get3A_498] {strides = array<i32>} : memref<8x512xf32, #tpu.memory_space<vmem>>, vector<1x16xf32>,
        %get3A_500 = vector.shape_cast %get3A_499 : vector<1x16xf32> to vector<16xf32>
        %add3A_501 = arith.constant 416 : i32
        %add3A_502 = arith.addi %add3A_81, %add3A_501 : i32
        %get3A_503 = arith.index_cast %add3A_502 : i32 to index
        %get3A_504 = tpu.vector_load %arg6[%get3A_503] {strides = array<i32>} : memref<16384xf32, #tpu.memory_space<vmem>>, vector<16xf32>,
        %get3A_505 = vector.shape_cast %get3A_504 : vector<16xf32> to vector<16xf32>
        %add3A_506 = arith.constant 416 : i32
        %add3A_507 = arith.addi %mul3A_46, %add3A_506 : i32
        %get3A_508 = arith.index_cast %add3A_507 : i32 to index
        %get3A_509 = tpu.vector_load %arg6[%get3A_508] {strides = array<i32>} : memref<16384xf32, #tpu.memory_space<vmem>>, vector<16xf32>,
        %get3A_510 = vector.shape_cast %get3A_509 : vector<16xf32> to vector<16xf32>
        %lt3A_511 = arith.cmpf olt, %get3A_500, %get3A_505 : vector<16xf32>
        %select_n3A_512 = arith.select %lt3A_511, %get3A_510, %get3A_11 : vector<16xi1>, vector<16xf32>
        %get3A_513 = arith.index_cast %rem3A_79 : i32 to index
        %get3A_514 = arith.constant 432 : index
        %get3A_515 = tpu.vector_load %arg8[%get3A_513, %get3A_514] {strides = array<i32>} : memref<8x512xf32, #tpu.memory_space<vmem>>, vector<1x16xf32>,
        %get3A_516 = vector.shape_cast %get3A_515 : vector<1x16xf32> to vector<16xf32>
        %add3A_517 = arith.constant 432 : i32
        %add3A_518 = arith.addi %add3A_81, %add3A_517 : i32
        %get3A_519 = arith.index_cast %add3A_518 : i32 to index
        %get3A_520 = tpu.vector_load %arg6[%get3A_519] {strides = array<i32>} : memref<16384xf32, #tpu.memory_space<vmem>>, vector<16xf32>,
        %get3A_521 = vector.shape_cast %get3A_520 : vector<16xf32> to vector<16xf32>
        %add3A_522 = arith.constant 432 : i32
        %add3A_523 = arith.addi %mul3A_46, %add3A_522 : i32
        %get3A_524 = arith.index_cast %add3A_523 : i32 to index
        %get3A_525 = tpu.vector_load %arg6[%get3A_524] {strides = array<i32>} : memref<16384xf32, #tpu.memory_space<vmem>>, vector<16xf32>,
        %get3A_526 = vector.shape_cast %get3A_525 : vector<16xf32> to vector<16xf32>
        %lt3A_527 = arith.cmpf olt, %get3A_516, %get3A_521 : vector<16xf32>
        %select_n3A_528 = arith.select %lt3A_527, %get3A_526, %get3A_11 : vector<16xi1>, vector<16xf32>
        %get3A_529 = arith.index_cast %rem3A_79 : i32 to index
        %get3A_530 = arith.constant 448 : index
        %get3A_531 = tpu.vector_load %arg8[%get3A_529, %get3A_530] {strides = array<i32>} : memref<8x512xf32, #tpu.memory_space<vmem>>, vector<1x16xf32>,
        %get3A_532 = vector.shape_cast %get3A_531 : vector<1x16xf32> to vector<16xf32>
        %add3A_533 = arith.constant 448 : i32
        %add3A_534 = arith.addi %add3A_81, %add3A_533 : i32
        %get3A_535 = arith.index_cast %add3A_534 : i32 to index
        %get3A_536 = tpu.vector_load %arg6[%get3A_535] {strides = array<i32>} : memref<16384xf32, #tpu.memory_space<vmem>>, vector<16xf32>,
        %get3A_537 = vector.shape_cast %get3A_536 : vector<16xf32> to vector<16xf32>
        %add3A_538 = arith.constant 448 : i32
        %add3A_539 = arith.addi %mul3A_46, %add3A_538 : i32
        %get3A_540 = arith.index_cast %add3A_539 : i32 to index
        %get3A_541 = tpu.vector_load %arg6[%get3A_540] {strides = array<i32>} : memref<16384xf32, #tpu.memory_space<vmem>>, vector<16xf32>,
        %get3A_542 = vector.shape_cast %get3A_541 : vector<16xf32> to vector<16xf32>
        %lt3A_543 = arith.cmpf olt, %get3A_532, %get3A_537 : vector<16xf32>
        %select_n3A_544 = arith.select %lt3A_543, %get3A_542, %get3A_11 : vector<16xi1>, vector<16xf32>
        %get3A_545 = arith.index_cast %rem3A_79 : i32 to index
        %get3A_546 = arith.constant 464 : index
        %get3A_547 = tpu.vector_load %arg8[%get3A_545, %get3A_546] {strides = array<i32>} : memref<8x512xf32, #tpu.memory_space<vmem>>, vector<1x16xf32>,
        %get3A_548 = vector.shape_cast %get3A_547 : vector<1x16xf32> to vector<16xf32>
        %add3A_549 = arith.constant 464 : i32
        %add3A_550 = arith.addi %add3A_81, %add3A_549 : i32
        %get3A_551 = arith.index_cast %add3A_550 : i32 to index
        %get3A_552 = tpu.vector_load %arg6[%get3A_551] {strides = array<i32>} : memref<16384xf32, #tpu.memory_space<vmem>>, vector<16xf32>,
        %get3A_553 = vector.shape_cast %get3A_552 : vector<16xf32> to vector<16xf32>
        %add3A_554 = arith.constant 464 : i32
        %add3A_555 = arith.addi %mul3A_46, %add3A_554 : i32
        %get3A_556 = arith.index_cast %add3A_555 : i32 to index
        %get3A_557 = tpu.vector_load %arg6[%get3A_556] {strides = array<i32>} : memref<16384xf32, #tpu.memory_space<vmem>>, vector<16xf32>,
        %get3A_558 = vector.shape_cast %get3A_557 : vector<16xf32> to vector<16xf32>
        %lt3A_559 = arith.cmpf olt, %get3A_548, %get3A_553 : vector<16xf32>
        %select_n3A_560 = arith.select %lt3A_559, %get3A_558, %get3A_11 : vector<16xi1>, vector<16xf32>
        %get3A_561 = arith.index_cast %rem3A_79 : i32 to index
        %get3A_562 = arith.constant 480 : index
        %get3A_563 = tpu.vector_load %arg8[%get3A_561, %get3A_562] {strides = array<i32>} : memref<8x512xf32, #tpu.memory_space<vmem>>, vector<1x16xf32>,
        %get3A_564 = vector.shape_cast %get3A_563 : vector<1x16xf32> to vector<16xf32>
        %add3A_565 = arith.constant 480 : i32
        %add3A_566 = arith.addi %add3A_81, %add3A_565 : i32
        %get3A_567 = arith.index_cast %add3A_566 : i32 to index
        %get3A_568 = tpu.vector_load %arg6[%get3A_567] {strides = array<i32>} : memref<16384xf32, #tpu.memory_space<vmem>>, vector<16xf32>,
        %get3A_569 = vector.shape_cast %get3A_568 : vector<16xf32> to vector<16xf32>
        %add3A_570 = arith.constant 480 : i32
        %add3A_571 = arith.addi %mul3A_46, %add3A_570 : i32
        %get3A_572 = arith.index_cast %add3A_571 : i32 to index
        %get3A_573 = tpu.vector_load %arg6[%get3A_572] {strides = array<i32>} : memref<16384xf32, #tpu.memory_space<vmem>>, vector<16xf32>,
        %get3A_574 = vector.shape_cast %get3A_573 : vector<16xf32> to vector<16xf32>
        %lt3A_575 = arith.cmpf olt, %get3A_564, %get3A_569 : vector<16xf32>
        %select_n3A_576 = arith.select %lt3A_575, %get3A_574, %get3A_11 : vector<16xi1>, vector<16xf32>
        %get3A_577 = arith.index_cast %rem3A_79 : i32 to index
        %get3A_578 = arith.constant 496 : index
        %get3A_579 = tpu.vector_load %arg8[%get3A_577, %get3A_578] {strides = array<i32>} : memref<8x512xf32, #tpu.memory_space<vmem>>, vector<1x16xf32>,
        %get3A_580 = vector.shape_cast %get3A_579 : vector<1x16xf32> to vector<16xf32>
        %add3A_581 = arith.constant 496 : i32
        %add3A_582 = arith.addi %add3A_81, %add3A_581 : i32
        %get3A_583 = arith.index_cast %add3A_582 : i32 to index
        %get3A_584 = tpu.vector_load %arg6[%get3A_583] {strides = array<i32>} : memref<16384xf32, #tpu.memory_space<vmem>>, vector<16xf32>,
        %get3A_585 = vector.shape_cast %get3A_584 : vector<16xf32> to vector<16xf32>
        %add3A_586 = arith.constant 496 : i32
        %add3A_587 = arith.addi %mul3A_46, %add3A_586 : i32
        %get3A_588 = arith.index_cast %add3A_587 : i32 to index
        %get3A_589 = tpu.vector_load %arg6[%get3A_588] {strides = array<i32>} : memref<16384xf32, #tpu.memory_space<vmem>>, vector<16xf32>,
        %get3A_590 = vector.shape_cast %get3A_589 : vector<16xf32> to vector<16xf32>
        %lt3A_591 = arith.cmpf olt, %get3A_580, %get3A_585 : vector<16xf32>
        %select_n3A_592 = arith.select %lt3A_591, %get3A_590, %get3A_11 : vector<16xi1>, vector<16xf32>
        %min3A = arith.minimumf %select_n3A_96, %select_n3A_112 : vector<16xf32>
        %min3A_593 = arith.minimumf %select_n3A_128, %select_n3A_144 : vector<16xf32>
        %min3A_594 = arith.minimumf %select_n3A_160, %select_n3A_176 : vector<16xf32>
        %min3A_595 = arith.minimumf %select_n3A_192, %select_n3A_208 : vector<16xf32>
        %min3A_596 = arith.minimumf %select_n3A_224, %select_n3A_240 : vector<16xf32>
        %min3A_597 = arith.minimumf %select_n3A_256, %select_n3A_272 : vector<16xf32>
        %min3A_598 = arith.minimumf %select_n3A_288, %select_n3A_304 : vector<16xf32>
        %min3A_599 = arith.minimumf %select_n3A_320, %select_n3A_336 : vector<16xf32>
        %min3A_600 = arith.minimumf %select_n3A_352, %select_n3A_368 : vector<16xf32>
        %min3A_601 = arith.minimumf %select_n3A_384, %select_n3A_400 : vector<16xf32>
        %min3A_602 = arith.minimumf %select_n3A_416, %select_n3A_432 : vector<16xf32>
        %min3A_603 = arith.minimumf %select_n3A_448, %select_n3A_464 : vector<16xf32>
        %min3A_604 = arith.minimumf %select_n3A_480, %select_n3A_496 : vector<16xf32>
        %min3A_605 = arith.minimumf %select_n3A_512, %select_n3A_528 : vector<16xf32>
        %min3A_606 = arith.minimumf %select_n3A_544, %select_n3A_560 : vector<16xf32>
        %min3A_607 = arith.minimumf %select_n3A_576, %select_n3A_592 : vector<16xf32>
        %min3A_608 = arith.minimumf %min3A, %min3A_593 : vector<16xf32>
        %min3A_609 = arith.minimumf %min3A_594, %min3A_595 : vector<16xf32>
        %min3A_610 = arith.minimumf %min3A_596, %min3A_597 : vector<16xf32>
        %min3A_611 = arith.minimumf %min3A_598, %min3A_599 : vector<16xf32>
        %min3A_612 = arith.minimumf %min3A_600, %min3A_601 : vector<16xf32>
        %min3A_613 = arith.minimumf %min3A_602, %min3A_603 : vector<16xf32>
        %min3A_614 = arith.minimumf %min3A_604, %min3A_605 : vector<16xf32>
        %min3A_615 = arith.minimumf %min3A_606, %min3A_607 : vector<16xf32>
        %min3A_616 = arith.minimumf %min3A_608, %min3A_609 : vector<16xf32>
        %min3A_617 = arith.minimumf %min3A_610, %min3A_611 : vector<16xf32>
        %min3A_618 = arith.minimumf %min3A_612, %min3A_613 : vector<16xf32>
        %min3A_619 = arith.minimumf %min3A_614, %min3A_615 : vector<16xf32>
        %min3A_620 = arith.minimumf %min3A_616, %min3A_617 : vector<16xf32>
        %min3A_621 = arith.minimumf %min3A_618, %min3A_619 : vector<16xf32>
        %min3A_622 = arith.minimumf %min3A_620, %min3A_621 : vector<16xf32>
        %xor3A = arith.constant 1 : i32
        %xor3A_623 = vector.broadcast %xor3A : i32 to vector<16xi32>
        %xor3A_624 = arith.xori %iota3A, %xor3A_623 : vector<16xi32>
        %lt3A_625 = arith.constant 0 : i32
        %lt3A_626 = vector.broadcast %lt3A_625 : i32 to vector<16xi32>
        %lt3A_627 = arith.cmpi slt, %xor3A_624, %lt3A_626 : vector<16xi32>
        %add3A_628 = arith.constant 16 : i32
        %add3A_629 = vector.broadcast %add3A_628 : i32 to vector<16xi32>
        %add3A_630 = arith.addi %xor3A_624, %add3A_629 : vector<16xi32>
        %select_n3A_631 = arith.select %lt3A_627, %add3A_630, %xor3A_624 : vector<16xi1>, vector<16xi32>
        %broadcast_in_dim3A_632 = vector.shape_cast %select_n3A_631 : vector<16xi32> to vector<16x1xi32>
        %gather3A = vector.shape_cast %broadcast_in_dim3A_632 : vector<16x1xi32> to vector<16xi32>
        %gather3A_633 = tpu.dynamic_gather %min3A_622[%gather3A] in [0] : vector<16xf32>, vector<16xi32> -> vector<16xf32>
        %min3A_634 = arith.minimumf %min3A_622, %gather3A_633 : vector<16xf32>
        %xor3A_635 = arith.constant 2 : i32
        %xor3A_636 = vector.broadcast %xor3A_635 : i32 to vector<16xi32>
        %xor3A_637 = arith.xori %iota3A, %xor3A_636 : vector<16xi32>
        %lt3A_638 = arith.constant 0 : i32
        %lt3A_639 = vector.broadcast %lt3A_638 : i32 to vector<16xi32>
        %lt3A_640 = arith.cmpi slt, %xor3A_637, %lt3A_639 : vector<16xi32>
        %add3A_641 = arith.constant 16 : i32
        %add3A_642 = vector.broadcast %add3A_641 : i32 to vector<16xi32>
        %add3A_643 = arith.addi %xor3A_637, %add3A_642 : vector<16xi32>
        %select_n3A_644 = arith.select %lt3A_640, %add3A_643, %xor3A_637 : vector<16xi1>, vector<16xi32>
        %broadcast_in_dim3A_645 = vector.shape_cast %select_n3A_644 : vector<16xi32> to vector<16x1xi32>
        %gather3A_646 = vector.shape_cast %broadcast_in_dim3A_645 : vector<16x1xi32> to vector<16xi32>
        %gather3A_647 = tpu.dynamic_gather %min3A_634[%gather3A_646] in [0] : vector<16xf32>, vector<16xi32> -> vector<16xf32>
        %min3A_648 = arith.minimumf %min3A_634, %gather3A_647 : vector<16xf32>
        %xor3A_649 = arith.constant 4 : i32
        %xor3A_650 = vector.broadcast %xor3A_649 : i32 to vector<16xi32>
        %xor3A_651 = arith.xori %iota3A, %xor3A_650 : vector<16xi32>
        %lt3A_652 = arith.constant 0 : i32
        %lt3A_653 = vector.broadcast %lt3A_652 : i32 to vector<16xi32>
        %lt3A_654 = arith.cmpi slt, %xor3A_651, %lt3A_653 : vector<16xi32>
        %add3A_655 = arith.constant 16 : i32
        %add3A_656 = vector.broadcast %add3A_655 : i32 to vector<16xi32>
        %add3A_657 = arith.addi %xor3A_651, %add3A_656 : vector<16xi32>
        %select_n3A_658 = arith.select %lt3A_654, %add3A_657, %xor3A_651 : vector<16xi1>, vector<16xi32>
        %broadcast_in_dim3A_659 = vector.shape_cast %select_n3A_658 : vector<16xi32> to vector<16x1xi32>
        %gather3A_660 = vector.shape_cast %broadcast_in_dim3A_659 : vector<16x1xi32> to vector<16xi32>
        %gather3A_661 = tpu.dynamic_gather %min3A_648[%gather3A_660] in [0] : vector<16xf32>, vector<16xi32> -> vector<16xf32>
        %min3A_662 = arith.minimumf %min3A_648, %gather3A_661 : vector<16xf32>
        %xor3A_663 = arith.constant 8 : i32
        %xor3A_664 = vector.broadcast %xor3A_663 : i32 to vector<16xi32>
        %xor3A_665 = arith.xori %iota3A, %xor3A_664 : vector<16xi32>
        %lt3A_666 = arith.constant 0 : i32
        %lt3A_667 = vector.broadcast %lt3A_666 : i32 to vector<16xi32>
        %lt3A_668 = arith.cmpi slt, %xor3A_665, %lt3A_667 : vector<16xi32>
        %add3A_669 = arith.constant 16 : i32
        %add3A_670 = vector.broadcast %add3A_669 : i32 to vector<16xi32>
        %add3A_671 = arith.addi %xor3A_665, %add3A_670 : vector<16xi32>
        %select_n3A_672 = arith.select %lt3A_668, %add3A_671, %xor3A_665 : vector<16xi1>, vector<16xi32>
        %broadcast_in_dim3A_673 = vector.shape_cast %select_n3A_672 : vector<16xi32> to vector<16x1xi32>
        %gather3A_674 = vector.shape_cast %broadcast_in_dim3A_673 : vector<16x1xi32> to vector<16xi32>
        %gather3A_675 = tpu.dynamic_gather %min3A_662[%gather3A_674] in [0] : vector<16xf32>, vector<16xi32> -> vector<16xf32>
        %min3A_676 = arith.minimumf %min3A_662, %gather3A_675 : vector<16xf32>
        %get3A_677 = arith.constant 0 : i32
        %get3A_678 = arith.index_cast %get3A_677 : i32 to index
        %get3A_679 = memref.load %arg11[%get3A_678] : memref<1xi32, #tpu.memory_space<smem>>
        %swap3A_680 = arith.index_cast %get3A_679 : i32 to index
        %swap3A_681 = memref.load %arg10[%swap3A_680] : memref<128xi32, #tpu.memory_space<smem>>
        memref.store %get3A_58, %arg10[%swap3A_680] : memref<128xi32, #tpu.memory_space<smem>>
        %lt3A_682 = arith.cmpf olt, %min3A_676, %get3A_11 : vector<16xf32>
        %jit3A_683 = arith.constant 0 : i32
        %jit3A_684 = arith.constant 1 : i32
        %broadcast_in_dim3A_685 = vector.broadcast %jit3A_683 : i32 to vector<16xi32>
        %broadcast_in_dim3A_686 = vector.broadcast %jit3A_684 : i32 to vector<16xi32>
        %select_n3A_687 = arith.select %lt3A_682, %broadcast_in_dim3A_685, %broadcast_in_dim3A_686 : vector<16xi1>, vector<16xi32>
        %slice3A = vector.extract_strided_slice %select_n3A_687 {offsets = [0], sizes = [1], strides = [1]} : vector<16xi32> to vector<1xi32>
        %reshape3A = vector.extract %slice3A[0] : i32 from vector<1xi32>
        %add3A_688 = arith.addi %get3A_679, %reshape3A : i32
        %swap3A_689 = arith.constant 0 : i32
        %swap3A_690 = arith.index_cast %swap3A_689 : i32 to index
        %swap3A_691 = memref.load %arg11[%swap3A_690] : memref<1xi32, #tpu.memory_space<smem>>
        memref.store %add3A_688, %arg11[%swap3A_690] : memref<1xi32, #tpu.memory_space<smem>>
        %jit3A_692 = arith.constant 16 : i32
        %div3A_693 = arith.divsi %get3A_58, %jit3A_692 : i32
        %sign3A_694 = arith.constant 0 : i32
        %sign3A_695 = arith.cmpi sgt, %get3A_58, %sign3A_694 : i32
        %sign3A_696 = arith.extui %sign3A_695 : i1 to i32
        %sign3A_697 = arith.constant 0 : i32
        %sign3A_698 = arith.cmpi slt, %get3A_58, %sign3A_697 : i32
        %sign3A_699 = arith.extui %sign3A_698 : i1 to i32
        %sign3A_700 = arith.subi %sign3A_696, %sign3A_699 : i32
        %sign3A_701 = arith.constant 0 : i32
        %sign3A_702 = arith.cmpi sgt, %jit3A_692, %sign3A_701 : i32
        %sign3A_703 = arith.extui %sign3A_702 : i1 to i32
        %sign3A_704 = arith.constant 0 : i32
        %sign3A_705 = arith.cmpi slt, %jit3A_692, %sign3A_704 : i32
        %sign3A_706 = arith.extui %sign3A_705 : i1 to i32
        %sign3A_707 = arith.subi %sign3A_703, %sign3A_706 : i32
        %ne3A_708 = arith.cmpi ne, %sign3A_700, %sign3A_707 : i32
        %rem3A_709 = arith.remsi %get3A_58, %jit3A_692 : i32
        %ne3A_710 = arith.constant 0 : i32
        %ne3A_711 = arith.cmpi ne, %rem3A_709, %ne3A_710 : i32
        %and3A_712 = arith.andi %ne3A_708, %ne3A_711 : i1
        %sub3A_713 = arith.constant 1 : i32
        %sub3A_714 = arith.subi %div3A_693, %sub3A_713 : i32
        %select_n3A_715 = arith.select %and3A_712, %sub3A_714, %div3A_693 : i32
        %mul3A_716 = arith.constant 16 : i32
        %mul3A_717 = arith.muli %select_n3A_715, %mul3A_716 : i32
        %get3A_718 = arith.index_cast %mul3A_717 : i32 to index
        %get3A_719 = tpu.vector_load %arg9[%get3A_718] {strides = array<i32>} : memref<128xf32, #tpu.memory_space<vmem>>, vector<16xf32>,
        %get3A_720 = vector.shape_cast %get3A_719 : vector<16xf32> to vector<16xf32>
        %rem3A_721 = arith.constant 16 : i32
        %rem3A_722 = arith.remsi %get3A_58, %rem3A_721 : i32
        %eq3A = vector.broadcast %rem3A_722 : i32 to vector<16xi32>
        %eq3A_723 = arith.cmpi eq, %iota3A, %eq3A : vector<16xi32>
        %lt3A_724 = arith.cmpf olt, %min3A_676, %get3A_11 : vector<16xf32>
        %select_n3A_725 = arith.select %lt3A_724, %min3A_676, %get3A_14 : vector<16xi1>, vector<16xf32>
        %select_n3A_726 = arith.select %eq3A_723, %select_n3A_725, %get3A_720 : vector<16xi1>, vector<16xf32>
        %swap3A_727 = arith.index_cast %mul3A_717 : i32 to index
        %swap3A_728 = tpu.vector_load %arg9[%swap3A_727] {strides = array<i32>} : memref<128xf32, #tpu.memory_space<vmem>>, vector<16xf32>,
        %swap3A_729 = vector.shape_cast %swap3A_728 : vector<16xf32> to vector<16xf32>
        %swap3A_730 = vector.shape_cast %select_n3A_726 : vector<16xf32> to vector<16xf32>
        tpu.vector_store %arg9[%swap3A_727], %swap3A_730 {strides = array<i32>} : memref<128xf32, #tpu.memory_space<vmem>>, vector<16xf32>,
      }
      %while3A_55 = arith.constant 1 : i32
      scf.for %while3A_56 = %while3A_53 to %while3A_49 step %while3A_55  : i32 {
        %get3A_57 = arith.index_cast %while3A_56 : i32 to index
        %get3A_58 = memref.load %arg10[%get3A_57] : memref<128xi32, #tpu.memory_space<smem>>
        %jit3A = arith.constant 8 : i32
        %div3A = arith.divsi %get3A_58, %jit3A : i32
        %sign3A = arith.constant 0 : i32
        %sign3A_59 = arith.cmpi sgt, %get3A_58, %sign3A : i32
        %sign3A_60 = arith.extui %sign3A_59 : i1 to i32
        %sign3A_61 = arith.constant 0 : i32
        %sign3A_62 = arith.cmpi slt, %get3A_58, %sign3A_61 : i32
        %sign3A_63 = arith.extui %sign3A_62 : i1 to i32
        %sign3A_64 = arith.subi %sign3A_60, %sign3A_63 : i32
        %sign3A_65 = arith.constant 0 : i32
        %sign3A_66 = arith.cmpi sgt, %jit3A, %sign3A_65 : i32
        %sign3A_67 = arith.extui %sign3A_66 : i1 to i32
        %sign3A_68 = arith.constant 0 : i32
        %sign3A_69 = arith.cmpi slt, %jit3A, %sign3A_68 : i32
        %sign3A_70 = arith.extui %sign3A_69 : i1 to i32
        %sign3A_71 = arith.subi %sign3A_67, %sign3A_70 : i32
        %ne3A = arith.cmpi ne, %sign3A_64, %sign3A_71 : i32
        %rem3A = arith.remsi %get3A_58, %jit3A : i32
        %ne3A_72 = arith.constant 0 : i32
        %ne3A_73 = arith.cmpi ne, %rem3A, %ne3A_72 : i32
        %and3A = arith.andi %ne3A, %ne3A_73 : i1
        %sub3A = arith.constant 1 : i32
        %sub3A_74 = arith.subi %div3A, %sub3A : i32
        %select_n3A = arith.select %and3A, %sub3A_74, %div3A : i32
        %mul3A_75 = arith.constant 8 : i32
        %mul3A_76 = arith.muli %select_n3A, %mul3A_75 : i32
        %add3A_77 = arith.addi %mul3A_2, %mul3A_76 : i32
        %multiple_of3A = tpu.assume_multiple %add3A_77, 8 : i32
        "tpu.region"() ({
          %run_scoped3A = tpu.sem_alloc : memref<!tpu.dma_semaphore, #tpu.memory_space<semaphore_mem>>
          %dma_start3A_731 = tpu.memref_slice %arg3[%multiple_of3A, %mul3A_46] : memref<4096x8192xf32, #tpu.memory_space<hbm>> -> memref<8x512xf32, #tpu.memory_space<hbm>>
          %dma_start3A_732 = tpu.memref_slice %arg3[%multiple_of3A, %mul3A_46] : memref<4096x8192xf32, #tpu.memory_space<hbm>> -> memref<8x512xf32, #tpu.memory_space<hbm>>
          tpu.enqueue_dma source(%dma_start3A_732 : memref<8x512xf32, #tpu.memory_space<hbm>>) target(%arg8 : memref<8x512xf32, #tpu.memory_space<vmem>>) target_semaphore(%run_scoped3A : memref<!tpu.dma_semaphore, #tpu.memory_space<semaphore_mem>>)
          %dma_wait3A_733 = tpu.memref_slice %arg3[%multiple_of3A, %mul3A_46] : memref<4096x8192xf32, #tpu.memory_space<hbm>> -> memref<8x512xf32, #tpu.memory_space<hbm>>
          %dma_wait3A_734 = tpu.memref_slice %arg3[%multiple_of3A, %mul3A_46] : memref<4096x8192xf32, #tpu.memory_space<hbm>> -> memref<8x512xf32, #tpu.memory_space<hbm>>
          tpu.wait_dma2 semaphore(%run_scoped3A : memref<!tpu.dma_semaphore, #tpu.memory_space<semaphore_mem>>) src(%dma_wait3A_734 : memref<8x512xf32, #tpu.memory_space<hbm>>) dst(%arg8 : memref<8x512xf32, #tpu.memory_space<vmem>>)
          tpu.yield
        }) : () -> ()
        %rem3A_78 = arith.constant 8 : i32
        %rem3A_79 = arith.remsi %get3A_58, %rem3A_78 : i32
        %add3A_80 = arith.constant 8192 : i32
        %add3A_81 = arith.addi %add3A_80, %mul3A_46 : i32
        %get3A_82 = arith.index_cast %rem3A_79 : i32 to index
        %get3A_83 = arith.constant 0 : index
        %get3A_84 = tpu.vector_load %arg8[%get3A_82, %get3A_83] {strides = array<i32>} : memref<8x512xf32, #tpu.memory_space<vmem>>, vector<1x16xf32>,
        %get3A_85 = vector.shape_cast %get3A_84 : vector<1x16xf32> to vector<16xf32>
        %add3A_86 = arith.constant 0 : i32
        %add3A_87 = arith.addi %add3A_81, %add3A_86 : i32
        %get3A_88 = arith.index_cast %add3A_87 : i32 to index
        %get3A_89 = tpu.vector_load %arg6[%get3A_88] {strides = array<i32>} : memref<16384xf32, #tpu.memory_space<vmem>>, vector<16xf32>,
        %get3A_90 = vector.shape_cast %get3A_89 : vector<16xf32> to vector<16xf32>
        %add3A_91 = arith.constant 0 : i32
        %add3A_92 = arith.addi %mul3A_46, %add3A_91 : i32
        %get3A_93 = arith.index_cast %add3A_92 : i32 to index
        %get3A_94 = tpu.vector_load %arg6[%get3A_93] {strides = array<i32>} : memref<16384xf32, #tpu.memory_space<vmem>>, vector<16xf32>,
        %get3A_95 = vector.shape_cast %get3A_94 : vector<16xf32> to vector<16xf32>
        %lt3A = arith.cmpf olt, %get3A_85, %get3A_90 : vector<16xf32>
        %select_n3A_96 = arith.select %lt3A, %get3A_95, %get3A_11 : vector<16xi1>, vector<16xf32>
        %get3A_97 = arith.index_cast %rem3A_79 : i32 to index
        %get3A_98 = arith.constant 16 : index
        %get3A_99 = tpu.vector_load %arg8[%get3A_97, %get3A_98] {strides = array<i32>} : memref<8x512xf32, #tpu.memory_space<vmem>>, vector<1x16xf32>,
        %get3A_100 = vector.shape_cast %get3A_99 : vector<1x16xf32> to vector<16xf32>
        %add3A_101 = arith.constant 16 : i32
        %add3A_102 = arith.addi %add3A_81, %add3A_101 : i32
        %get3A_103 = arith.index_cast %add3A_102 : i32 to index
        %get3A_104 = tpu.vector_load %arg6[%get3A_103] {strides = array<i32>} : memref<16384xf32, #tpu.memory_space<vmem>>, vector<16xf32>,
        %get3A_105 = vector.shape_cast %get3A_104 : vector<16xf32> to vector<16xf32>
        %add3A_106 = arith.constant 16 : i32
        %add3A_107 = arith.addi %mul3A_46, %add3A_106 : i32
        %get3A_108 = arith.index_cast %add3A_107 : i32 to index
        %get3A_109 = tpu.vector_load %arg6[%get3A_108] {strides = array<i32>} : memref<16384xf32, #tpu.memory_space<vmem>>, vector<16xf32>,
        %get3A_110 = vector.shape_cast %get3A_109 : vector<16xf32> to vector<16xf32>
        %lt3A_111 = arith.cmpf olt, %get3A_100, %get3A_105 : vector<16xf32>
        %select_n3A_112 = arith.select %lt3A_111, %get3A_110, %get3A_11 : vector<16xi1>, vector<16xf32>
        %get3A_113 = arith.index_cast %rem3A_79 : i32 to index
        %get3A_114 = arith.constant 32 : index
        %get3A_115 = tpu.vector_load %arg8[%get3A_113, %get3A_114] {strides = array<i32>} : memref<8x512xf32, #tpu.memory_space<vmem>>, vector<1x16xf32>,
        %get3A_116 = vector.shape_cast %get3A_115 : vector<1x16xf32> to vector<16xf32>
        %add3A_117 = arith.constant 32 : i32
        %add3A_118 = arith.addi %add3A_81, %add3A_117 : i32
        %get3A_119 = arith.index_cast %add3A_118 : i32 to index
        %get3A_120 = tpu.vector_load %arg6[%get3A_119] {strides = array<i32>} : memref<16384xf32, #tpu.memory_space<vmem>>, vector<16xf32>,
        %get3A_121 = vector.shape_cast %get3A_120 : vector<16xf32> to vector<16xf32>
        %add3A_122 = arith.constant 32 : i32
        %add3A_123 = arith.addi %mul3A_46, %add3A_122 : i32
        %get3A_124 = arith.index_cast %add3A_123 : i32 to index
        %get3A_125 = tpu.vector_load %arg6[%get3A_124] {strides = array<i32>} : memref<16384xf32, #tpu.memory_space<vmem>>, vector<16xf32>,
        %get3A_126 = vector.shape_cast %get3A_125 : vector<16xf32> to vector<16xf32>
        %lt3A_127 = arith.cmpf olt, %get3A_116, %get3A_121 : vector<16xf32>
        %select_n3A_128 = arith.select %lt3A_127, %get3A_126, %get3A_11 : vector<16xi1>, vector<16xf32>
        %get3A_129 = arith.index_cast %rem3A_79 : i32 to index
        %get3A_130 = arith.constant 48 : index
        %get3A_131 = tpu.vector_load %arg8[%get3A_129, %get3A_130] {strides = array<i32>} : memref<8x512xf32, #tpu.memory_space<vmem>>, vector<1x16xf32>,
        %get3A_132 = vector.shape_cast %get3A_131 : vector<1x16xf32> to vector<16xf32>
        %add3A_133 = arith.constant 48 : i32
        %add3A_134 = arith.addi %add3A_81, %add3A_133 : i32
        %get3A_135 = arith.index_cast %add3A_134 : i32 to index
        %get3A_136 = tpu.vector_load %arg6[%get3A_135] {strides = array<i32>} : memref<16384xf32, #tpu.memory_space<vmem>>, vector<16xf32>,
        %get3A_137 = vector.shape_cast %get3A_136 : vector<16xf32> to vector<16xf32>
        %add3A_138 = arith.constant 48 : i32
        %add3A_139 = arith.addi %mul3A_46, %add3A_138 : i32
        %get3A_140 = arith.index_cast %add3A_139 : i32 to index
        %get3A_141 = tpu.vector_load %arg6[%get3A_140] {strides = array<i32>} : memref<16384xf32, #tpu.memory_space<vmem>>, vector<16xf32>,
        %get3A_142 = vector.shape_cast %get3A_141 : vector<16xf32> to vector<16xf32>
        %lt3A_143 = arith.cmpf olt, %get3A_132, %get3A_137 : vector<16xf32>
        %select_n3A_144 = arith.select %lt3A_143, %get3A_142, %get3A_11 : vector<16xi1>, vector<16xf32>
        %get3A_145 = arith.index_cast %rem3A_79 : i32 to index
        %get3A_146 = arith.constant 64 : index
        %get3A_147 = tpu.vector_load %arg8[%get3A_145, %get3A_146] {strides = array<i32>} : memref<8x512xf32, #tpu.memory_space<vmem>>, vector<1x16xf32>,
        %get3A_148 = vector.shape_cast %get3A_147 : vector<1x16xf32> to vector<16xf32>
        %add3A_149 = arith.constant 64 : i32
        %add3A_150 = arith.addi %add3A_81, %add3A_149 : i32
        %get3A_151 = arith.index_cast %add3A_150 : i32 to index
        %get3A_152 = tpu.vector_load %arg6[%get3A_151] {strides = array<i32>} : memref<16384xf32, #tpu.memory_space<vmem>>, vector<16xf32>,
        %get3A_153 = vector.shape_cast %get3A_152 : vector<16xf32> to vector<16xf32>
        %add3A_154 = arith.constant 64 : i32
        %add3A_155 = arith.addi %mul3A_46, %add3A_154 : i32
        %get3A_156 = arith.index_cast %add3A_155 : i32 to index
        %get3A_157 = tpu.vector_load %arg6[%get3A_156] {strides = array<i32>} : memref<16384xf32, #tpu.memory_space<vmem>>, vector<16xf32>,
        %get3A_158 = vector.shape_cast %get3A_157 : vector<16xf32> to vector<16xf32>
        %lt3A_159 = arith.cmpf olt, %get3A_148, %get3A_153 : vector<16xf32>
        %select_n3A_160 = arith.select %lt3A_159, %get3A_158, %get3A_11 : vector<16xi1>, vector<16xf32>
        %get3A_161 = arith.index_cast %rem3A_79 : i32 to index
        %get3A_162 = arith.constant 80 : index
        %get3A_163 = tpu.vector_load %arg8[%get3A_161, %get3A_162] {strides = array<i32>} : memref<8x512xf32, #tpu.memory_space<vmem>>, vector<1x16xf32>,
        %get3A_164 = vector.shape_cast %get3A_163 : vector<1x16xf32> to vector<16xf32>
        %add3A_165 = arith.constant 80 : i32
        %add3A_166 = arith.addi %add3A_81, %add3A_165 : i32
        %get3A_167 = arith.index_cast %add3A_166 : i32 to index
        %get3A_168 = tpu.vector_load %arg6[%get3A_167] {strides = array<i32>} : memref<16384xf32, #tpu.memory_space<vmem>>, vector<16xf32>,
        %get3A_169 = vector.shape_cast %get3A_168 : vector<16xf32> to vector<16xf32>
        %add3A_170 = arith.constant 80 : i32
        %add3A_171 = arith.addi %mul3A_46, %add3A_170 : i32
        %get3A_172 = arith.index_cast %add3A_171 : i32 to index
        %get3A_173 = tpu.vector_load %arg6[%get3A_172] {strides = array<i32>} : memref<16384xf32, #tpu.memory_space<vmem>>, vector<16xf32>,
        %get3A_174 = vector.shape_cast %get3A_173 : vector<16xf32> to vector<16xf32>
        %lt3A_175 = arith.cmpf olt, %get3A_164, %get3A_169 : vector<16xf32>
        %select_n3A_176 = arith.select %lt3A_175, %get3A_174, %get3A_11 : vector<16xi1>, vector<16xf32>
        %get3A_177 = arith.index_cast %rem3A_79 : i32 to index
        %get3A_178 = arith.constant 96 : index
        %get3A_179 = tpu.vector_load %arg8[%get3A_177, %get3A_178] {strides = array<i32>} : memref<8x512xf32, #tpu.memory_space<vmem>>, vector<1x16xf32>,
        %get3A_180 = vector.shape_cast %get3A_179 : vector<1x16xf32> to vector<16xf32>
        %add3A_181 = arith.constant 96 : i32
        %add3A_182 = arith.addi %add3A_81, %add3A_181 : i32
        %get3A_183 = arith.index_cast %add3A_182 : i32 to index
        %get3A_184 = tpu.vector_load %arg6[%get3A_183] {strides = array<i32>} : memref<16384xf32, #tpu.memory_space<vmem>>, vector<16xf32>,
        %get3A_185 = vector.shape_cast %get3A_184 : vector<16xf32> to vector<16xf32>
        %add3A_186 = arith.constant 96 : i32
        %add3A_187 = arith.addi %mul3A_46, %add3A_186 : i32
        %get3A_188 = arith.index_cast %add3A_187 : i32 to index
        %get3A_189 = tpu.vector_load %arg6[%get3A_188] {strides = array<i32>} : memref<16384xf32, #tpu.memory_space<vmem>>, vector<16xf32>,
        %get3A_190 = vector.shape_cast %get3A_189 : vector<16xf32> to vector<16xf32>
        %lt3A_191 = arith.cmpf olt, %get3A_180, %get3A_185 : vector<16xf32>
        %select_n3A_192 = arith.select %lt3A_191, %get3A_190, %get3A_11 : vector<16xi1>, vector<16xf32>
        %get3A_193 = arith.index_cast %rem3A_79 : i32 to index
        %get3A_194 = arith.constant 112 : index
        %get3A_195 = tpu.vector_load %arg8[%get3A_193, %get3A_194] {strides = array<i32>} : memref<8x512xf32, #tpu.memory_space<vmem>>, vector<1x16xf32>,
        %get3A_196 = vector.shape_cast %get3A_195 : vector<1x16xf32> to vector<16xf32>
        %add3A_197 = arith.constant 112 : i32
        %add3A_198 = arith.addi %add3A_81, %add3A_197 : i32
        %get3A_199 = arith.index_cast %add3A_198 : i32 to index
        %get3A_200 = tpu.vector_load %arg6[%get3A_199] {strides = array<i32>} : memref<16384xf32, #tpu.memory_space<vmem>>, vector<16xf32>,
        %get3A_201 = vector.shape_cast %get3A_200 : vector<16xf32> to vector<16xf32>
        %add3A_202 = arith.constant 112 : i32
        %add3A_203 = arith.addi %mul3A_46, %add3A_202 : i32
        %get3A_204 = arith.index_cast %add3A_203 : i32 to index
        %get3A_205 = tpu.vector_load %arg6[%get3A_204] {strides = array<i32>} : memref<16384xf32, #tpu.memory_space<vmem>>, vector<16xf32>,
        %get3A_206 = vector.shape_cast %get3A_205 : vector<16xf32> to vector<16xf32>
        %lt3A_207 = arith.cmpf olt, %get3A_196, %get3A_201 : vector<16xf32>
        %select_n3A_208 = arith.select %lt3A_207, %get3A_206, %get3A_11 : vector<16xi1>, vector<16xf32>
        %get3A_209 = arith.index_cast %rem3A_79 : i32 to index
        %get3A_210 = arith.constant 128 : index
        %get3A_211 = tpu.vector_load %arg8[%get3A_209, %get3A_210] {strides = array<i32>} : memref<8x512xf32, #tpu.memory_space<vmem>>, vector<1x16xf32>,
        %get3A_212 = vector.shape_cast %get3A_211 : vector<1x16xf32> to vector<16xf32>
        %add3A_213 = arith.constant 128 : i32
        %add3A_214 = arith.addi %add3A_81, %add3A_213 : i32
        %get3A_215 = arith.index_cast %add3A_214 : i32 to index
        %get3A_216 = tpu.vector_load %arg6[%get3A_215] {strides = array<i32>} : memref<16384xf32, #tpu.memory_space<vmem>>, vector<16xf32>,
        %get3A_217 = vector.shape_cast %get3A_216 : vector<16xf32> to vector<16xf32>
        %add3A_218 = arith.constant 128 : i32
        %add3A_219 = arith.addi %mul3A_46, %add3A_218 : i32
        %get3A_220 = arith.index_cast %add3A_219 : i32 to index
        %get3A_221 = tpu.vector_load %arg6[%get3A_220] {strides = array<i32>} : memref<16384xf32, #tpu.memory_space<vmem>>, vector<16xf32>,
        %get3A_222 = vector.shape_cast %get3A_221 : vector<16xf32> to vector<16xf32>
        %lt3A_223 = arith.cmpf olt, %get3A_212, %get3A_217 : vector<16xf32>
        %select_n3A_224 = arith.select %lt3A_223, %get3A_222, %get3A_11 : vector<16xi1>, vector<16xf32>
        %get3A_225 = arith.index_cast %rem3A_79 : i32 to index
        %get3A_226 = arith.constant 144 : index
        %get3A_227 = tpu.vector_load %arg8[%get3A_225, %get3A_226] {strides = array<i32>} : memref<8x512xf32, #tpu.memory_space<vmem>>, vector<1x16xf32>,
        %get3A_228 = vector.shape_cast %get3A_227 : vector<1x16xf32> to vector<16xf32>
        %add3A_229 = arith.constant 144 : i32
        %add3A_230 = arith.addi %add3A_81, %add3A_229 : i32
        %get3A_231 = arith.index_cast %add3A_230 : i32 to index
        %get3A_232 = tpu.vector_load %arg6[%get3A_231] {strides = array<i32>} : memref<16384xf32, #tpu.memory_space<vmem>>, vector<16xf32>,
        %get3A_233 = vector.shape_cast %get3A_232 : vector<16xf32> to vector<16xf32>
        %add3A_234 = arith.constant 144 : i32
        %add3A_235 = arith.addi %mul3A_46, %add3A_234 : i32
        %get3A_236 = arith.index_cast %add3A_235 : i32 to index
        %get3A_237 = tpu.vector_load %arg6[%get3A_236] {strides = array<i32>} : memref<16384xf32, #tpu.memory_space<vmem>>, vector<16xf32>,
        %get3A_238 = vector.shape_cast %get3A_237 : vector<16xf32> to vector<16xf32>
        %lt3A_239 = arith.cmpf olt, %get3A_228, %get3A_233 : vector<16xf32>
        %select_n3A_240 = arith.select %lt3A_239, %get3A_238, %get3A_11 : vector<16xi1>, vector<16xf32>
        %get3A_241 = arith.index_cast %rem3A_79 : i32 to index
        %get3A_242 = arith.constant 160 : index
        %get3A_243 = tpu.vector_load %arg8[%get3A_241, %get3A_242] {strides = array<i32>} : memref<8x512xf32, #tpu.memory_space<vmem>>, vector<1x16xf32>,
        %get3A_244 = vector.shape_cast %get3A_243 : vector<1x16xf32> to vector<16xf32>
        %add3A_245 = arith.constant 160 : i32
        %add3A_246 = arith.addi %add3A_81, %add3A_245 : i32
        %get3A_247 = arith.index_cast %add3A_246 : i32 to index
        %get3A_248 = tpu.vector_load %arg6[%get3A_247] {strides = array<i32>} : memref<16384xf32, #tpu.memory_space<vmem>>, vector<16xf32>,
        %get3A_249 = vector.shape_cast %get3A_248 : vector<16xf32> to vector<16xf32>
        %add3A_250 = arith.constant 160 : i32
        %add3A_251 = arith.addi %mul3A_46, %add3A_250 : i32
        %get3A_252 = arith.index_cast %add3A_251 : i32 to index
        %get3A_253 = tpu.vector_load %arg6[%get3A_252] {strides = array<i32>} : memref<16384xf32, #tpu.memory_space<vmem>>, vector<16xf32>,
        %get3A_254 = vector.shape_cast %get3A_253 : vector<16xf32> to vector<16xf32>
        %lt3A_255 = arith.cmpf olt, %get3A_244, %get3A_249 : vector<16xf32>
        %select_n3A_256 = arith.select %lt3A_255, %get3A_254, %get3A_11 : vector<16xi1>, vector<16xf32>
        %get3A_257 = arith.index_cast %rem3A_79 : i32 to index
        %get3A_258 = arith.constant 176 : index
        %get3A_259 = tpu.vector_load %arg8[%get3A_257, %get3A_258] {strides = array<i32>} : memref<8x512xf32, #tpu.memory_space<vmem>>, vector<1x16xf32>,
        %get3A_260 = vector.shape_cast %get3A_259 : vector<1x16xf32> to vector<16xf32>
        %add3A_261 = arith.constant 176 : i32
        %add3A_262 = arith.addi %add3A_81, %add3A_261 : i32
        %get3A_263 = arith.index_cast %add3A_262 : i32 to index
        %get3A_264 = tpu.vector_load %arg6[%get3A_263] {strides = array<i32>} : memref<16384xf32, #tpu.memory_space<vmem>>, vector<16xf32>,
        %get3A_265 = vector.shape_cast %get3A_264 : vector<16xf32> to vector<16xf32>
        %add3A_266 = arith.constant 176 : i32
        %add3A_267 = arith.addi %mul3A_46, %add3A_266 : i32
        %get3A_268 = arith.index_cast %add3A_267 : i32 to index
        %get3A_269 = tpu.vector_load %arg6[%get3A_268] {strides = array<i32>} : memref<16384xf32, #tpu.memory_space<vmem>>, vector<16xf32>,
        %get3A_270 = vector.shape_cast %get3A_269 : vector<16xf32> to vector<16xf32>
        %lt3A_271 = arith.cmpf olt, %get3A_260, %get3A_265 : vector<16xf32>
        %select_n3A_272 = arith.select %lt3A_271, %get3A_270, %get3A_11 : vector<16xi1>, vector<16xf32>
        %get3A_273 = arith.index_cast %rem3A_79 : i32 to index
        %get3A_274 = arith.constant 192 : index
        %get3A_275 = tpu.vector_load %arg8[%get3A_273, %get3A_274] {strides = array<i32>} : memref<8x512xf32, #tpu.memory_space<vmem>>, vector<1x16xf32>,
        %get3A_276 = vector.shape_cast %get3A_275 : vector<1x16xf32> to vector<16xf32>
        %add3A_277 = arith.constant 192 : i32
        %add3A_278 = arith.addi %add3A_81, %add3A_277 : i32
        %get3A_279 = arith.index_cast %add3A_278 : i32 to index
        %get3A_280 = tpu.vector_load %arg6[%get3A_279] {strides = array<i32>} : memref<16384xf32, #tpu.memory_space<vmem>>, vector<16xf32>,
        %get3A_281 = vector.shape_cast %get3A_280 : vector<16xf32> to vector<16xf32>
        %add3A_282 = arith.constant 192 : i32
        %add3A_283 = arith.addi %mul3A_46, %add3A_282 : i32
        %get3A_284 = arith.index_cast %add3A_283 : i32 to index
        %get3A_285 = tpu.vector_load %arg6[%get3A_284] {strides = array<i32>} : memref<16384xf32, #tpu.memory_space<vmem>>, vector<16xf32>,
        %get3A_286 = vector.shape_cast %get3A_285 : vector<16xf32> to vector<16xf32>
        %lt3A_287 = arith.cmpf olt, %get3A_276, %get3A_281 : vector<16xf32>
        %select_n3A_288 = arith.select %lt3A_287, %get3A_286, %get3A_11 : vector<16xi1>, vector<16xf32>
        %get3A_289 = arith.index_cast %rem3A_79 : i32 to index
        %get3A_290 = arith.constant 208 : index
        %get3A_291 = tpu.vector_load %arg8[%get3A_289, %get3A_290] {strides = array<i32>} : memref<8x512xf32, #tpu.memory_space<vmem>>, vector<1x16xf32>,
        %get3A_292 = vector.shape_cast %get3A_291 : vector<1x16xf32> to vector<16xf32>
        %add3A_293 = arith.constant 208 : i32
        %add3A_294 = arith.addi %add3A_81, %add3A_293 : i32
        %get3A_295 = arith.index_cast %add3A_294 : i32 to index
        %get3A_296 = tpu.vector_load %arg6[%get3A_295] {strides = array<i32>} : memref<16384xf32, #tpu.memory_space<vmem>>, vector<16xf32>,
        %get3A_297 = vector.shape_cast %get3A_296 : vector<16xf32> to vector<16xf32>
        %add3A_298 = arith.constant 208 : i32
        %add3A_299 = arith.addi %mul3A_46, %add3A_298 : i32
        %get3A_300 = arith.index_cast %add3A_299 : i32 to index
        %get3A_301 = tpu.vector_load %arg6[%get3A_300] {strides = array<i32>} : memref<16384xf32, #tpu.memory_space<vmem>>, vector<16xf32>,
        %get3A_302 = vector.shape_cast %get3A_301 : vector<16xf32> to vector<16xf32>
        %lt3A_303 = arith.cmpf olt, %get3A_292, %get3A_297 : vector<16xf32>
        %select_n3A_304 = arith.select %lt3A_303, %get3A_302, %get3A_11 : vector<16xi1>, vector<16xf32>
        %get3A_305 = arith.index_cast %rem3A_79 : i32 to index
        %get3A_306 = arith.constant 224 : index
        %get3A_307 = tpu.vector_load %arg8[%get3A_305, %get3A_306] {strides = array<i32>} : memref<8x512xf32, #tpu.memory_space<vmem>>, vector<1x16xf32>,
        %get3A_308 = vector.shape_cast %get3A_307 : vector<1x16xf32> to vector<16xf32>
        %add3A_309 = arith.constant 224 : i32
        %add3A_310 = arith.addi %add3A_81, %add3A_309 : i32
        %get3A_311 = arith.index_cast %add3A_310 : i32 to index
        %get3A_312 = tpu.vector_load %arg6[%get3A_311] {strides = array<i32>} : memref<16384xf32, #tpu.memory_space<vmem>>, vector<16xf32>,
        %get3A_313 = vector.shape_cast %get3A_312 : vector<16xf32> to vector<16xf32>
        %add3A_314 = arith.constant 224 : i32
        %add3A_315 = arith.addi %mul3A_46, %add3A_314 : i32
        %get3A_316 = arith.index_cast %add3A_315 : i32 to index
        %get3A_317 = tpu.vector_load %arg6[%get3A_316] {strides = array<i32>} : memref<16384xf32, #tpu.memory_space<vmem>>, vector<16xf32>,
        %get3A_318 = vector.shape_cast %get3A_317 : vector<16xf32> to vector<16xf32>
        %lt3A_319 = arith.cmpf olt, %get3A_308, %get3A_313 : vector<16xf32>
        %select_n3A_320 = arith.select %lt3A_319, %get3A_318, %get3A_11 : vector<16xi1>, vector<16xf32>
        %get3A_321 = arith.index_cast %rem3A_79 : i32 to index
        %get3A_322 = arith.constant 240 : index
        %get3A_323 = tpu.vector_load %arg8[%get3A_321, %get3A_322] {strides = array<i32>} : memref<8x512xf32, #tpu.memory_space<vmem>>, vector<1x16xf32>,
        %get3A_324 = vector.shape_cast %get3A_323 : vector<1x16xf32> to vector<16xf32>
        %add3A_325 = arith.constant 240 : i32
        %add3A_326 = arith.addi %add3A_81, %add3A_325 : i32
        %get3A_327 = arith.index_cast %add3A_326 : i32 to index
        %get3A_328 = tpu.vector_load %arg6[%get3A_327] {strides = array<i32>} : memref<16384xf32, #tpu.memory_space<vmem>>, vector<16xf32>,
        %get3A_329 = vector.shape_cast %get3A_328 : vector<16xf32> to vector<16xf32>
        %add3A_330 = arith.constant 240 : i32
        %add3A_331 = arith.addi %mul3A_46, %add3A_330 : i32
        %get3A_332 = arith.index_cast %add3A_331 : i32 to index
        %get3A_333 = tpu.vector_load %arg6[%get3A_332] {strides = array<i32>} : memref<16384xf32, #tpu.memory_space<vmem>>, vector<16xf32>,
        %get3A_334 = vector.shape_cast %get3A_333 : vector<16xf32> to vector<16xf32>
        %lt3A_335 = arith.cmpf olt, %get3A_324, %get3A_329 : vector<16xf32>
        %select_n3A_336 = arith.select %lt3A_335, %get3A_334, %get3A_11 : vector<16xi1>, vector<16xf32>
        %get3A_337 = arith.index_cast %rem3A_79 : i32 to index
        %get3A_338 = arith.constant 256 : index
        %get3A_339 = tpu.vector_load %arg8[%get3A_337, %get3A_338] {strides = array<i32>} : memref<8x512xf32, #tpu.memory_space<vmem>>, vector<1x16xf32>,
        %get3A_340 = vector.shape_cast %get3A_339 : vector<1x16xf32> to vector<16xf32>
        %add3A_341 = arith.constant 256 : i32
        %add3A_342 = arith.addi %add3A_81, %add3A_341 : i32
        %get3A_343 = arith.index_cast %add3A_342 : i32 to index
        %get3A_344 = tpu.vector_load %arg6[%get3A_343] {strides = array<i32>} : memref<16384xf32, #tpu.memory_space<vmem>>, vector<16xf32>,
        %get3A_345 = vector.shape_cast %get3A_344 : vector<16xf32> to vector<16xf32>
        %add3A_346 = arith.constant 256 : i32
        %add3A_347 = arith.addi %mul3A_46, %add3A_346 : i32
        %get3A_348 = arith.index_cast %add3A_347 : i32 to index
        %get3A_349 = tpu.vector_load %arg6[%get3A_348] {strides = array<i32>} : memref<16384xf32, #tpu.memory_space<vmem>>, vector<16xf32>,
        %get3A_350 = vector.shape_cast %get3A_349 : vector<16xf32> to vector<16xf32>
        %lt3A_351 = arith.cmpf olt, %get3A_340, %get3A_345 : vector<16xf32>
        %select_n3A_352 = arith.select %lt3A_351, %get3A_350, %get3A_11 : vector<16xi1>, vector<16xf32>
        %get3A_353 = arith.index_cast %rem3A_79 : i32 to index
        %get3A_354 = arith.constant 272 : index
        %get3A_355 = tpu.vector_load %arg8[%get3A_353, %get3A_354] {strides = array<i32>} : memref<8x512xf32, #tpu.memory_space<vmem>>, vector<1x16xf32>,
        %get3A_356 = vector.shape_cast %get3A_355 : vector<1x16xf32> to vector<16xf32>
        %add3A_357 = arith.constant 272 : i32
        %add3A_358 = arith.addi %add3A_81, %add3A_357 : i32
        %get3A_359 = arith.index_cast %add3A_358 : i32 to index
        %get3A_360 = tpu.vector_load %arg6[%get3A_359] {strides = array<i32>} : memref<16384xf32, #tpu.memory_space<vmem>>, vector<16xf32>,
        %get3A_361 = vector.shape_cast %get3A_360 : vector<16xf32> to vector<16xf32>
        %add3A_362 = arith.constant 272 : i32
        %add3A_363 = arith.addi %mul3A_46, %add3A_362 : i32
        %get3A_364 = arith.index_cast %add3A_363 : i32 to index
        %get3A_365 = tpu.vector_load %arg6[%get3A_364] {strides = array<i32>} : memref<16384xf32, #tpu.memory_space<vmem>>, vector<16xf32>,
        %get3A_366 = vector.shape_cast %get3A_365 : vector<16xf32> to vector<16xf32>
        %lt3A_367 = arith.cmpf olt, %get3A_356, %get3A_361 : vector<16xf32>
        %select_n3A_368 = arith.select %lt3A_367, %get3A_366, %get3A_11 : vector<16xi1>, vector<16xf32>
        %get3A_369 = arith.index_cast %rem3A_79 : i32 to index
        %get3A_370 = arith.constant 288 : index
        %get3A_371 = tpu.vector_load %arg8[%get3A_369, %get3A_370] {strides = array<i32>} : memref<8x512xf32, #tpu.memory_space<vmem>>, vector<1x16xf32>,
        %get3A_372 = vector.shape_cast %get3A_371 : vector<1x16xf32> to vector<16xf32>
        %add3A_373 = arith.constant 288 : i32
        %add3A_374 = arith.addi %add3A_81, %add3A_373 : i32
        %get3A_375 = arith.index_cast %add3A_374 : i32 to index
        %get3A_376 = tpu.vector_load %arg6[%get3A_375] {strides = array<i32>} : memref<16384xf32, #tpu.memory_space<vmem>>, vector<16xf32>,
        %get3A_377 = vector.shape_cast %get3A_376 : vector<16xf32> to vector<16xf32>
        %add3A_378 = arith.constant 288 : i32
        %add3A_379 = arith.addi %mul3A_46, %add3A_378 : i32
        %get3A_380 = arith.index_cast %add3A_379 : i32 to index
        %get3A_381 = tpu.vector_load %arg6[%get3A_380] {strides = array<i32>} : memref<16384xf32, #tpu.memory_space<vmem>>, vector<16xf32>,
        %get3A_382 = vector.shape_cast %get3A_381 : vector<16xf32> to vector<16xf32>
        %lt3A_383 = arith.cmpf olt, %get3A_372, %get3A_377 : vector<16xf32>
        %select_n3A_384 = arith.select %lt3A_383, %get3A_382, %get3A_11 : vector<16xi1>, vector<16xf32>
        %get3A_385 = arith.index_cast %rem3A_79 : i32 to index
        %get3A_386 = arith.constant 304 : index
        %get3A_387 = tpu.vector_load %arg8[%get3A_385, %get3A_386] {strides = array<i32>} : memref<8x512xf32, #tpu.memory_space<vmem>>, vector<1x16xf32>,
        %get3A_388 = vector.shape_cast %get3A_387 : vector<1x16xf32> to vector<16xf32>
        %add3A_389 = arith.constant 304 : i32
        %add3A_390 = arith.addi %add3A_81, %add3A_389 : i32
        %get3A_391 = arith.index_cast %add3A_390 : i32 to index
        %get3A_392 = tpu.vector_load %arg6[%get3A_391] {strides = array<i32>} : memref<16384xf32, #tpu.memory_space<vmem>>, vector<16xf32>,
        %get3A_393 = vector.shape_cast %get3A_392 : vector<16xf32> to vector<16xf32>
        %add3A_394 = arith.constant 304 : i32
        %add3A_395 = arith.addi %mul3A_46, %add3A_394 : i32
        %get3A_396 = arith.index_cast %add3A_395 : i32 to index
        %get3A_397 = tpu.vector_load %arg6[%get3A_396] {strides = array<i32>} : memref<16384xf32, #tpu.memory_space<vmem>>, vector<16xf32>,
        %get3A_398 = vector.shape_cast %get3A_397 : vector<16xf32> to vector<16xf32>
        %lt3A_399 = arith.cmpf olt, %get3A_388, %get3A_393 : vector<16xf32>
        %select_n3A_400 = arith.select %lt3A_399, %get3A_398, %get3A_11 : vector<16xi1>, vector<16xf32>
        %get3A_401 = arith.index_cast %rem3A_79 : i32 to index
        %get3A_402 = arith.constant 320 : index
        %get3A_403 = tpu.vector_load %arg8[%get3A_401, %get3A_402] {strides = array<i32>} : memref<8x512xf32, #tpu.memory_space<vmem>>, vector<1x16xf32>,
        %get3A_404 = vector.shape_cast %get3A_403 : vector<1x16xf32> to vector<16xf32>
        %add3A_405 = arith.constant 320 : i32
        %add3A_406 = arith.addi %add3A_81, %add3A_405 : i32
        %get3A_407 = arith.index_cast %add3A_406 : i32 to index
        %get3A_408 = tpu.vector_load %arg6[%get3A_407] {strides = array<i32>} : memref<16384xf32, #tpu.memory_space<vmem>>, vector<16xf32>,
        %get3A_409 = vector.shape_cast %get3A_408 : vector<16xf32> to vector<16xf32>
        %add3A_410 = arith.constant 320 : i32
        %add3A_411 = arith.addi %mul3A_46, %add3A_410 : i32
        %get3A_412 = arith.index_cast %add3A_411 : i32 to index
        %get3A_413 = tpu.vector_load %arg6[%get3A_412] {strides = array<i32>} : memref<16384xf32, #tpu.memory_space<vmem>>, vector<16xf32>,
        %get3A_414 = vector.shape_cast %get3A_413 : vector<16xf32> to vector<16xf32>
        %lt3A_415 = arith.cmpf olt, %get3A_404, %get3A_409 : vector<16xf32>
        %select_n3A_416 = arith.select %lt3A_415, %get3A_414, %get3A_11 : vector<16xi1>, vector<16xf32>
        %get3A_417 = arith.index_cast %rem3A_79 : i32 to index
        %get3A_418 = arith.constant 336 : index
        %get3A_419 = tpu.vector_load %arg8[%get3A_417, %get3A_418] {strides = array<i32>} : memref<8x512xf32, #tpu.memory_space<vmem>>, vector<1x16xf32>,
        %get3A_420 = vector.shape_cast %get3A_419 : vector<1x16xf32> to vector<16xf32>
        %add3A_421 = arith.constant 336 : i32
        %add3A_422 = arith.addi %add3A_81, %add3A_421 : i32
        %get3A_423 = arith.index_cast %add3A_422 : i32 to index
        %get3A_424 = tpu.vector_load %arg6[%get3A_423] {strides = array<i32>} : memref<16384xf32, #tpu.memory_space<vmem>>, vector<16xf32>,
        %get3A_425 = vector.shape_cast %get3A_424 : vector<16xf32> to vector<16xf32>
        %add3A_426 = arith.constant 336 : i32
        %add3A_427 = arith.addi %mul3A_46, %add3A_426 : i32
        %get3A_428 = arith.index_cast %add3A_427 : i32 to index
        %get3A_429 = tpu.vector_load %arg6[%get3A_428] {strides = array<i32>} : memref<16384xf32, #tpu.memory_space<vmem>>, vector<16xf32>,
        %get3A_430 = vector.shape_cast %get3A_429 : vector<16xf32> to vector<16xf32>
        %lt3A_431 = arith.cmpf olt, %get3A_420, %get3A_425 : vector<16xf32>
        %select_n3A_432 = arith.select %lt3A_431, %get3A_430, %get3A_11 : vector<16xi1>, vector<16xf32>
        %get3A_433 = arith.index_cast %rem3A_79 : i32 to index
        %get3A_434 = arith.constant 352 : index
        %get3A_435 = tpu.vector_load %arg8[%get3A_433, %get3A_434] {strides = array<i32>} : memref<8x512xf32, #tpu.memory_space<vmem>>, vector<1x16xf32>,
        %get3A_436 = vector.shape_cast %get3A_435 : vector<1x16xf32> to vector<16xf32>
        %add3A_437 = arith.constant 352 : i32
        %add3A_438 = arith.addi %add3A_81, %add3A_437 : i32
        %get3A_439 = arith.index_cast %add3A_438 : i32 to index
        %get3A_440 = tpu.vector_load %arg6[%get3A_439] {strides = array<i32>} : memref<16384xf32, #tpu.memory_space<vmem>>, vector<16xf32>,
        %get3A_441 = vector.shape_cast %get3A_440 : vector<16xf32> to vector<16xf32>
        %add3A_442 = arith.constant 352 : i32
        %add3A_443 = arith.addi %mul3A_46, %add3A_442 : i32
        %get3A_444 = arith.index_cast %add3A_443 : i32 to index
        %get3A_445 = tpu.vector_load %arg6[%get3A_444] {strides = array<i32>} : memref<16384xf32, #tpu.memory_space<vmem>>, vector<16xf32>,
        %get3A_446 = vector.shape_cast %get3A_445 : vector<16xf32> to vector<16xf32>
        %lt3A_447 = arith.cmpf olt, %get3A_436, %get3A_441 : vector<16xf32>
        %select_n3A_448 = arith.select %lt3A_447, %get3A_446, %get3A_11 : vector<16xi1>, vector<16xf32>
        %get3A_449 = arith.index_cast %rem3A_79 : i32 to index
        %get3A_450 = arith.constant 368 : index
        %get3A_451 = tpu.vector_load %arg8[%get3A_449, %get3A_450] {strides = array<i32>} : memref<8x512xf32, #tpu.memory_space<vmem>>, vector<1x16xf32>,
        %get3A_452 = vector.shape_cast %get3A_451 : vector<1x16xf32> to vector<16xf32>
        %add3A_453 = arith.constant 368 : i32
        %add3A_454 = arith.addi %add3A_81, %add3A_453 : i32
        %get3A_455 = arith.index_cast %add3A_454 : i32 to index
        %get3A_456 = tpu.vector_load %arg6[%get3A_455] {strides = array<i32>} : memref<16384xf32, #tpu.memory_space<vmem>>, vector<16xf32>,
        %get3A_457 = vector.shape_cast %get3A_456 : vector<16xf32> to vector<16xf32>
        %add3A_458 = arith.constant 368 : i32
        %add3A_459 = arith.addi %mul3A_46, %add3A_458 : i32
        %get3A_460 = arith.index_cast %add3A_459 : i32 to index
        %get3A_461 = tpu.vector_load %arg6[%get3A_460] {strides = array<i32>} : memref<16384xf32, #tpu.memory_space<vmem>>, vector<16xf32>,
        %get3A_462 = vector.shape_cast %get3A_461 : vector<16xf32> to vector<16xf32>
        %lt3A_463 = arith.cmpf olt, %get3A_452, %get3A_457 : vector<16xf32>
        %select_n3A_464 = arith.select %lt3A_463, %get3A_462, %get3A_11 : vector<16xi1>, vector<16xf32>
        %get3A_465 = arith.index_cast %rem3A_79 : i32 to index
        %get3A_466 = arith.constant 384 : index
        %get3A_467 = tpu.vector_load %arg8[%get3A_465, %get3A_466] {strides = array<i32>} : memref<8x512xf32, #tpu.memory_space<vmem>>, vector<1x16xf32>,
        %get3A_468 = vector.shape_cast %get3A_467 : vector<1x16xf32> to vector<16xf32>
        %add3A_469 = arith.constant 384 : i32
        %add3A_470 = arith.addi %add3A_81, %add3A_469 : i32
        %get3A_471 = arith.index_cast %add3A_470 : i32 to index
        %get3A_472 = tpu.vector_load %arg6[%get3A_471] {strides = array<i32>} : memref<16384xf32, #tpu.memory_space<vmem>>, vector<16xf32>,
        %get3A_473 = vector.shape_cast %get3A_472 : vector<16xf32> to vector<16xf32>
        %add3A_474 = arith.constant 384 : i32
        %add3A_475 = arith.addi %mul3A_46, %add3A_474 : i32
        %get3A_476 = arith.index_cast %add3A_475 : i32 to index
        %get3A_477 = tpu.vector_load %arg6[%get3A_476] {strides = array<i32>} : memref<16384xf32, #tpu.memory_space<vmem>>, vector<16xf32>,
        %get3A_478 = vector.shape_cast %get3A_477 : vector<16xf32> to vector<16xf32>
        %lt3A_479 = arith.cmpf olt, %get3A_468, %get3A_473 : vector<16xf32>
        %select_n3A_480 = arith.select %lt3A_479, %get3A_478, %get3A_11 : vector<16xi1>, vector<16xf32>
        %get3A_481 = arith.index_cast %rem3A_79 : i32 to index
        %get3A_482 = arith.constant 400 : index
        %get3A_483 = tpu.vector_load %arg8[%get3A_481, %get3A_482] {strides = array<i32>} : memref<8x512xf32, #tpu.memory_space<vmem>>, vector<1x16xf32>,
        %get3A_484 = vector.shape_cast %get3A_483 : vector<1x16xf32> to vector<16xf32>
        %add3A_485 = arith.constant 400 : i32
        %add3A_486 = arith.addi %add3A_81, %add3A_485 : i32
        %get3A_487 = arith.index_cast %add3A_486 : i32 to index
        %get3A_488 = tpu.vector_load %arg6[%get3A_487] {strides = array<i32>} : memref<16384xf32, #tpu.memory_space<vmem>>, vector<16xf32>,
        %get3A_489 = vector.shape_cast %get3A_488 : vector<16xf32> to vector<16xf32>
        %add3A_490 = arith.constant 400 : i32
        %add3A_491 = arith.addi %mul3A_46, %add3A_490 : i32
        %get3A_492 = arith.index_cast %add3A_491 : i32 to index
        %get3A_493 = tpu.vector_load %arg6[%get3A_492] {strides = array<i32>} : memref<16384xf32, #tpu.memory_space<vmem>>, vector<16xf32>,
        %get3A_494 = vector.shape_cast %get3A_493 : vector<16xf32> to vector<16xf32>
        %lt3A_495 = arith.cmpf olt, %get3A_484, %get3A_489 : vector<16xf32>
        %select_n3A_496 = arith.select %lt3A_495, %get3A_494, %get3A_11 : vector<16xi1>, vector<16xf32>
        %get3A_497 = arith.index_cast %rem3A_79 : i32 to index
        %get3A_498 = arith.constant 416 : index
        %get3A_499 = tpu.vector_load %arg8[%get3A_497, %get3A_498] {strides = array<i32>} : memref<8x512xf32, #tpu.memory_space<vmem>>, vector<1x16xf32>,
        %get3A_500 = vector.shape_cast %get3A_499 : vector<1x16xf32> to vector<16xf32>
        %add3A_501 = arith.constant 416 : i32
        %add3A_502 = arith.addi %add3A_81, %add3A_501 : i32
        %get3A_503 = arith.index_cast %add3A_502 : i32 to index
        %get3A_504 = tpu.vector_load %arg6[%get3A_503] {strides = array<i32>} : memref<16384xf32, #tpu.memory_space<vmem>>, vector<16xf32>,
        %get3A_505 = vector.shape_cast %get3A_504 : vector<16xf32> to vector<16xf32>
        %add3A_506 = arith.constant 416 : i32
        %add3A_507 = arith.addi %mul3A_46, %add3A_506 : i32
        %get3A_508 = arith.index_cast %add3A_507 : i32 to index
        %get3A_509 = tpu.vector_load %arg6[%get3A_508] {strides = array<i32>} : memref<16384xf32, #tpu.memory_space<vmem>>, vector<16xf32>,
        %get3A_510 = vector.shape_cast %get3A_509 : vector<16xf32> to vector<16xf32>
        %lt3A_511 = arith.cmpf olt, %get3A_500, %get3A_505 : vector<16xf32>
        %select_n3A_512 = arith.select %lt3A_511, %get3A_510, %get3A_11 : vector<16xi1>, vector<16xf32>
        %get3A_513 = arith.index_cast %rem3A_79 : i32 to index
        %get3A_514 = arith.constant 432 : index
        %get3A_515 = tpu.vector_load %arg8[%get3A_513, %get3A_514] {strides = array<i32>} : memref<8x512xf32, #tpu.memory_space<vmem>>, vector<1x16xf32>,
        %get3A_516 = vector.shape_cast %get3A_515 : vector<1x16xf32> to vector<16xf32>
        %add3A_517 = arith.constant 432 : i32
        %add3A_518 = arith.addi %add3A_81, %add3A_517 : i32
        %get3A_519 = arith.index_cast %add3A_518 : i32 to index
        %get3A_520 = tpu.vector_load %arg6[%get3A_519] {strides = array<i32>} : memref<16384xf32, #tpu.memory_space<vmem>>, vector<16xf32>,
        %get3A_521 = vector.shape_cast %get3A_520 : vector<16xf32> to vector<16xf32>
        %add3A_522 = arith.constant 432 : i32
        %add3A_523 = arith.addi %mul3A_46, %add3A_522 : i32
        %get3A_524 = arith.index_cast %add3A_523 : i32 to index
        %get3A_525 = tpu.vector_load %arg6[%get3A_524] {strides = array<i32>} : memref<16384xf32, #tpu.memory_space<vmem>>, vector<16xf32>,
        %get3A_526 = vector.shape_cast %get3A_525 : vector<16xf32> to vector<16xf32>
        %lt3A_527 = arith.cmpf olt, %get3A_516, %get3A_521 : vector<16xf32>
        %select_n3A_528 = arith.select %lt3A_527, %get3A_526, %get3A_11 : vector<16xi1>, vector<16xf32>
        %get3A_529 = arith.index_cast %rem3A_79 : i32 to index
        %get3A_530 = arith.constant 448 : index
        %get3A_531 = tpu.vector_load %arg8[%get3A_529, %get3A_530] {strides = array<i32>} : memref<8x512xf32, #tpu.memory_space<vmem>>, vector<1x16xf32>,
        %get3A_532 = vector.shape_cast %get3A_531 : vector<1x16xf32> to vector<16xf32>
        %add3A_533 = arith.constant 448 : i32
        %add3A_534 = arith.addi %add3A_81, %add3A_533 : i32
        %get3A_535 = arith.index_cast %add3A_534 : i32 to index
        %get3A_536 = tpu.vector_load %arg6[%get3A_535] {strides = array<i32>} : memref<16384xf32, #tpu.memory_space<vmem>>, vector<16xf32>,
        %get3A_537 = vector.shape_cast %get3A_536 : vector<16xf32> to vector<16xf32>
        %add3A_538 = arith.constant 448 : i32
        %add3A_539 = arith.addi %mul3A_46, %add3A_538 : i32
        %get3A_540 = arith.index_cast %add3A_539 : i32 to index
        %get3A_541 = tpu.vector_load %arg6[%get3A_540] {strides = array<i32>} : memref<16384xf32, #tpu.memory_space<vmem>>, vector<16xf32>,
        %get3A_542 = vector.shape_cast %get3A_541 : vector<16xf32> to vector<16xf32>
        %lt3A_543 = arith.cmpf olt, %get3A_532, %get3A_537 : vector<16xf32>
        %select_n3A_544 = arith.select %lt3A_543, %get3A_542, %get3A_11 : vector<16xi1>, vector<16xf32>
        %get3A_545 = arith.index_cast %rem3A_79 : i32 to index
        %get3A_546 = arith.constant 464 : index
        %get3A_547 = tpu.vector_load %arg8[%get3A_545, %get3A_546] {strides = array<i32>} : memref<8x512xf32, #tpu.memory_space<vmem>>, vector<1x16xf32>,
        %get3A_548 = vector.shape_cast %get3A_547 : vector<1x16xf32> to vector<16xf32>
        %add3A_549 = arith.constant 464 : i32
        %add3A_550 = arith.addi %add3A_81, %add3A_549 : i32
        %get3A_551 = arith.index_cast %add3A_550 : i32 to index
        %get3A_552 = tpu.vector_load %arg6[%get3A_551] {strides = array<i32>} : memref<16384xf32, #tpu.memory_space<vmem>>, vector<16xf32>,
        %get3A_553 = vector.shape_cast %get3A_552 : vector<16xf32> to vector<16xf32>
        %add3A_554 = arith.constant 464 : i32
        %add3A_555 = arith.addi %mul3A_46, %add3A_554 : i32
        %get3A_556 = arith.index_cast %add3A_555 : i32 to index
        %get3A_557 = tpu.vector_load %arg6[%get3A_556] {strides = array<i32>} : memref<16384xf32, #tpu.memory_space<vmem>>, vector<16xf32>,
        %get3A_558 = vector.shape_cast %get3A_557 : vector<16xf32> to vector<16xf32>
        %lt3A_559 = arith.cmpf olt, %get3A_548, %get3A_553 : vector<16xf32>
        %select_n3A_560 = arith.select %lt3A_559, %get3A_558, %get3A_11 : vector<16xi1>, vector<16xf32>
        %get3A_561 = arith.index_cast %rem3A_79 : i32 to index
        %get3A_562 = arith.constant 480 : index
        %get3A_563 = tpu.vector_load %arg8[%get3A_561, %get3A_562] {strides = array<i32>} : memref<8x512xf32, #tpu.memory_space<vmem>>, vector<1x16xf32>,
        %get3A_564 = vector.shape_cast %get3A_563 : vector<1x16xf32> to vector<16xf32>
        %add3A_565 = arith.constant 480 : i32
        %add3A_566 = arith.addi %add3A_81, %add3A_565 : i32
        %get3A_567 = arith.index_cast %add3A_566 : i32 to index
        %get3A_568 = tpu.vector_load %arg6[%get3A_567] {strides = array<i32>} : memref<16384xf32, #tpu.memory_space<vmem>>, vector<16xf32>,
        %get3A_569 = vector.shape_cast %get3A_568 : vector<16xf32> to vector<16xf32>
        %add3A_570 = arith.constant 480 : i32
        %add3A_571 = arith.addi %mul3A_46, %add3A_570 : i32
        %get3A_572 = arith.index_cast %add3A_571 : i32 to index
        %get3A_573 = tpu.vector_load %arg6[%get3A_572] {strides = array<i32>} : memref<16384xf32, #tpu.memory_space<vmem>>, vector<16xf32>,
        %get3A_574 = vector.shape_cast %get3A_573 : vector<16xf32> to vector<16xf32>
        %lt3A_575 = arith.cmpf olt, %get3A_564, %get3A_569 : vector<16xf32>
        %select_n3A_576 = arith.select %lt3A_575, %get3A_574, %get3A_11 : vector<16xi1>, vector<16xf32>
        %get3A_577 = arith.index_cast %rem3A_79 : i32 to index
        %get3A_578 = arith.constant 496 : index
        %get3A_579 = tpu.vector_load %arg8[%get3A_577, %get3A_578] {strides = array<i32>} : memref<8x512xf32, #tpu.memory_space<vmem>>, vector<1x16xf32>,
        %get3A_580 = vector.shape_cast %get3A_579 : vector<1x16xf32> to vector<16xf32>
        %add3A_581 = arith.constant 496 : i32
        %add3A_582 = arith.addi %add3A_81, %add3A_581 : i32
        %get3A_583 = arith.index_cast %add3A_582 : i32 to index
        %get3A_584 = tpu.vector_load %arg6[%get3A_583] {strides = array<i32>} : memref<16384xf32, #tpu.memory_space<vmem>>, vector<16xf32>,
        %get3A_585 = vector.shape_cast %get3A_584 : vector<16xf32> to vector<16xf32>
        %add3A_586 = arith.constant 496 : i32
        %add3A_587 = arith.addi %mul3A_46, %add3A_586 : i32
        %get3A_588 = arith.index_cast %add3A_587 : i32 to index
        %get3A_589 = tpu.vector_load %arg6[%get3A_588] {strides = array<i32>} : memref<16384xf32, #tpu.memory_space<vmem>>, vector<16xf32>,
        %get3A_590 = vector.shape_cast %get3A_589 : vector<16xf32> to vector<16xf32>
        %lt3A_591 = arith.cmpf olt, %get3A_580, %get3A_585 : vector<16xf32>
        %select_n3A_592 = arith.select %lt3A_591, %get3A_590, %get3A_11 : vector<16xi1>, vector<16xf32>
        %min3A = arith.minimumf %select_n3A_96, %select_n3A_112 : vector<16xf32>
        %min3A_593 = arith.minimumf %select_n3A_128, %select_n3A_144 : vector<16xf32>
        %min3A_594 = arith.minimumf %select_n3A_160, %select_n3A_176 : vector<16xf32>
        %min3A_595 = arith.minimumf %select_n3A_192, %select_n3A_208 : vector<16xf32>
        %min3A_596 = arith.minimumf %select_n3A_224, %select_n3A_240 : vector<16xf32>
        %min3A_597 = arith.minimumf %select_n3A_256, %select_n3A_272 : vector<16xf32>
        %min3A_598 = arith.minimumf %select_n3A_288, %select_n3A_304 : vector<16xf32>
        %min3A_599 = arith.minimumf %select_n3A_320, %select_n3A_336 : vector<16xf32>
        %min3A_600 = arith.minimumf %select_n3A_352, %select_n3A_368 : vector<16xf32>
        %min3A_601 = arith.minimumf %select_n3A_384, %select_n3A_400 : vector<16xf32>
        %min3A_602 = arith.minimumf %select_n3A_416, %select_n3A_432 : vector<16xf32>
        %min3A_603 = arith.minimumf %select_n3A_448, %select_n3A_464 : vector<16xf32>
        %min3A_604 = arith.minimumf %select_n3A_480, %select_n3A_496 : vector<16xf32>
        %min3A_605 = arith.minimumf %select_n3A_512, %select_n3A_528 : vector<16xf32>
        %min3A_606 = arith.minimumf %select_n3A_544, %select_n3A_560 : vector<16xf32>
        %min3A_607 = arith.minimumf %select_n3A_576, %select_n3A_592 : vector<16xf32>
        %min3A_608 = arith.minimumf %min3A, %min3A_593 : vector<16xf32>
        %min3A_609 = arith.minimumf %min3A_594, %min3A_595 : vector<16xf32>
        %min3A_610 = arith.minimumf %min3A_596, %min3A_597 : vector<16xf32>
        %min3A_611 = arith.minimumf %min3A_598, %min3A_599 : vector<16xf32>
        %min3A_612 = arith.minimumf %min3A_600, %min3A_601 : vector<16xf32>
        %min3A_613 = arith.minimumf %min3A_602, %min3A_603 : vector<16xf32>
        %min3A_614 = arith.minimumf %min3A_604, %min3A_605 : vector<16xf32>
        %min3A_615 = arith.minimumf %min3A_606, %min3A_607 : vector<16xf32>
        %min3A_616 = arith.minimumf %min3A_608, %min3A_609 : vector<16xf32>
        %min3A_617 = arith.minimumf %min3A_610, %min3A_611 : vector<16xf32>
        %min3A_618 = arith.minimumf %min3A_612, %min3A_613 : vector<16xf32>
        %min3A_619 = arith.minimumf %min3A_614, %min3A_615 : vector<16xf32>
        %min3A_620 = arith.minimumf %min3A_616, %min3A_617 : vector<16xf32>
        %min3A_621 = arith.minimumf %min3A_618, %min3A_619 : vector<16xf32>
        %min3A_622 = arith.minimumf %min3A_620, %min3A_621 : vector<16xf32>
        %xor3A = arith.constant 1 : i32
        %xor3A_623 = vector.broadcast %xor3A : i32 to vector<16xi32>
        %xor3A_624 = arith.xori %iota3A, %xor3A_623 : vector<16xi32>
        %lt3A_625 = arith.constant 0 : i32
        %lt3A_626 = vector.broadcast %lt3A_625 : i32 to vector<16xi32>
        %lt3A_627 = arith.cmpi slt, %xor3A_624, %lt3A_626 : vector<16xi32>
        %add3A_628 = arith.constant 16 : i32
        %add3A_629 = vector.broadcast %add3A_628 : i32 to vector<16xi32>
        %add3A_630 = arith.addi %xor3A_624, %add3A_629 : vector<16xi32>
        %select_n3A_631 = arith.select %lt3A_627, %add3A_630, %xor3A_624 : vector<16xi1>, vector<16xi32>
        %broadcast_in_dim3A_632 = vector.shape_cast %select_n3A_631 : vector<16xi32> to vector<16x1xi32>
        %gather3A = vector.shape_cast %broadcast_in_dim3A_632 : vector<16x1xi32> to vector<16xi32>
        %gather3A_633 = tpu.dynamic_gather %min3A_622[%gather3A] in [0] : vector<16xf32>, vector<16xi32> -> vector<16xf32>
        %min3A_634 = arith.minimumf %min3A_622, %gather3A_633 : vector<16xf32>
        %xor3A_635 = arith.constant 2 : i32
        %xor3A_636 = vector.broadcast %xor3A_635 : i32 to vector<16xi32>
        %xor3A_637 = arith.xori %iota3A, %xor3A_636 : vector<16xi32>
        %lt3A_638 = arith.constant 0 : i32
        %lt3A_639 = vector.broadcast %lt3A_638 : i32 to vector<16xi32>
        %lt3A_640 = arith.cmpi slt, %xor3A_637, %lt3A_639 : vector<16xi32>
        %add3A_641 = arith.constant 16 : i32
        %add3A_642 = vector.broadcast %add3A_641 : i32 to vector<16xi32>
        %add3A_643 = arith.addi %xor3A_637, %add3A_642 : vector<16xi32>
        %select_n3A_644 = arith.select %lt3A_640, %add3A_643, %xor3A_637 : vector<16xi1>, vector<16xi32>
        %broadcast_in_dim3A_645 = vector.shape_cast %select_n3A_644 : vector<16xi32> to vector<16x1xi32>
        %gather3A_646 = vector.shape_cast %broadcast_in_dim3A_645 : vector<16x1xi32> to vector<16xi32>
        %gather3A_647 = tpu.dynamic_gather %min3A_634[%gather3A_646] in [0] : vector<16xf32>, vector<16xi32> -> vector<16xf32>
        %min3A_648 = arith.minimumf %min3A_634, %gather3A_647 : vector<16xf32>
        %xor3A_649 = arith.constant 4 : i32
        %xor3A_650 = vector.broadcast %xor3A_649 : i32 to vector<16xi32>
        %xor3A_651 = arith.xori %iota3A, %xor3A_650 : vector<16xi32>
        %lt3A_652 = arith.constant 0 : i32
        %lt3A_653 = vector.broadcast %lt3A_652 : i32 to vector<16xi32>
        %lt3A_654 = arith.cmpi slt, %xor3A_651, %lt3A_653 : vector<16xi32>
        %add3A_655 = arith.constant 16 : i32
        %add3A_656 = vector.broadcast %add3A_655 : i32 to vector<16xi32>
        %add3A_657 = arith.addi %xor3A_651, %add3A_656 : vector<16xi32>
        %select_n3A_658 = arith.select %lt3A_654, %add3A_657, %xor3A_651 : vector<16xi1>, vector<16xi32>
        %broadcast_in_dim3A_659 = vector.shape_cast %select_n3A_658 : vector<16xi32> to vector<16x1xi32>
        %gather3A_660 = vector.shape_cast %broadcast_in_dim3A_659 : vector<16x1xi32> to vector<16xi32>
        %gather3A_661 = tpu.dynamic_gather %min3A_648[%gather3A_660] in [0] : vector<16xf32>, vector<16xi32> -> vector<16xf32>
        %min3A_662 = arith.minimumf %min3A_648, %gather3A_661 : vector<16xf32>
        %xor3A_663 = arith.constant 8 : i32
        %xor3A_664 = vector.broadcast %xor3A_663 : i32 to vector<16xi32>
        %xor3A_665 = arith.xori %iota3A, %xor3A_664 : vector<16xi32>
        %lt3A_666 = arith.constant 0 : i32
        %lt3A_667 = vector.broadcast %lt3A_666 : i32 to vector<16xi32>
        %lt3A_668 = arith.cmpi slt, %xor3A_665, %lt3A_667 : vector<16xi32>
        %add3A_669 = arith.constant 16 : i32
        %add3A_670 = vector.broadcast %add3A_669 : i32 to vector<16xi32>
        %add3A_671 = arith.addi %xor3A_665, %add3A_670 : vector<16xi32>
        %select_n3A_672 = arith.select %lt3A_668, %add3A_671, %xor3A_665 : vector<16xi1>, vector<16xi32>
        %broadcast_in_dim3A_673 = vector.shape_cast %select_n3A_672 : vector<16xi32> to vector<16x1xi32>
        %gather3A_674 = vector.shape_cast %broadcast_in_dim3A_673 : vector<16x1xi32> to vector<16xi32>
        %gather3A_675 = tpu.dynamic_gather %min3A_662[%gather3A_674] in [0] : vector<16xf32>, vector<16xi32> -> vector<16xf32>
        %min3A_676 = arith.minimumf %min3A_662, %gather3A_675 : vector<16xf32>
        %get3A_677 = arith.constant 0 : i32
        %get3A_678 = arith.index_cast %get3A_677 : i32 to index
        %get3A_679 = memref.load %arg11[%get3A_678] : memref<1xi32, #tpu.memory_space<smem>>
        %swap3A_680 = arith.index_cast %get3A_679 : i32 to index
        %swap3A_681 = memref.load %arg10[%swap3A_680] : memref<128xi32, #tpu.memory_space<smem>>
        memref.store %get3A_58, %arg10[%swap3A_680] : memref<128xi32, #tpu.memory_space<smem>>
        %lt3A_682 = arith.cmpf olt, %min3A_676, %get3A_11 : vector<16xf32>
        %jit3A_683 = arith.constant 0 : i32
        %jit3A_684 = arith.constant 1 : i32
        %broadcast_in_dim3A_685 = vector.broadcast %jit3A_683 : i32 to vector<16xi32>
        %broadcast_in_dim3A_686 = vector.broadcast %jit3A_684 : i32 to vector<16xi32>
        %select_n3A_687 = arith.select %lt3A_682, %broadcast_in_dim3A_685, %broadcast_in_dim3A_686 : vector<16xi1>, vector<16xi32>
        %slice3A = vector.extract_strided_slice %select_n3A_687 {offsets = [0], sizes = [1], strides = [1]} : vector<16xi32> to vector<1xi32>
        %reshape3A = vector.extract %slice3A[0] : i32 from vector<1xi32>
        %add3A_688 = arith.addi %get3A_679, %reshape3A : i32
        %swap3A_689 = arith.constant 0 : i32
        %swap3A_690 = arith.index_cast %swap3A_689 : i32 to index
        %swap3A_691 = memref.load %arg11[%swap3A_690] : memref<1xi32, #tpu.memory_space<smem>>
        memref.store %add3A_688, %arg11[%swap3A_690] : memref<1xi32, #tpu.memory_space<smem>>
        %jit3A_692 = arith.constant 16 : i32
        %div3A_693 = arith.divsi %get3A_58, %jit3A_692 : i32
        %sign3A_694 = arith.constant 0 : i32
        %sign3A_695 = arith.cmpi sgt, %get3A_58, %sign3A_694 : i32
        %sign3A_696 = arith.extui %sign3A_695 : i1 to i32
        %sign3A_697 = arith.constant 0 : i32
        %sign3A_698 = arith.cmpi slt, %get3A_58, %sign3A_697 : i32
        %sign3A_699 = arith.extui %sign3A_698 : i1 to i32
        %sign3A_700 = arith.subi %sign3A_696, %sign3A_699 : i32
        %sign3A_701 = arith.constant 0 : i32
        %sign3A_702 = arith.cmpi sgt, %jit3A_692, %sign3A_701 : i32
        %sign3A_703 = arith.extui %sign3A_702 : i1 to i32
        %sign3A_704 = arith.constant 0 : i32
        %sign3A_705 = arith.cmpi slt, %jit3A_692, %sign3A_704 : i32
        %sign3A_706 = arith.extui %sign3A_705 : i1 to i32
        %sign3A_707 = arith.subi %sign3A_703, %sign3A_706 : i32
        %ne3A_708 = arith.cmpi ne, %sign3A_700, %sign3A_707 : i32
        %rem3A_709 = arith.remsi %get3A_58, %jit3A_692 : i32
        %ne3A_710 = arith.constant 0 : i32
        %ne3A_711 = arith.cmpi ne, %rem3A_709, %ne3A_710 : i32
        %and3A_712 = arith.andi %ne3A_708, %ne3A_711 : i1
        %sub3A_713 = arith.constant 1 : i32
        %sub3A_714 = arith.subi %div3A_693, %sub3A_713 : i32
        %select_n3A_715 = arith.select %and3A_712, %sub3A_714, %div3A_693 : i32
        %mul3A_716 = arith.constant 16 : i32
        %mul3A_717 = arith.muli %select_n3A_715, %mul3A_716 : i32
        %get3A_718 = arith.index_cast %mul3A_717 : i32 to index
        %get3A_719 = tpu.vector_load %arg9[%get3A_718] {strides = array<i32>} : memref<128xf32, #tpu.memory_space<vmem>>, vector<16xf32>,
        %get3A_720 = vector.shape_cast %get3A_719 : vector<16xf32> to vector<16xf32>
        %rem3A_721 = arith.constant 16 : i32
        %rem3A_722 = arith.remsi %get3A_58, %rem3A_721 : i32
        %eq3A = vector.broadcast %rem3A_722 : i32 to vector<16xi32>
        %eq3A_723 = arith.cmpi eq, %iota3A, %eq3A : vector<16xi32>
        %lt3A_724 = arith.cmpf olt, %min3A_676, %get3A_11 : vector<16xf32>
        %select_n3A_725 = arith.select %lt3A_724, %min3A_676, %get3A_14 : vector<16xi1>, vector<16xf32>
        %select_n3A_726 = arith.select %eq3A_723, %select_n3A_725, %get3A_720 : vector<16xi1>, vector<16xf32>
        %swap3A_727 = arith.index_cast %mul3A_717 : i32 to index
        %swap3A_728 = tpu.vector_load %arg9[%swap3A_727] {strides = array<i32>} : memref<128xf32, #tpu.memory_space<vmem>>, vector<16xf32>,
        %swap3A_729 = vector.shape_cast %swap3A_728 : vector<16xf32> to vector<16xf32>
        %swap3A_730 = vector.shape_cast %select_n3A_726 : vector<16xf32> to vector<16xf32>
        tpu.vector_store %arg9[%swap3A_727], %swap3A_730 {strides = array<i32>} : memref<128xf32, #tpu.memory_space<vmem>>, vector<16xf32>,
      }
    }
    %scan3A_36 = arith.constant 16 : i32
    "tpu.region"() ({
      %run_scoped3A = tpu.sem_alloc : memref<!tpu.dma_semaphore, #tpu.memory_space<semaphore_mem>>
      %dma_start3A_37 = tpu.memref_slice %arg4[%mul3A_2] : memref<4096xf32, #tpu.memory_space<hbm>> -> memref<128xf32, #tpu.memory_space<hbm>>
      %dma_start3A_38 = tpu.memref_slice %arg4[%mul3A_2] : memref<4096xf32, #tpu.memory_space<hbm>> -> memref<128xf32, #tpu.memory_space<hbm>>
      tpu.enqueue_dma source(%arg9 : memref<128xf32, #tpu.memory_space<vmem>>) target(%dma_start3A_38 : memref<128xf32, #tpu.memory_space<hbm>>) target_semaphore(%run_scoped3A : memref<!tpu.dma_semaphore, #tpu.memory_space<semaphore_mem>>)
      %dma_wait3A_39 = tpu.memref_slice %arg4[%mul3A_2] : memref<4096xf32, #tpu.memory_space<hbm>> -> memref<128xf32, #tpu.memory_space<hbm>>
      %dma_wait3A_40 = tpu.memref_slice %arg4[%mul3A_2] : memref<4096xf32, #tpu.memory_space<hbm>> -> memref<128xf32, #tpu.memory_space<hbm>>
      tpu.wait_dma2 semaphore(%run_scoped3A : memref<!tpu.dma_semaphore, #tpu.memory_space<semaphore_mem>>) src(%arg9 : memref<128xf32, #tpu.memory_space<vmem>>) dst(%dma_wait3A_40 : memref<128xf32, #tpu.memory_space<hbm>>)
      tpu.yield
    }) : () -> ()
    return
  }
}

module attributes {stable_mosaic.version = 14 : i64} {
  func.func @_prelude_body(%arg0: memref<1x1xf32, #tpu.memory_space<smem>>, %arg1: memref<1x1xf32, #tpu.memory_space<smem>>, %arg2: memref<1x1xf32, #tpu.memory_space<smem>>, %arg3: memref<10x8xf32, #tpu.memory_space<vmem>>, %arg4: memref<8x8192xf32, #tpu.memory_space<any>>, %arg5: memref<1x8192xf32, #tpu.memory_space<any>>, %arg6: memref<16704xf32, #tpu.memory_space<vmem>>, %arg7: memref<8x8192xf32, #tpu.memory_space<vmem>>, %arg8: memref<1x8192xf32, #tpu.memory_space<vmem>>, %arg9: memref<!tpu.dma_semaphore, #tpu.memory_space<semaphore_mem>>) attributes {dimension_semantics = [], scalar_prefetch = 0 : i64, scratch_operands = 3 : i64, tpu.core_type = #tpu.core_type<tc>} {
    tpu.enqueue_dma source(%arg4 : memref<8x8192xf32, #tpu.memory_space<any>>) target(%arg7 : memref<8x8192xf32, #tpu.memory_space<vmem>>) target_semaphore(%arg9 : memref<!tpu.dma_semaphore, #tpu.memory_space<semaphore_mem>>)
    tpu.enqueue_dma source(%arg5 : memref<1x8192xf32, #tpu.memory_space<any>>) target(%arg8 : memref<1x8192xf32, #tpu.memory_space<vmem>>) target_semaphore(%arg9 : memref<!tpu.dma_semaphore, #tpu.memory_space<semaphore_mem>>)
    %get3A = arith.constant 0 : index
    %get3A_0 = arith.constant 0 : index
    %get3A_1 = memref.load %arg2[%get3A, %get3A_0] : memref<1x1xf32, #tpu.memory_space<smem>>
    %get3A_2 = arith.constant 0 : index
    %get3A_3 = arith.constant 0 : index
    %get3A_4 = memref.load %arg0[%get3A_2, %get3A_3] : memref<1x1xf32, #tpu.memory_space<smem>>
    %get3A_5 = arith.constant 0 : index
    %get3A_6 = arith.constant 0 : index
    %get3A_7 = memref.load %arg1[%get3A_5, %get3A_6] : memref<1x1xf32, #tpu.memory_space<smem>>
    %get3A_8 = arith.constant 0 : index
    %get3A_9 = arith.constant 0 : index
    %get3A_10 = vector.load %arg3[%get3A_8, %get3A_9] : memref<10x8xf32, #tpu.memory_space<vmem>>, vector<10x8xf32>
    %reduce_sum3A = arith.constant dense<0.000000e+00> : vector<10xf32>
    %reduce_sum3A_11 = vector.multi_reduction <add>, %get3A_10, %reduce_sum3A [1] : vector<10x8xf32> to vector<10xf32>
    %reduce_max3A = vector.shape_cast %reduce_sum3A_11 : vector<10xf32> to vector<1x10xf32>
    %reduce_max3A_12 = arith.constant dense<0xFF800000> : vector<1xf32>
    %reduce_max3A_13 = vector.multi_reduction <maximumf>, %reduce_max3A, %reduce_max3A_12 [1] : vector<1x10xf32> to vector<1xf32>
    %reduce_max3A_14 = vector.shape_cast %reduce_max3A_13 : vector<1xf32> to vector<1x1xf32>
    %reduce_max3A_15 = vector.extract %reduce_max3A_14[0, 0] : f32 from vector<1x1xf32>
    %mul3A = arith.constant 5.000000e+00 : f32
    %mul3A_16 = arith.mulf %reduce_max3A_15, %mul3A : f32
    %mul3A_17 = arith.mulf %mul3A_16, %get3A_1 : f32
    tpu.wait_dma2 semaphore(%arg9 : memref<!tpu.dma_semaphore, #tpu.memory_space<semaphore_mem>>) src(%arg5 : memref<1x8192xf32, #tpu.memory_space<any>>) dst(%arg8 : memref<1x8192xf32, #tpu.memory_space<vmem>>)
    %get3A_18 = arith.constant 0 : index
    %get3A_19 = arith.constant 0 : index
    %get3A_20 = vector.load %arg8[%get3A_18, %get3A_19] : memref<1x8192xf32, #tpu.memory_space<vmem>>, vector<1x8192xf32>
    %jit3A = arith.constant 0.000000e+00 : f32
    %jit3A_21 = arith.constant 0.99999988 : f32
    %max3A = vector.broadcast %jit3A : f32 to vector<1x8192xf32>
    %max3A_22 = arith.maximumf %max3A, %get3A_20 : vector<1x8192xf32>
    %min3A = vector.broadcast %jit3A_21 : f32 to vector<1x8192xf32>
    %min3A_23 = arith.minimumf %min3A, %max3A_22 : vector<1x8192xf32>
    %neg3A = arith.constant 0.000000e+00 : f32
    %neg3A_24 = vector.broadcast %neg3A : f32 to vector<1x8192xf32>
    %neg3A_25 = arith.subf %neg3A_24, %min3A_23 : vector<1x8192xf32>
    %log1p3A = math.log1p %neg3A_25 : vector<1x8192xf32>
    %neg3A_26 = arith.constant 0.000000e+00 : f32
    %neg3A_27 = vector.broadcast %neg3A_26 : f32 to vector<1x8192xf32>
    %neg3A_28 = arith.subf %neg3A_27, %log1p3A : vector<1x8192xf32>
    %div3A = vector.broadcast %mul3A_17 : f32 to vector<1x8192xf32>
    %div3A_29 = arith.divf %neg3A_28, %div3A : vector<1x8192xf32>
    %iota3A = tpu.iota {dimensions = array<i32: 1>} : vector<1x8192xi32>
    %roll3A = arith.constant 1 : i32
    %roll3A_30 = tpu.dynamic_rotate %div3A_29 by %roll3A dim 1 : vector<1x8192xf32>, i32 -> vector<1x8192xf32>
    %ge3A = arith.constant 1 : i32
    %ge3A_31 = vector.broadcast %ge3A : i32 to vector<1x8192xi32>
    %ge3A_32 = arith.cmpi sge, %iota3A, %ge3A_31 : vector<1x8192xi32>
    %jit3A_33 = arith.constant 0.000000e+00 : f32
    %broadcast_in_dim3A = vector.broadcast %jit3A_33 : f32 to vector<1x8192xf32>
    %select_n3A = arith.select %ge3A_32, %roll3A_30, %broadcast_in_dim3A : vector<1x8192xi1>, vector<1x8192xf32>
    %add3A = arith.addf %div3A_29, %select_n3A : vector<1x8192xf32>
    %roll3A_34 = arith.constant 2 : i32
    %roll3A_35 = tpu.dynamic_rotate %add3A by %roll3A_34 dim 1 : vector<1x8192xf32>, i32 -> vector<1x8192xf32>
    %ge3A_36 = arith.constant 2 : i32
    %ge3A_37 = vector.broadcast %ge3A_36 : i32 to vector<1x8192xi32>
    %ge3A_38 = arith.cmpi sge, %iota3A, %ge3A_37 : vector<1x8192xi32>
    %jit3A_39 = arith.constant 0.000000e+00 : f32
    %broadcast_in_dim3A_40 = vector.broadcast %jit3A_39 : f32 to vector<1x8192xf32>
    %select_n3A_41 = arith.select %ge3A_38, %roll3A_35, %broadcast_in_dim3A_40 : vector<1x8192xi1>, vector<1x8192xf32>
    %add3A_42 = arith.addf %add3A, %select_n3A_41 : vector<1x8192xf32>
    %roll3A_43 = arith.constant 4 : i32
    %roll3A_44 = tpu.dynamic_rotate %add3A_42 by %roll3A_43 dim 1 : vector<1x8192xf32>, i32 -> vector<1x8192xf32>
    %ge3A_45 = arith.constant 4 : i32
    %ge3A_46 = vector.broadcast %ge3A_45 : i32 to vector<1x8192xi32>
    %ge3A_47 = arith.cmpi sge, %iota3A, %ge3A_46 : vector<1x8192xi32>
    %jit3A_48 = arith.constant 0.000000e+00 : f32
    %broadcast_in_dim3A_49 = vector.broadcast %jit3A_48 : f32 to vector<1x8192xf32>
    %select_n3A_50 = arith.select %ge3A_47, %roll3A_44, %broadcast_in_dim3A_49 : vector<1x8192xi1>, vector<1x8192xf32>
    %add3A_51 = arith.addf %add3A_42, %select_n3A_50 : vector<1x8192xf32>
    %roll3A_52 = arith.constant 8 : i32
    %roll3A_53 = tpu.dynamic_rotate %add3A_51 by %roll3A_52 dim 1 : vector<1x8192xf32>, i32 -> vector<1x8192xf32>
    %ge3A_54 = arith.constant 8 : i32
    %ge3A_55 = vector.broadcast %ge3A_54 : i32 to vector<1x8192xi32>
    %ge3A_56 = arith.cmpi sge, %iota3A, %ge3A_55 : vector<1x8192xi32>
    %jit3A_57 = arith.constant 0.000000e+00 : f32
    %broadcast_in_dim3A_58 = vector.broadcast %jit3A_57 : f32 to vector<1x8192xf32>
    %select_n3A_59 = arith.select %ge3A_56, %roll3A_53, %broadcast_in_dim3A_58 : vector<1x8192xi1>, vector<1x8192xf32>
    %add3A_60 = arith.addf %add3A_51, %select_n3A_59 : vector<1x8192xf32>
    %roll3A_61 = arith.constant 16 : i32
    %roll3A_62 = tpu.dynamic_rotate %add3A_60 by %roll3A_61 dim 1 : vector<1x8192xf32>, i32 -> vector<1x8192xf32>
    %ge3A_63 = arith.constant 16 : i32
    %ge3A_64 = vector.broadcast %ge3A_63 : i32 to vector<1x8192xi32>
    %ge3A_65 = arith.cmpi sge, %iota3A, %ge3A_64 : vector<1x8192xi32>
    %jit3A_66 = arith.constant 0.000000e+00 : f32
    %broadcast_in_dim3A_67 = vector.broadcast %jit3A_66 : f32 to vector<1x8192xf32>
    %select_n3A_68 = arith.select %ge3A_65, %roll3A_62, %broadcast_in_dim3A_67 : vector<1x8192xi1>, vector<1x8192xf32>
    %add3A_69 = arith.addf %add3A_60, %select_n3A_68 : vector<1x8192xf32>
    %roll3A_70 = arith.constant 32 : i32
    %roll3A_71 = tpu.dynamic_rotate %add3A_69 by %roll3A_70 dim 1 : vector<1x8192xf32>, i32 -> vector<1x8192xf32>
    %ge3A_72 = arith.constant 32 : i32
    %ge3A_73 = vector.broadcast %ge3A_72 : i32 to vector<1x8192xi32>
    %ge3A_74 = arith.cmpi sge, %iota3A, %ge3A_73 : vector<1x8192xi32>
    %jit3A_75 = arith.constant 0.000000e+00 : f32
    %broadcast_in_dim3A_76 = vector.broadcast %jit3A_75 : f32 to vector<1x8192xf32>
    %select_n3A_77 = arith.select %ge3A_74, %roll3A_71, %broadcast_in_dim3A_76 : vector<1x8192xi1>, vector<1x8192xf32>
    %add3A_78 = arith.addf %add3A_69, %select_n3A_77 : vector<1x8192xf32>
    %roll3A_79 = arith.constant 64 : i32
    %roll3A_80 = tpu.dynamic_rotate %add3A_78 by %roll3A_79 dim 1 : vector<1x8192xf32>, i32 -> vector<1x8192xf32>
    %ge3A_81 = arith.constant 64 : i32
    %ge3A_82 = vector.broadcast %ge3A_81 : i32 to vector<1x8192xi32>
    %ge3A_83 = arith.cmpi sge, %iota3A, %ge3A_82 : vector<1x8192xi32>
    %jit3A_84 = arith.constant 0.000000e+00 : f32
    %broadcast_in_dim3A_85 = vector.broadcast %jit3A_84 : f32 to vector<1x8192xf32>
    %select_n3A_86 = arith.select %ge3A_83, %roll3A_80, %broadcast_in_dim3A_85 : vector<1x8192xi1>, vector<1x8192xf32>
    %add3A_87 = arith.addf %add3A_78, %select_n3A_86 : vector<1x8192xf32>
    %roll3A_88 = arith.constant 128 : i32
    %roll3A_89 = tpu.dynamic_rotate %add3A_87 by %roll3A_88 dim 1 : vector<1x8192xf32>, i32 -> vector<1x8192xf32>
    %ge3A_90 = arith.constant 128 : i32
    %ge3A_91 = vector.broadcast %ge3A_90 : i32 to vector<1x8192xi32>
    %ge3A_92 = arith.cmpi sge, %iota3A, %ge3A_91 : vector<1x8192xi32>
    %jit3A_93 = arith.constant 0.000000e+00 : f32
    %broadcast_in_dim3A_94 = vector.broadcast %jit3A_93 : f32 to vector<1x8192xf32>
    %select_n3A_95 = arith.select %ge3A_92, %roll3A_89, %broadcast_in_dim3A_94 : vector<1x8192xi1>, vector<1x8192xf32>
    %add3A_96 = arith.addf %add3A_87, %select_n3A_95 : vector<1x8192xf32>
    %roll3A_97 = arith.constant 256 : i32
    %roll3A_98 = tpu.dynamic_rotate %add3A_96 by %roll3A_97 dim 1 : vector<1x8192xf32>, i32 -> vector<1x8192xf32>
    %ge3A_99 = arith.constant 256 : i32
    %ge3A_100 = vector.broadcast %ge3A_99 : i32 to vector<1x8192xi32>
    %ge3A_101 = arith.cmpi sge, %iota3A, %ge3A_100 : vector<1x8192xi32>
    %jit3A_102 = arith.constant 0.000000e+00 : f32
    %broadcast_in_dim3A_103 = vector.broadcast %jit3A_102 : f32 to vector<1x8192xf32>
    %select_n3A_104 = arith.select %ge3A_101, %roll3A_98, %broadcast_in_dim3A_103 : vector<1x8192xi1>, vector<1x8192xf32>
    %add3A_105 = arith.addf %add3A_96, %select_n3A_104 : vector<1x8192xf32>
    %roll3A_106 = arith.constant 512 : i32
    %roll3A_107 = tpu.dynamic_rotate %add3A_105 by %roll3A_106 dim 1 : vector<1x8192xf32>, i32 -> vector<1x8192xf32>
    %ge3A_108 = arith.constant 512 : i32
    %ge3A_109 = vector.broadcast %ge3A_108 : i32 to vector<1x8192xi32>
    %ge3A_110 = arith.cmpi sge, %iota3A, %ge3A_109 : vector<1x8192xi32>
    %jit3A_111 = arith.constant 0.000000e+00 : f32
    %broadcast_in_dim3A_112 = vector.broadcast %jit3A_111 : f32 to vector<1x8192xf32>
    %select_n3A_113 = arith.select %ge3A_110, %roll3A_107, %broadcast_in_dim3A_112 : vector<1x8192xi1>, vector<1x8192xf32>
    %add3A_114 = arith.addf %add3A_105, %select_n3A_113 : vector<1x8192xf32>
    %roll3A_115 = arith.constant 1024 : i32
    %roll3A_116 = tpu.dynamic_rotate %add3A_114 by %roll3A_115 dim 1 : vector<1x8192xf32>, i32 -> vector<1x8192xf32>
    %ge3A_117 = arith.constant 1024 : i32
    %ge3A_118 = vector.broadcast %ge3A_117 : i32 to vector<1x8192xi32>
    %ge3A_119 = arith.cmpi sge, %iota3A, %ge3A_118 : vector<1x8192xi32>
    %jit3A_120 = arith.constant 0.000000e+00 : f32
    %broadcast_in_dim3A_121 = vector.broadcast %jit3A_120 : f32 to vector<1x8192xf32>
    %select_n3A_122 = arith.select %ge3A_119, %roll3A_116, %broadcast_in_dim3A_121 : vector<1x8192xi1>, vector<1x8192xf32>
    %add3A_123 = arith.addf %add3A_114, %select_n3A_122 : vector<1x8192xf32>
    %roll3A_124 = arith.constant 2048 : i32
    %roll3A_125 = tpu.dynamic_rotate %add3A_123 by %roll3A_124 dim 1 : vector<1x8192xf32>, i32 -> vector<1x8192xf32>
    %ge3A_126 = arith.constant 2048 : i32
    %ge3A_127 = vector.broadcast %ge3A_126 : i32 to vector<1x8192xi32>
    %ge3A_128 = arith.cmpi sge, %iota3A, %ge3A_127 : vector<1x8192xi32>
    %jit3A_129 = arith.constant 0.000000e+00 : f32
    %broadcast_in_dim3A_130 = vector.broadcast %jit3A_129 : f32 to vector<1x8192xf32>
    %select_n3A_131 = arith.select %ge3A_128, %roll3A_125, %broadcast_in_dim3A_130 : vector<1x8192xi1>, vector<1x8192xf32>
    %add3A_132 = arith.addf %add3A_123, %select_n3A_131 : vector<1x8192xf32>
    %roll3A_133 = arith.constant 4096 : i32
    %roll3A_134 = tpu.dynamic_rotate %add3A_132 by %roll3A_133 dim 1 : vector<1x8192xf32>, i32 -> vector<1x8192xf32>
    %ge3A_135 = arith.constant 4096 : i32
    %ge3A_136 = vector.broadcast %ge3A_135 : i32 to vector<1x8192xi32>
    %ge3A_137 = arith.cmpi sge, %iota3A, %ge3A_136 : vector<1x8192xi32>
    %jit3A_138 = arith.constant 0.000000e+00 : f32
    %broadcast_in_dim3A_139 = vector.broadcast %jit3A_138 : f32 to vector<1x8192xf32>
    %select_n3A_140 = arith.select %ge3A_137, %roll3A_134, %broadcast_in_dim3A_139 : vector<1x8192xi1>, vector<1x8192xf32>
    %add3A_141 = arith.addf %add3A_132, %select_n3A_140 : vector<1x8192xf32>
    %add3A_142 = vector.broadcast %get3A_4 : f32 to vector<1x8192xf32>
    %add3A_143 = arith.addf %add3A_141, %add3A_142 : vector<1x8192xf32>
    %reshape3A = vector.shape_cast %add3A_143 : vector<1x8192xf32> to vector<8192xf32>
    %swap3A = arith.constant 320 : index
    %swap3A_144 = vector.load %arg6[%swap3A] : memref<16704xf32, #tpu.memory_space<vmem>>, vector<8192xf32>
    tpu.vector_store %arg6[%swap3A], %reshape3A {strides = array<i32>} : memref<16704xf32, #tpu.memory_space<vmem>>, vector<8192xf32>,
    %slice3A = vector.extract_strided_slice %reshape3A {offsets = [0], sizes = [128], strides = [1]} : vector<8192xf32> to vector<128xf32>
    %swap3A_145 = arith.constant 48 : index
    %swap3A_146 = vector.load %arg6[%swap3A_145] : memref<16704xf32, #tpu.memory_space<vmem>>, vector<128xf32>
    tpu.vector_store %arg6[%swap3A_145], %slice3A {strides = array<i32>} : memref<16704xf32, #tpu.memory_space<vmem>>, vector<128xf32>,
    tpu.wait_dma2 semaphore(%arg9 : memref<!tpu.dma_semaphore, #tpu.memory_space<semaphore_mem>>) src(%arg4 : memref<8x8192xf32, #tpu.memory_space<any>>) dst(%arg7 : memref<8x8192xf32, #tpu.memory_space<vmem>>)
    %get3A_147 = arith.constant 0 : index
    %get3A_148 = arith.constant 0 : index
    %get3A_149 = vector.load %arg7[%get3A_147, %get3A_148] : memref<8x8192xf32, #tpu.memory_space<vmem>>, vector<8x8192xf32>
    %reduce_sum3A_150 = arith.constant dense<0.000000e+00> : vector<8192xf32>
    %reduce_sum3A_151 = vector.multi_reduction <add>, %get3A_149, %reduce_sum3A_150 [0] : vector<8x8192xf32> to vector<8192xf32>
    %broadcast_in_dim3A_152 = vector.shape_cast %reduce_sum3A_151 : vector<8192xf32> to vector<1x8192xf32>
    %mul3A_153 = vector.broadcast %get3A_1 : f32 to vector<1x8192xf32>
    %mul3A_154 = arith.mulf %broadcast_in_dim3A_152, %mul3A_153 : vector<1x8192xf32>
    %div3A_155 = vector.broadcast %mul3A_17 : f32 to vector<1x8192xf32>
    %div3A_156 = arith.divf %mul3A_154, %div3A_155 : vector<1x8192xf32>
    %reshape3A_157 = vector.shape_cast %div3A_156 : vector<1x8192xf32> to vector<8192xf32>
    %swap3A_158 = arith.constant 8512 : index
    %swap3A_159 = vector.load %arg6[%swap3A_158] : memref<16704xf32, #tpu.memory_space<vmem>>, vector<8192xf32>
    tpu.vector_store %arg6[%swap3A_158], %reshape3A_157 {strides = array<i32>} : memref<16704xf32, #tpu.memory_space<vmem>>, vector<8192xf32>,
    %slice3A_160 = vector.extract_strided_slice %reshape3A_157 {offsets = [0], sizes = [128], strides = [1]} : vector<8192xf32> to vector<128xf32>
    %swap3A_161 = arith.constant 176 : index
    %swap3A_162 = vector.load %arg6[%swap3A_161] : memref<16704xf32, #tpu.memory_space<vmem>>, vector<128xf32>
    tpu.vector_store %arg6[%swap3A_161], %slice3A_160 {strides = array<i32>} : memref<16704xf32, #tpu.memory_space<vmem>>, vector<128xf32>,
    %reduce_max3A_163 = vector.shape_cast %add3A_143 : vector<1x8192xf32> to vector<1x1x8192xf32>
    %reduce_max3A_164 = arith.constant dense<0xFF800000> : vector<1xf32>
    %reduce_max3A_165 = vector.multi_reduction <maximumf>, %reduce_max3A_163, %reduce_max3A_164 [1, 2] : vector<1x1x8192xf32> to vector<1xf32>
    %reduce_max3A_166 = vector.shape_cast %reduce_max3A_165 : vector<1xf32> to vector<1x1x1xf32>
    %reduce_max3A_167 = vector.extract %reduce_max3A_166[0, 0, 0] : f32 from vector<1x1x1xf32>
    %add3A_168 = arith.constant 1.000000e+00 : f32
    %add3A_169 = arith.addf %reduce_max3A_167, %add3A_168 : f32
    %gt3A = arith.cmpf ogt, %reduce_max3A_167, %get3A_7 : f32
    %select_n3A_170 = arith.select %gt3A, %reduce_max3A_167, %get3A_7 : f32
    %iota3A_171 = tpu.iota {dimensions = array<i32: 1>} : vector<1x48xi32>
    %lt3A = arith.constant 16 : i32
    %lt3A_172 = vector.broadcast %lt3A : i32 to vector<1x48xi32>
    %lt3A_173 = arith.cmpi slt, %iota3A_171, %lt3A_172 : vector<1x48xi32>
    %lt3A_174 = arith.constant 32 : i32
    %lt3A_175 = vector.broadcast %lt3A_174 : i32 to vector<1x48xi32>
    %lt3A_176 = arith.cmpi slt, %iota3A_171, %lt3A_175 : vector<1x48xi32>
    %jit3A_177 = arith.constant 0.000000e+00 : f32
    %broadcast_in_dim3A_178 = vector.broadcast %select_n3A_170 : f32 to vector<1x48xf32>
    %broadcast_in_dim3A_179 = vector.broadcast %jit3A_177 : f32 to vector<1x48xf32>
    %select_n3A_180 = arith.select %lt3A_176, %broadcast_in_dim3A_178, %broadcast_in_dim3A_179 : vector<1x48xi1>, vector<1x48xf32>
    %broadcast_in_dim3A_181 = vector.broadcast %add3A_169 : f32 to vector<1x48xf32>
    %select_n3A_182 = arith.select %lt3A_173, %broadcast_in_dim3A_181, %select_n3A_180 : vector<1x48xi1>, vector<1x48xf32>
    %reshape3A_183 = vector.shape_cast %select_n3A_182 : vector<1x48xf32> to vector<48xf32>
    %swap3A_184 = arith.constant 0 : index
    %swap3A_185 = vector.load %arg6[%swap3A_184] : memref<16704xf32, #tpu.memory_space<vmem>>, vector<48xf32>
    tpu.vector_store %arg6[%swap3A_184], %reshape3A_183 {strides = array<i32>} : memref<16704xf32, #tpu.memory_space<vmem>>, vector<48xf32>,
    return
  }
}

module attributes {stable_mosaic.version = 14 : i64} {
  func.func @_weights_body(%arg0: memref<4096xf32, #tpu.memory_space<vmem>>) attributes {dimension_semantics = [], scalar_prefetch = 0 : i64, scratch_operands = 0 : i64, tpu.core_type = #tpu.core_type<tc>} {
    %broadcast_in_dim3A = arith.constant 2.44140625E-4 : f32
    %broadcast_in_dim3A_0 = vector.broadcast %broadcast_in_dim3A : f32 to vector<4096xf32>
    %swap3A = arith.constant 0 : index
    %swap3A_1 = vector.load %arg0[%swap3A] : memref<4096xf32, #tpu.memory_space<vmem>>, vector<4096xf32>
    tpu.vector_store %arg0[%swap3A], %broadcast_in_dim3A_0 {strides = array<i32>} : memref<4096xf32, #tpu.memory_space<vmem>>, vector<4096xf32>,
    return
  }
}

</mosaic_0001>

<sc_bundles>
// kernel: kernel.5.cloned.1.call-start
scs
__scs_entry_jumppad:
0x0: {  	(pc) =	sbr.rel $0x88, $3  }
0x1: {  	(tag) =	ssettag $0x0;
	lr =	simm.s32 $0x1  }
0x2: {  	[smem:$0x3F9A] =	sst lr;
	_ =	strace $0xD0000000  }
0x3: {  	_ = 	snop  }
0x4: {  	_ = 	snop  }
0x5: {  	_ = 	snop  }
0x6: {  	_ = 	snop  }
0x7: {  	_ = 	snop  }
__scs_overlays_trampoline_lowered:
0x8: {  	[smem:$0x3FA9] =	sst s0  }
0x9: {  	[smem:$0x3FAA] =	sst s1  }
0xa: {  	[smem:$0x3FAB] =	sst s2  }
0xb: {  	[smem:$0x3FAC] =	sst s3  }
0xc: {  	[smem:$0x3FAD] =	sst s4  }
0xd: {  	[smem:$0x3FAE] =	sst s5  }
0xe: {  	[smem:$0x3FAF] =	sst s6  }
0xf: {  	[smem:$0x3FB0] =	sst s7  }
0x10: {  	[smem:$0x3FB1] =	sst s8  }
0x11: {  	[smem:$0x3FB2] =	sst s9;
	s0 =	simm.s32 @!p0 $0x0  }
0x12: {  	s1 =	sld [smem:$0x3F98];
	s0 =	simm.s32 @p0 $0x1  }
0x13: {  	[smem:$0x3FB3] =	sst s0;
	s0 =	simm.s32 @!p1 $0x0  }
0x14: {  	s2 =	sld [smem:$0x3F97];
	s0 =	simm.s32 @p1 $0x1  }
0x15: {  	[smem:$0x3FB4] =	sst s0;
	s0 =	simm.s32 @!p2 $0x0  }
0x16: {  	s3 =	sld [smem:$0x3FDB];
	s0 =	simm.s32 @p2 $0x1  }
0x17: {  	s4 =	simm.s32 $0x1BF5;
	[smem:$0x3FB6] =	sst s0  }
0x18: {  	s0 =	sld [smem:$0x3F99];
	_ =	swait.ge [sflag:s4], $0x0  }
0x19: {  	s7 =	sld [smem:$0x3F9A]  }
0x1a: {  	s8 =	sadd.s32 $0xFFFFE003, lr  }
0x1b: {  	s9 =	sadd.s32 $0xFFFFFEF7, lr;
	s5 =	simm.s32 $0xFFFFFFFF;
	p2 =	slt.u32 s8, $0xFFFFF086  }
0x1c: {  	p1 =	slt.u32 s9, $0xF7A;
	s5 =	simm.s32 @!p2 $0x0  }
0x1d: {  	s5 =	simm.s32 @p1 $0x1;
	p0 =	seq.s32 s7, s2  }
0x1e: {  	s7 =	smul.u32 @!p0 $0xF7A, s2;
	p2 =	seq.s32 @!p0 s5, $0x0  }
0x1f: {  	s9 =	smul.u32 $0xF7A, s1;
	s8 =	simm.s32 @!p0 $0x1BF5;
	p2 =	por !p2, p0  }
0x20: {  	[sflag:s8] =	ssyncset.s32 @!p0 $0xFFFFF086;
	s6 =	sadd.s32 @!p0 s3, s7;
	s7 =	simm.s32 @!p0 $0x108  }
0x21: {  	s3 =	sadd.s32 s3, s9;
	s6 =	sadd.s32 @!p0 $0x88, s6;
	s7 =	simm.s32 @p2 $0x1082  }
0x22: {  	[simem:s7], [sflag:s8] =	dma.local @!p0 [hbm:s6], $0xF7A  }
0x23: {  	s9 =	sor.u32 $0xD0000000, s2;
	s6 =	simm.s32 $0x108;
	_ =	swait.ge @!p0 [sflag:s8], $0x0  }
0x24: {  	s3 =	sadd.s32 $0x88, s3;
	s6 =	simm.s32 @!p1 $0x1082;
	[sflag:s4] =	ssyncset.s32 $0xFFFFF086  }
0x25: {  	[simem:s6], [sflag:s4] =	dma.local [hbm:s3], $0xF7A  }
0x26: {  	[smem:$0x3F9A] =	sst s1;
	(tag) =	ssettag s2;
	_ =	strace s9  }
0x27: {  	s1 =	sld [smem:$0x3FAA]  }
0x28: {  	s2 =	sld [smem:$0x3FAB]  }
0x29: {  	s4 =	sld [smem:$0x3FAD]  }
0x2a: {  	p0 =	seq.s32 s5, $0x0;
	s5 =	sld [smem:$0x3FAE]  }
0x2b: {  	s6 =	sld [smem:$0x3FAF]  }
0x2c: {  	s7 =	sld [smem:$0x3FB0]  }
0x2d: {  	s3 =	simm.s32 $0x108;
	s8 =	sld [smem:$0x3FB1]  }
0x2e: {  	s3 =	simm.s32 @!p0 $0x1082;
	s9 =	sld [smem:$0x3FB2]  }
0x2f: {  	lr =	sadd.s32 s0, s3;
	s0 =	sld [smem:$0x3FA9]  }
0x30: {  	s3 =	sld [smem:$0x3FAC]  }
0x31: {  	[smem:$0x3FB5] =	sst s10  }
0x32: {  	s10 =	sld [smem:$0x3FB3];
	_ =	sdelay $0x3  }
0x33: {  	p0 =	seq.s32 s10, $0x1;
	s10 =	sld [smem:$0x3FB5];
	_ =	sdelay $0x3  }
0x34: {  	[smem:$0x3FB5] =	sst s10  }
0x35: {  	s10 =	sld [smem:$0x3FB4];
	_ =	sdelay $0x3  }
0x36: {  	p1 =	seq.s32 s10, $0x1;
	s10 =	sld [smem:$0x3FB5];
	_ =	sdelay $0x3  }
0x37: {  	[smem:$0x3FB5] =	sst s10  }
0x38: {  	s10 =	sld [smem:$0x3FB6]  }
0x39: {  	_ = 	snop;
	(pc) =	sbr.ind lr, $3  }
0x3a: {  	_ = 	snop  }
0x3b: {  	_ = 	snop  }
0x3c: {  	p2 =	seq.s32 s10, $0x1;
	s10 =	sld [smem:$0x3FB5]  }
0x3d: {  	_ =	shalt  }
0x3e: {  	_ =	shalt  }
0x3f: {  	_ =	shalt  }
0x40: {  	_ =	shalt  }
0x41: {  	_ =	shalt  }
0x42: {  	_ =	shalt  }
0x43: {  	_ =	shalt  }
0x44: {  	_ =	shalt  }
0x45: {  	_ =	shalt  }
0x46: {  	_ =	shalt  }
0x47: {  	_ =	shalt  }
0x48: {  	_ =	shalt  }
0x49: {  	_ =	shalt  }
0x4a: {  	_ =	shalt  }
0x4b: {  	_ =	shalt  }
0x4c: {  	_ =	shalt  }
0x4d: {  	_ =	shalt  }
0x4e: {  	_ =	shalt  }
0x4f: {  	_ =	shalt  }
0x50: {  	_ =	shalt  }
0x51: {  	_ =	shalt  }
0x52: {  	_ =	shalt  }
0x53: {  	_ =	shalt  }
0x54: {  	_ =	shalt  }
0x55: {  	_ =	shalt  }
0x56: {  	_ =	shalt  }
0x57: {  	_ =	shalt  }
0x58: {  	_ =	shalt  }
0x59: {  	_ =	shalt  }
0x5a: {  	_ =	shalt  }
0x5b: {  	_ =	shalt  }
0x5c: {  	_ =	shalt  }
0x5d: {  	_ =	shalt  }
0x5e: {  	_ =	shalt  }
0x5f: {  	_ =	shalt  }
0x60: {  	_ =	shalt  }
0x61: {  	_ =	shalt  }
0x62: {  	_ =	shalt  }
0x63: {  	_ =	shalt  }
0x64: {  	_ =	shalt  }
0x65: {  	_ =	shalt  }
0x66: {  	_ =	shalt  }
0x67: {  	_ =	shalt  }
0x68: {  	_ =	shalt  }
0x69: {  	_ =	shalt  }
0x6a: {  	_ =	shalt  }
0x6b: {  	_ =	shalt  }
0x6c: {  	_ =	shalt  }
0x6d: {  	_ =	shalt  }
0x6e: {  	_ =	shalt  }
0x6f: {  	_ =	shalt  }
0x70: {  	_ =	shalt  }
0x71: {  	_ =	shalt  }
0x72: {  	_ =	shalt  }
0x73: {  	_ =	shalt  }
0x74: {  	_ =	shalt  }
0x75: {  	_ =	shalt  }
0x76: {  	_ =	shalt  }
0x77: {  	_ =	shalt  }
0x78: {  	_ =	shalt  }
0x79: {  	_ =	shalt  }
0x7a: {  	_ =	shalt  }
0x7b: {  	_ =	shalt  }
0x7c: {  	_ =	shalt  }
0x7d: {  	_ =	shalt  }
0x7e: {  	_ =	shalt  }
0x7f: {  	_ =	shalt  }
0x80: {  	_ =	shalt  }
0x81: {  	_ =	shalt  }
0x82: {  	_ =	shalt  }
0x83: {  	_ =	shalt  }
0x84: {  	_ =	shalt  }
0x85: {  	_ =	shalt  }
0x86: {  	_ =	shalt  }
0x87: {  	_ =	shalt  }
.Lfunc_end0:
.L_simem_size_0:
called_computation_lowered:
.L_overlay_start_0:
0x88: {  	s2 =	sld [smem:$0x3FD9]  }
0x89: {  	s3 =	sld [smem:$0x3FFE];
	_ =	sdelay $0x1  }
0x8a: {  	s1 =	srdreg.scid  }
0x8b: {  	s0 =	sand.u32 $0x1, s1  }
0x8c: {  	s14 =	sshll.u32 s0, $0xA;
	s2 =	sadd.s32 s3, s2  }
0x8d: {  	s2 =	sadd.s32 s2, s14  }
0x8e: {  	[smem:$0x3FC1] =	sst s2  }
0x8f: {  	_ = 	snop  }
0x90: {  	s2 =	sld [smem:$0x3FD0];
	_ =	sdelay $0x2  }
0x91: {  	s4 =	simm.s32 $0xA;
	s5 =	simm.s32 $0x10;
	s15 =	sld [smem:$0x3FC6]  }
0x92: {  	[smem:s5], [sflag:s4] =	dma.local [hbm:s2], $0x1  }
0x93: {  	_ =	swait.eq [sflag:s4], $0x1  }
0x94: {  	[sflag:s4] =	ssyncset.done $0x0  }
0x95: {  	[sflag:s4] =	ssyncadd.s32 $0xFFFFFFFF  }
0x96: {  	s16 =	sld [smem:$0x10];
	(tm) =	ssettm $0x1  }
0x97: {  	s17 =	sld [smem:$0x3FFB];
	_ =	sdelay $0x3  }
0x98: {  	_ =	strace s17  }
0x99: {  	s4 =	sld [smem:$0x3FFC];
	_ =	sdelay $0x3  }
0x9a: {  	_ =	strace s4  }
0x9b: {  	s4 =	sld [smem:$0x3FFD];
	_ =	sdelay $0x3  }
0x9c: {  	_ =	strace s4  }
0x9d: {  	_ =	strace $0x8FFFFFFF  }
0x9e: {  	s18 =	sld [smem:$0x3FDB];
	_ =	sdelay $0x1  }
0x9f: {  	s19 =	simm.s32 $_scs_section_size  }
0xa0: {  	s6 =	simm.s32 $_size__tile_overlayer_lowered;
	s7 =	simm.s32 $_tile_overlayer_lowered  }
0xa1: {  	s22 =	simm.s32 $0x1BFF;
	s21 =	sshll.u32 s7, $0x1;
	s4 =	sadd.s32 s19, s18  }
0xa2: {  	s8 =	simm.s32 $0x0;
	s20 =	sshll.u32 s6, $0x1;
	s6 =	sadd.s32 s21, s4  }
0xa3: {  	[timem:s8], [sflag:s22] =	dma.local [hbm:s6], s20  }
0xa4: {  	_ =	swait.ge [sflag:s22], s20  }
0xa5: {  	s5 =	ssub.s32 $0x0, s20;
	[sflag:s22] =	ssyncset.done $0x0  }
0xa6: {  	[sflag:s22] =	ssyncadd.s32 s5;
	_ =	sdelay $0x1  }
0xa7: {  	s23 =	simm.s32 $0x1B8B  }
0xa8: {  	_ =	swait.ge [sflag:s23], $0x1  }
0xa9: {  	[sflag:s23] =	ssyncset.done $0x0  }
0xaa: {  	s25 =	simm.s32 $0x1B8E;
	s24 =	sld [smem:$0x3FFE];
	[sflag:s23] =	ssyncadd.s32 $0xFFFFFFFF  }
0xab: {  	s26 =	simm.s32 $execute0_lowered;
	[smem:$0x3FD2] =	sst s25  }
0xac: {  	s6 =	sshll.u32 s26, $0x1;
	_ =	strace $0x80000046;
	[dreg:$0x1] =	wrdreg $0xFFFFFFFF  }
0xad: {  	s28 =	simm.s32 $_size_execute0_lowered;
	s4 =	sadd.s32 s4, s6;
	[dreg:$0x0] =	wrdreg $0x0  }
0xae: {  	s6 =	sshll.u32 s28, $0x1;
	[dreg:$0x2] =	wrdreg s4  }
0xaf: {  	[dreg:$0x3] =	wrdreg s6  }
0xb0: {  	[dreg:$0x4] =	wrdreg $0xC0  }
0xb1: {  	_ =	task [dreg:s8], $0x5FFFF  }
0xb2: {  	[dreg:$0x1] =	wrdreg $0xFFFFFFFF  }
0xb3: {  	[dreg:$0x0] =	wrdreg $0x60  }
0xb4: {  	[dreg:$0x2] =	wrdreg s24  }
0xb5: {  	[dreg:$0x3] =	wrdreg s15  }
0xb6: {  	[dreg:$0x4] =	wrdreg s16  }
0xb7: {  	[dreg:$0x5] =	wrdreg $0x9  }
0xb8: {  	_ =	task.clear_ibuf [dreg:s8], $0x6FFFF;
	_ =	strace $0x90000046  }
0xb9: {  	s29 =	simm.s32 $0x9;
	_ =	strace $0x80000048  }
0xba: {  	_ =	swait.ge [sflag:s29], $0x1  }
0xbb: {  	[sflag:s29] =	ssyncadd.s32 $0xFFFFFFFF  }
0xbc: {  	_ =	strace $0x90000048  }
0xbd: {  	_ =	sfence  }
0xbe: {  	s30 =	sld [smem:$0x0];
	_ =	sdelay $0x2  }
0xbf: {  	s31 =	sshll.u32 s1, $0xD;
	s1 =	sshrl.u32 s1, $0x2  }
0xc0: {  	s3 =	sand.u32 $0x4000, s31;
	s1 =	sadd.s32 s1, s30  }
0xc1: {  	s0 =	sor.u32 s3, s0;
	s1 =	sshll.u32 s1, $0x11  }
0xc2: {  	s0 =	sor.u32 s1, s0  }
0xc3: {  	s0 =	sadd.s32 $0x8F2B, s0  }
0xc4: {  	[sflag:s0] =	ssyncadd.remote.s32 $0x1  }
0xc5: {  	_ =	sfence.sel $0xFFFF  }
0xc6: {  	[dreg:$0x0] =	wrdreg $0xFFFFFFFF;
	(pc) =	sbr.abs _section_cstart, $3  }
0xc7: {  	[dreg:$0x1] =	wrdreg $0xFFFFFFFF  }
0xc8: {  	_ =	task.clear_ibuf [dreg:s8], $0x2FFFF;
	_ =	strace $0x9FFFFFFF  }
0xc9: {  	(tm) =	ssettm $0x7FFFFFFF  }
tec
execute0_lowered:
.L_overlay_start_1:
0x0: {  	(tag) =	ssettag $0x1  }
0x1: {  	v0 =	vimm.s32 $0xEFCDAB89;
	v1 =	vimm.s32 $0x67452301  }
0x2: {  	v2 =	vimm.s32 $0xDCFE98BA;
	v3 =	vimm.s32 $0x54761032;
	v4 =	vimm.s32 $0xBA98FEDC  }
0x3: {  	v5 =	vimm.s32 $0x32107654;
	v0 =	vunpack.c.l.s4.s8 v0;
	v1 =	vunpack.c.l.s4.s8 v1  }
0x4: {  	s0 =	rddreg [dreg:$0x0];
	v2 =	vunpack.c.l.s4.s8 v2;
	v3 =	vunpack.c.l.s4.s8 v3;
	v4 =	vunpack.c.l.s4.s8 v4  }
0x5: {  	s1 =	rddreg [dreg:$0x1];
	v5 =	vunpack.c.l.s4.s8 v5;
	v0 =	vunpack.c.0.s8.s32 v0;
	v1 =	vunpack.c.0.s8.s32 v1  }
0x6: {  	s3 =	rddreg [dreg:$0x2];
	s2 =	simm.s32 $0x0;
	s4 =	srdreg.scid;
	v6 =	vimm.s32 $0xFEDCBA98;
	v2 =	vunpack.c.0.s8.s32 v2;
	v3 =	vunpack.c.0.s8.s32 v3  }
0x7: {  	s6 =	stileid.u32;
	s12 =	simm.s32 $0x4180;
	s13 =	simm.s32 $0x180;
	v4 =	vunpack.c.0.s8.s32 v4;
	v5 =	vunpack.c.0.s8.s32 v5;
	v8 =	vcombine.low v1, v0  }
0x8: {  	v7 =	vimm.s32 $0x76543210;
	s14 =	simm.s32 $0x3;
	s15 =	simm.s32 $0x1;
	[smem:$0x7FF] =	sst s2;
	v6 =	vunpack.c.l.s4.s8 v6;
	v3 =	vcombine.low v3, v2  }
0x9: {  	s16 =	simm.s32 $0x2;
	s31 =	simm.s32 $0x8180;
	v7 =	vunpack.c.l.s4.s8 v7;
	_ =	strace $0x80000047;
	v4 =	vcombine.low v5, v4;
	[tilespmem:$0x1FF90] =	vst v8  }
0xa: {  	s17 =	simm.s32 $0x9180;
	s18 =	simm.s32 $0x0;
	s4 =	sand.u32 $0x1, s4;
	v6 =	vunpack.c.0.s8.s32 v6;
	[tilespmem:$0x1FFA0] =	vst v3  }
.Ltmp0:
0xb: {  	s6 =	sshll.u32 s6, $0x8;
	s7 =	sshll.u32 s4, $0x7;
	v7 =	vunpack.c.0.s8.s32 v7;
	v0 =	vand.u32 $0xF, v8;
	[tilespmem:$0x1FFB0] =	vst v4;
	(pc) =	sbr.rel .LBB2_1-.Ltmp0, $4  }
0xc: {  	s5 =	ssub.s32 $0x2, s4;
	s4 =	sadd.s32 $0xA00, s0;
	s6 =	sor.u32 s7, s6;
	v6 =	vand.u32 $0xF, v6;
	v1 =	vand.u32 $0xF, v3;
	[tilespmem:$0x1FFC0] =	vst v0  }
0xd: {  	[dreg:$0x5] =	wrdreg s31;
	s8 =	sshrl.u32 s5, $0x1;
	s7 =	sshll.u32 s6, $0xA;
	v5 =	vcombine.low v6, v7;
	v2 =	vand.u32 $0xF, v4;
	[tilespmem:$0x1FFD0] =	vst v1  }
0xe: {  	s9 =	ssub.s32 s5, s8;
	s5 =	sshrl.u32 s6, $0x3;
	s6 =	sadd.s32 s1, s7;
	[tilespmem:$0x1FFE0] =	vst v2  }
0xf: {  	s7 =	sadd.s32 $0xA28, s0;
	s8 =	sadd.s32 s3, s5;
	s9 =	smax.u32 s9, $0x1;
	v6 =	vimm.s32 $0x0;
	v7 =	vlaneseq.u32;
	[tilespmem:$0x1FFF0] =	vst v5  }
.LBB2_8:
0x10: {  	[hbm4b:s8+s2] =	stream.linear.scatter [tilespmem:s17], [sflag:$0x3], $0x80, $0x38;
	[tilespmem:$0x9200] =	vst v63  }
0x11: {  	s18 =	sadd.s32 $0x1, s18  }
0x12: {  	p0 =	sne.s32 s18, s9  }
.Ltmp1:
0x13: {  	_ = 	snop;
	(pc) =	sbr.rel @!p0 .LBB2_9-.Ltmp1, $4  }
0x14: {  	_ =	swait.ge [sflag:s14], $0x80  }
0x15: {  	v0 =	vld [tilespmem:$0x1FFC0]  }
0x16: {  	[sflag:s14] =	ssyncset.done $0x0;
	v1 =	vld [tilespmem:$0x1FFD0]  }
0x17: {  	v2 =	vld [tilespmem:$0x1FFE0];
	[sflag:s14] =	ssyncadd.s32 $0xFFFFFF80  }
.LBB2_1:
0x18: {  	s0 =	simm.s32 $0x400;
	s3 =	simm.s32 $0x10000  }
0x19: {  	[tilespmem:s12], [sflag:$0x1] =	stream.strided.gather [hbm4b:s6+s0], $0x4000, s3, s0, $0x38;
	[tilespmem:$0x9200] =	vst v63  }
0x1a: {  	_ = 	snop  }
0x1b: {  	[tilespmem:s13], [sflag:$0x2] =	stream.linear.gather [hbm4b:s7+s2], $0x4000, $0x38;
	[tilespmem:$0x9200] =	vst v63  }
0x1c: {  	_ = 	snop  }
0x1d: {  	[tilespmem:s2], [sflag:$0x3] =	stream.linear.gather [hbm4b:s4+s2], $0x140, $0x38;
	[tilespmem:$0x9200] =	vst v63  }
0x1e: {  	_ =	swait.ge [sflag:s14], $0x140  }
0x1f: {  	[sflag:s14] =	ssyncset.done $0x0  }
0x20: {  	[sflag:s14] =	ssyncadd.s32 $0xFFFFFEC0  }
0x21: {  	v9 =	vld [tilespmem:$0x0];
	[smem:$0x80] =	sst s2  }
0x22: {  	v10 =	vld [tilespmem:$0x10];
	_ =	swait.ge [sflag:s15], $0x4000  }
0x23: {  	[sflag:s15] =	ssyncset.done $0x0  }
0x24: {  	s20 =	simm.s32 $0x4380;
	[sflag:s15] =	ssyncadd.s32 $0xFFFFC000  }
0x25: {  	v12 =	vld [tilespmem:s20+$0x1B0]  }
0x26: {  	v13 =	vld [tilespmem:s20+$0x190]  }
0x27: {  	v15 =	vld [tilespmem:s20+$0x130]  }
0x28: {  	v16 =	vld [tilespmem:s20+$0xFFFFFFB0]  }
0x29: {  	v17 =	vld [tilespmem:s20+$0x30]  }
0x2a: {  	v18 =	vld [tilespmem:s20+$0xB0]  }
0x2b: {  	v19 =	vld [tilespmem:s20+$0xFFFFFF30]  }
0x2c: {  	v20 =	vld [tilespmem:s20+$0xFFFFFE30]  }
0x2d: {  	v21 =	vld [tilespmem:s20+$0xFFFFFE00]  }
0x2e: {  	v22 =	vld [tilespmem:$0x60]  }
0x2f: {  	v23 =	vld [tilespmem:s20+$0x20]  }
0x30: {  	v24 =	vld [tilespmem:s20+$0xFFFFFEB0]  }
0x31: {  	v25 =	vld [tilespmem:$0xE0]  }
0x32: {  	v26 =	vld [tilespmem:s20+$0xFFFFFFA0]  }
0x33: {  	v27 =	vld [tilespmem:s20+$0xFFFFFF80]  }
0x34: {  	v28 =	vld [tilespmem:s20+$0xFFFFFE80]  }
0x35: {  	v31 =	vld [tilespmem:s20+$0xFFFFFE90]  }
0x36: {  	v14 =	vld [tilespmem:$0x50]  }
0x37: {  	v32 =	vld [tilespmem:s20+$0x120]  }
0x38: {  	s19 =	simm.s32 $0x1;
	v33 =	vld [tilespmem:s20+$0xFFFFFF20]  }
0x39: {  	v11 =	vimm.f32 $0.0e+00;
	s30 =	sand.u32 $0x9, s19;
	v50 =	vld [tilespmem:s20+$0xFFFFFE20]  }
0x3a: {  	v34 =	vmov s30;
	vm1 =	vlt.f32 v20, v25;
	vm0 =	vlt.f32 v19, v25;
	v19 =	vld [tilespmem:s20+$0xFFFFFEA0]  }
0x3b: {  	vm3 =	vlt.f32 v17, v25;
	v20 =	vsel vm0, v22, v9;
	vm0 =	vlt.f32 v16, v25;
	v16 =	vld [tilespmem:$0xD0]  }
0x3c: {  	vm2 =	vlt.f32 v24, v25;
	v35 =	vsel vm3, v22, v9;
	vm3 =	vlt.f32 v18, v25;
	v18 =	vld [tilespmem:$0xB0]  }
0x3d: {  	v55 =	vld [tilespmem:s20+$0xFFFFFF00];
	v51 =	vsel vm1, v22, v9;
	v17 =	vsel vm0, v22, v9;
	vm0 =	vlt.f32 v15, v25  }
0x3e: {  	v37 =	vld [tilespmem:s20+$0xFFFFFE10];
	v52 =	vsel vm2, v22, v9;
	v36 =	vsel vm0, v22, v9;
	vm0 =	vlt.f32 v12, v25  }
0x3f: {  	v38 =	vld [tilespmem:$0x30];
	v15 =	vsel vm0, v22, v9;
	vm0 =	veq.s32 v34, v7;
	v22 =	vsel vm3, v22, v9  }
0x40: {  	v59 =	vld [tilespmem:s20+$0x80];
	vm1 =	vlt.f32 v19, v16;
	vm4 =	vlt.f32 v33, v16;
	vm2 =	vlt.f32 v32, v16  }
0x41: {  	v12 =	vld [tilespmem:$0xC0];
	vm3 =	vlt.f32 v50, v16;
	vm5 =	vlt.f32 v28, v18;
	vm6 =	vlt.f32 v27, v18  }
0x42: {  	v57 =	vld [tilespmem:s20+$0x10];
	vm13 =	vlt.f32 v21, v18;
	vm7 =	vlt.f32 v23, v16;
	vm8 =	vlt.f32 v55, v18  }
0x43: {  	v60 =	vld [tilespmem:s20+$0xFFFFFF90];
	v19 =	vsel vm1, v14, v9;
	v32 =	vsel vm2, v14, v9;
	v54 =	vsel vm3, v14, v9  }
0x44: {  	v29 =	vld [tilespmem:$0x40];
	v28 =	vsel vm5, v38, v9;
	v39 =	vsel vm6, v38, v9;
	vm5 =	vlt.f32 v26, v16  }
0x45: {  	v30 =	vld [tilespmem:s20+$0xA0];
	v62 =	vsel vm13, v38, v9;
	v63 =	vsel vm4, v14, v9;
	vm13 =	vlt.f32 v59, v18  }
0x46: {  	v46 =	vld [tilespmem:s20+$0x180];
	vm2 =	vlt.f32 v31, v12;
	vm1 =	vlt.f32 v13, v12;
	vm3 =	vlt.f32 v37, v12  }
0x47: {  	v53 =	vld [tilespmem:s20+$0x100];
	v19 =	vmin.f32 v19, v52;
	v31 =	vsel vm8, v38, v9;
	vm14 =	vlt.f32 v57, v12  }
0x48: {  	s31 =	sand.u32 $0x8, s2;
	v23 =	vld [tilespmem:s20+$0xFFFFFF10];
	v25 =	vmin.f32 v54, v51;
	v20 =	vmin.f32 v63, v20;
	vm15 =	vlt.f32 v60, v12  }
0x49: {  	v13 =	vld [tilespmem:s20+$0x90];
	v45 =	vmin.f32 v32, v36;
	v54 =	vmov s31;
	v56 =	vsel vm2, v29, v9  }
0x4a: {  	vm2 =	vlt.f32 v30, v16;
	v61 =	vsel vm3, v29, v9;
	v44 =	vsel vm1, v29, v9  }
0x4b: {  	v40 =	vld [tilespmem:s20+$0x0];
	vm1 =	vlt.f32 v46, v18;
	v58 =	vsel vm2, v14, v9;
	v21 =	vmin.f32 v28, v56  }
0x4c: {  	vm2 =	vlt.f32 v53, v18;
	v24 =	vmin.f32 v62, v61;
	v28 =	vsel vm15, v29, v9  }
0x4d: {  	v55 =	vsel vm1, v38, v9;
	v19 =	vmin.f32 v21, v19;
	v21 =	vsel vm14, v29, v9  }
0x4e: {  	vm12 =	vlt.f32 v23, v12;
	v37 =	vperm.xlane v19, v0;
	vm3 =	vlt.f32 v13, v12;
	v13 =	vld [tilespmem:s20+$0x110]  }
0x4f: {  	v24 =	vmin.f32 v24, v25;
	v23 =	vsel vm5, v14, v9;
	v43 =	vsel vm12, v29, v9  }
0x50: {  	vm14 =	vlt.f32 v40, v18;
	v26 =	vmin.f32 v31, v43;
	v19 =	vmin.f32 v19, v37  }
0x51: {  	v42 =	vmin.f32 v39, v28;
	v20 =	vmin.f32 v26, v20;
	v47 =	vperm.xlane v19, v1  }
0x52: {  	v22 =	vmin.f32 v58, v22;
	v25 =	vperm.xlane v24, v0;
	v49 =	vperm.xlane v20, v0  }
0x53: {  	v19 =	vmin.f32 v19, v47;
	vm15 =	vlt.f32 v13, v12;
	v12 =	vmin.f32 v23, v17  }
0x54: {  	v13 =	vsel vm14, v38, v9;
	v17 =	vmin.f32 v24, v25;
	v23 =	vsel vm7, v14, v9  }
0x55: {  	v13 =	vmin.f32 v13, v21;
	v21 =	vperm.xlane v17, v1;
	v23 =	vmin.f32 v23, v35  }
0x56: {  	v20 =	vmin.f32 v20, v49;
	v41 =	vsel vm15, v29, v9;
	v13 =	vmin.f32 v13, v23  }
0x57: {  	v23 =	vsel vm13, v38, v9;
	v17 =	vmin.f32 v17, v21;
	v21 =	vsel vm3, v29, v9  }
0x58: {  	v48 =	vperm.xlane v13, v0;
	v21 =	vmin.f32 v23, v21;
	v23 =	vsel vm2, v38, v9  }
0x59: {  	v21 =	vmin.f32 v21, v22;
	v22 =	vmin.f32 v23, v41;
	v23 =	vperm.xlane v17, v2  }
0x5a: {  	v18 =	vperm.xlane v19, v2;
	v52 =	vperm.xlane v20, v1;
	v50 =	vmin.f32 v13, v48  }
0x5b: {  	v13 =	vmin.f32 v22, v45;
	v22 =	vperm.xlane v21, v0;
	v17 =	vmin.f32 v17, v23  }
0x5c: {  	v18 =	vmin.f32 v19, v18;
	v19 =	vperm.xlane v13, v0;
	v23 =	vperm.xlane v17, v5  }
0x5d: {  	v51 =	vperm.xlane v18, v5;
	v58 =	vperm.xlane v50, v1;
	v21 =	vmin.f32 v21, v22  }
0x5e: {  	v22 =	vmin.f32 v42, v12;
	v12 =	vmin.f32 v17, v23;
	v17 =	vmin.f32 v13, v19  }
0x5f: {  	v13 =	vmin.f32 v18, v51;
	v23 =	vperm.xlane v22, v0;
	vm2 =	vlt.f32 v12, v9  }
0x60: {  	v18 =	vperm.xlane v17, v1;
	vm3 =	vlt.f32 v13, v9;
	vm2 =	vmneg vm2  }
0x61: {  	v19 =	vld [tilespmem:s20+$0x1A0];
	v22 =	vmin.f32 v22, v23;
	v23 =	vperm.xlane v21, v1;
	v53 =	vsel vm2, $0x1, v6  }
0x62: {  	v12 =	vsel vm2, v10, v12;
	vm2 =	vmneg vm3;
	v57 =	vperm.xlane v22, v1  }
0x63: {  	v17 =	vmin.f32 v17, v18;
	v18 =	vmin.f32 v55, v44;
	v56 =	vsel vm2, $0x1, v6  }
0x64: {  	v13 =	vsel vm2, v10, v13;
	(v2sf) =	vpush v53, $0x0;
	v21 =	vmin.f32 v21, v23  }
0x65: {  	v23 =	vperm.xlane v17, v2;
	vm2 =	veq.s32 v54, v7;
	(v2sf) =	vpush v56, $0x0  }
0x66: {  	vm1 =	vlt.f32 v19, v16;
	v16 =	vmin.f32 v20, v52;
	v20 =	vmin.f32 v22, v57  }
0x67: {  	v22 =	vmin.f32 v50, v58;
	v19 =	vperm.xlane v16, v2;
	v59 =	vperm.xlane v20, v2  }
0x68: {  	v60 =	vperm.xlane v21, v2;
	v14 =	vsel vm1, v14, v9;
	v23 =	vmin.f32 v17, v23  }
0x69: {  	v14 =	vmin.f32 v14, v15;
	v16 =	vmin.f32 v16, v19;
	v20 =	vmin.f32 v20, v59  }
0x6a: {  	v19 =	vmin.f32 v18, v14;
	v14 =	vperm.xlane v22, v2;
	v15 =	vperm.xlane v16, v5  }
0x6b: {  	v63 =	vperm.xlane v23, v5;
	v18 =	vmin.f32 v21, v60;
	v61 =	vperm.xlane v20, v5  }
0x6c: {  	v21 =	vperm.xlane v18, v5;
	v22 =	vmin.f32 v22, v14;
	v15 =	vmin.f32 v16, v15  }
0x6d: {  	v16 =	vmin.f32 v20, v61;
	v20 =	vperm.xlane v19, v0;
	v62 =	vperm.xlane v22, v5  }
0x6e: {  	v17 =	vmin.f32 v18, v21;
	vm1 =	vlt.f32 v15, v9;
	vm3 =	vlt.f32 v16, v9  }
0x6f: {  	s22 =	simm.s32 $0x8;
	s23 =	simm.s32 $0x4780;
	v18 =	vmin.f32 v23, v63;
	vm3 =	vmneg vm3;
	vm1 =	vmneg vm1  }
0x70: {  	s24 =	simm.s32 $0x0;
	s21 =	simm.s32 $0x0;
	s20 =	simm.s32 $0x0;
	v21 =	vsel vm3, $0x1, v6;
	v14 =	vsel vm3, v10, v16;
	v16 =	vmin.f32 v22, v62  }
.LBB2_2:
0x71: {  	s0 =	sadd.s32 $0x1, s22;
	s24 =	sadd.s32 $0x20, s24  }
0x72: {  	v19 =	vmin.f32 v19, v20;
	vm3 =	vlt.f32 v17, v9;
	vm4 =	vlt.f32 v18, v9;
	s3 =	smov.u32 s22;
	s22 =	sadd.s32 $0x8, s22;
	s29 =	simm.s32 $0x1  }
0x73: {  	p0 =	sne.s32 s22, $0x80;
	s25 =	sld [smem:$0x80];
	vm3 =	vmneg vm3;
	vm4 =	vmneg vm4;
	s26 =	spop (v2sf);
	(v2sf) =	vpush v21, $0x0  }
0x74: {  	s28 =	sand.u32 $0x9, s0;
	p1 =	sne.s32 s26, $0x0;
	v20 =	vsel vm3, $0x1, v6;
	v21 =	vsel vm4, $0x1, v6;
	v18 =	vsel vm4, v10, v18;
	s26 =	spop (v2sf)  }
0x75: {  	v11 =	vsel vm2, v12, v11;
	v22 =	vperm.xlane v19, v1;
	v17 =	vsel vm3, v10, v17;
	s29 =	simm.s32 @!p1 $0x0;
	p1 =	sne.s32 s26, $0x0  }
0x76: {  	v11 =	vsel vm0, v13, v11;
	v12 =	vmov s28;
	[smem:s25] =	sst s21;
	s30 =	sadd.s32 s29, s25  }
0x77: {  	vm0 =	vlt.f32 v16, v9;
	v13 =	vmin.f32 v19, v22;
	s25 =	sadd.s32 $0x2, s21;
	[smem:s30] =	sst s19;
	(v2sf) =	vpush v21, $0x0;
	s19 =	smov.u32 s0  }
0x78: {  	vm0 =	vmneg vm0;
	s26 =	sadd.s32 $0x3, s21;
	v19 =	vperm.xlane v13, v2;
	s0 =	sand.u32 $0xA, s25;
	(v2sf) =	vpush v20, $0x0  }
0x79: {  	v15 =	vsel vm1, v10, v15;
	v20 =	vsel vm1, $0x1, v6;
	v21 =	vmov s0;
	s0 =	sand.u32 $0xB, s26  }
0x7a: {  	v13 =	vmin.f32 v13, v19;
	vm1 =	veq.s32 v21, v7;
	(v2sf) =	vpush v20, $0x0  }
0x7b: {  	s28 =	sadd.s32 $0x4, s21;
	v19 =	vperm.xlane v13, v5;
	v11 =	vsel vm1, v15, v11;
	v15 =	vsel vm0, $0x1, v6  }
0x7c: {  	v16 =	vsel vm0, v10, v16;
	s29 =	sadd.s32 $0x5, s21;
	v20 =	vmov s0;
	s0 =	sand.u32 $0xC, s28;
	(v2sf) =	vpush v15, $0x0  }
0x7d: {  	v13 =	vmin.f32 v13, v19;
	vm0 =	veq.s32 v20, v7;
	v15 =	vmov s0;
	s0 =	sand.u32 $0xD, s29  }
0x7e: {  	s31 =	sadd.s32 $0x6, s21;
	v11 =	vsel vm0, v14, v11;
	vm1 =	vlt.f32 v13, v9;
	vm0 =	veq.s32 v15, v7  }
0x7f: {  	s10 =	sand.u32 $0xE, s31;
	v14 =	vmov s0;
	v11 =	vsel vm0, v16, v11;
	vm0 =	vmneg vm1  }
0x80: {  	s0 =	sadd.s32 $0x7, s21;
	s21 =	smov.u32 s3;
	vm1 =	veq.s32 v14, v7;
	v14 =	vsel vm0, $0x1, v6;
	v13 =	vsel vm0, v10, v13  }
0x81: {  	v15 =	vmov s10;
	s3 =	sand.u32 $0xF, s0;
	v11 =	vsel vm1, v17, v11;
	(v2sf) =	vpush v14, $0x0  }
0x82: {  	vm0 =	veq.s32 v15, v7;
	p3 =	sne.s32 s3, $0xF;
	v14 =	vmov s3;
	s3 =	spop (v2sf)  }
0x83: {  	v11 =	vsel vm0, v18, v11;
	vm0 =	veq.s32 v14, v7;
	p2 =	sne.s32 s3, $0x0;
	s3 =	sand.u32 @!p3 $0x1C0, s20;
	s20 =	smov.u32 s24  }
0x84: {  	v11 =	vsel vm0, v13, v11;
	s3 =	sshrl.u32 @!p3 s3, $0x2  }
0x85: {  	[tilespmem:s3+$0x9180] =	vst @!p3 v11  }
0x86: {  	s3 =	spop (v2sf)  }
0x87: {  	p3 =	sne.s32 s3, $0x0;
	s3 =	spop (v2sf)  }
0x88: {  	p4 =	sne.s32 s3, $0x0  }
0x89: {  	s10 =	simm.s32 $0x1;
	s3 =	spop (v2sf)  }
0x8a: {  	s10 =	simm.s32 @!p1 $0x0;
	p1 =	sne.s32 s3, $0x0;
	s3 =	simm.s32 $0x1  }
0x8b: {  	s10 =	sadd.s32 s10, s30;
	s30 =	simm.s32 $0x1;
	s3 =	simm.s32 @!p4 $0x0  }
0x8c: {  	s30 =	simm.s32 @!p1 $0x0;
	v13 =	vld [tilespmem:s23+$0x1B0];
	s11 =	spop (v2sf)  }
0x8d: {  	v18 =	vld [tilespmem:s23+$0x190];
	[smem:s10] =	sst s25;
	s10 =	sadd.s32 s30, s10;
	s25 =	simm.s32 $0x1  }
0x8e: {  	v15 =	vld [tilespmem:s23+$0x130];
	[smem:s10] =	sst s26;
	s25 =	simm.s32 @!p3 $0x0;
	s26 =	simm.s32 $0x1  }
0x8f: {  	p1 =	sne.s32 s11, $0x0;
	s11 =	simm.s32 $0x1;
	v14 =	vld [tilespmem:s23+$0xFFFFFFB0];
	s26 =	simm.s32 @!p2 $0x0  }
0x90: {  	s11 =	simm.s32 @!p1 $0x0;
	v16 =	vld [tilespmem:s23+$0x30];
	s10 =	sadd.s32 s26, s10  }
0x91: {  	v19 =	vld [tilespmem:s23+$0xB0];
	[smem:s10] =	sst s28;
	s10 =	sadd.s32 s11, s10;
	s11 =	spop (v2sf)  }
0x92: {  	[smem:s10] =	sst s29  }
0x93: {  	v20 =	vld [tilespmem:s23+$0xFFFFFF30];
	s3 =	sadd.s32 s3, s10;
	p1 =	sne.s32 s11, $0x0;
	s10 =	simm.s32 $0x1  }
0x94: {  	v21 =	vld [tilespmem:s23+$0xFFFFFE30];
	[smem:s3] =	sst s31;
	s3 =	sadd.s32 s25, s3;
	s10 =	simm.s32 @!p1 $0x0  }
0x95: {  	v22 =	vld [tilespmem:s23+$0x90];
	[smem:s3] =	sst s0;
	s0 =	sadd.s32 s10, s3  }
0x96: {  	v23 =	vld [tilespmem:s23+$0xFFFFFE00];
	[smem:$0x80] =	sst s0  }
0x97: {  	v24 =	vld [tilespmem:$0x60]  }
0x98: {  	v25 =	vld [tilespmem:s23+$0x20]  }
0x99: {  	v26 =	vld [tilespmem:s23+$0xFFFFFEB0]  }
0x9a: {  	v27 =	vld [tilespmem:$0xE0]  }
0x9b: {  	v28 =	vld [tilespmem:s23+$0xFFFFFFA0]  }
0x9c: {  	v29 =	vld [tilespmem:s23+$0xFFFFFF80]  }
0x9d: {  	v30 =	vld [tilespmem:s23+$0xFFFFFE80]  }
0x9e: {  	v17 =	vld [tilespmem:$0x40]  }
0x9f: {  	vm1 =	vlt.f32 v21, v27;
	vm2 =	vlt.f32 v26, v27;
	vm0 =	vlt.f32 v20, v27;
	v20 =	vld [tilespmem:s23+$0xA0]  }
0xa0: {  	vm3 =	vlt.f32 v16, v27;
	v21 =	vld [tilespmem:s23+$0xFFFFFE90];
	v26 =	vsel vm0, v24, v9;
	vm0 =	vlt.f32 v14, v27  }
0xa1: {  	v32 =	vsel vm3, v24, v9;
	v14 =	vld [tilespmem:$0x50];
	v31 =	vsel vm0, v24, v9;
	vm0 =	vlt.f32 v15, v27  }
0xa2: {  	v33 =	vld [tilespmem:s23+$0x120];
	v34 =	vsel vm0, v24, v9;
	vm0 =	vlt.f32 v13, v27  }
0xa3: {  	v35 =	vld [tilespmem:s23+$0xFFFFFF20];
	v15 =	vsel vm0, v24, v9  }
0xa4: {  	v36 =	vld [tilespmem:s23+$0xFFFFFEA0]  }
0xa5: {  	v16 =	vld [tilespmem:$0xD0]  }
0xa6: {  	v37 =	vld [tilespmem:s23+$0xFFFFFE20]  }
0xa7: {  	v38 =	vld [tilespmem:$0xC0]  }
0xa8: {  	vm3 =	vlt.f32 v19, v27;
	vm0 =	veq.s32 v12, v7;
	v39 =	vld [tilespmem:s23+$0xFFFFFE10]  }
0xa9: {  	v19 =	vsel vm1, v24, v9;
	v27 =	vsel vm2, v24, v9;
	v24 =	vsel vm3, v24, v9;
	v12 =	vld [tilespmem:$0xB0]  }
0xaa: {  	v13 =	vld [tilespmem:$0x30];
	vm1 =	vlt.f32 v36, v16;
	vm4 =	vlt.f32 v35, v16;
	vm2 =	vlt.f32 v33, v16  }
0xab: {  	vm3 =	vlt.f32 v37, v16;
	v33 =	vsel vm1, v14, v9;
	v35 =	vld [tilespmem:s23+$0x100];
	v36 =	vsel vm2, v14, v9  }
0xac: {  	v37 =	vsel vm3, v14, v9;
	vm2 =	vlt.f32 v21, v38;
	v21 =	vld [tilespmem:s23+$0xFFFFFF00];
	vm1 =	vlt.f32 v18, v38  }
0xad: {  	vm3 =	vlt.f32 v39, v38;
	v18 =	vsel vm2, v17, v9;
	v39 =	vld [tilespmem:s23+$0x10];
	vm2 =	vlt.f32 v20, v16  }
0xae: {  	vm5 =	vlt.f32 v30, v12;
	vm6 =	vlt.f32 v29, v12;
	v20 =	vsel vm2, v14, v9  }
0xaf: {  	v29 =	vsel vm5, v13, v9;
	v30 =	vsel vm6, v13, v9;
	vm6 =	vlt.f32 v28, v16;
	v28 =	vld [tilespmem:s23+$0x80]  }
0xb0: {  	vm7 =	vlt.f32 v23, v12;
	vm5 =	vlt.f32 v25, v16;
	v18 =	vmin.f32 v29, v18;
	v23 =	vld [tilespmem:s23+$0xFFFFFF90]  }
0xb1: {  	v25 =	vmin.f32 v33, v27;
	vm2 =	vlt.f32 v35, v12;
	vm8 =	vlt.f32 v21, v12;
	v21 =	vld [tilespmem:s23+$0xFFFFFF10]  }
0xb2: {  	v27 =	vsel vm3, v17, v9;
	vm3 =	vlt.f32 v22, v38;
	v29 =	vsel vm8, v13, v9;
	v22 =	vld [tilespmem:s23+$0x110]  }
0xb3: {  	v33 =	vsel vm7, v13, v9;
	v35 =	vsel vm4, v14, v9;
	vm4 =	vlt.f32 v39, v38;
	v40 =	vld [tilespmem:s23+$0x0]  }
0xb4: {  	v19 =	vmin.f32 v37, v19;
	v18 =	vmin.f32 v18, v25;
	v25 =	vsel vm4, v17, v9  }
0xb5: {  	v27 =	vmin.f32 v33, v27;
	v26 =	vmin.f32 v35, v26;
	vm4 =	vlt.f32 v23, v38  }
0xb6: {  	v19 =	vmin.f32 v27, v19;
	vm8 =	vlt.f32 v28, v12;
	vm7 =	vlt.f32 v21, v38  }
0xb7: {  	v27 =	vperm.xlane v18, v0;
	v23 =	vperm.xlane v19, v0;
	v21 =	vsel vm6, v14, v9  }
0xb8: {  	v28 =	vsel vm4, v17, v9;
	vm6 =	vlt.f32 v22, v38;
	vm4 =	vlt.f32 v40, v12  }
0xb9: {  	v21 =	vmin.f32 v21, v31;
	v19 =	vmin.f32 v19, v23;
	v22 =	vsel vm4, v13, v9  }
0xba: {  	v18 =	vmin.f32 v18, v27;
	v23 =	vsel vm5, v14, v9;
	v31 =	vsel vm6, v17, v9  }
0xbb: {  	v27 =	vmin.f32 v30, v28;
	v22 =	vmin.f32 v22, v25;
	v25 =	vperm.xlane v19, v1  }
0xbc: {  	v28 =	vsel vm7, v17, v9;
	v30 =	vsel vm1, v17, v9;
	v23 =	vmin.f32 v23, v32  }
0xbd: {  	v28 =	vmin.f32 v29, v28;
	v22 =	vmin.f32 v22, v23;
	v23 =	vsel vm8, v13, v9  }
0xbe: {  	v20 =	vmin.f32 v20, v24;
	v24 =	vmin.f32 v36, v34;
	v19 =	vmin.f32 v19, v25;
	v29 =	vld [tilespmem:s23+$0x180]  }
0xbf: {  	v17 =	vsel vm3, v17, v9;
	v25 =	vperm.xlane v18, v1;
	v32 =	vperm.xlane v22, v0  }
0xc0: {  	v26 =	vmin.f32 v28, v26;
	v17 =	vmin.f32 v23, v17;
	v23 =	vsel vm2, v13, v9  }
0xc1: {  	v17 =	vmin.f32 v17, v20;
	v20 =	vmin.f32 v23, v31;
	v23 =	vperm.xlane v19, v2  }
0xc2: {  	v18 =	vmin.f32 v18, v25;
	v25 =	vperm.xlane v26, v0;
	v22 =	vmin.f32 v22, v32  }
0xc3: {  	v20 =	vmin.f32 v20, v24;
	vm1 =	vlt.f32 v29, v12;
	v12 =	vperm.xlane v18, v2  }
0xc4: {  	v24 =	vperm.xlane v17, v0;
	v19 =	vmin.f32 v19, v23;
	v23 =	vmin.f32 v26, v25  }
0xc5: {  	v25 =	vperm.xlane v19, v5;
	v12 =	vmin.f32 v18, v12;
	v18 =	vperm.xlane v20, v0  }
0xc6: {  	v17 =	vmin.f32 v17, v24;
	v28 =	vperm.xlane v23, v1;
	v26 =	vperm.xlane v12, v5  }
0xc7: {  	v21 =	vmin.f32 v27, v21;
	v19 =	vmin.f32 v19, v25;
	v18 =	vmin.f32 v20, v18  }
0xc8: {  	s0 =	sand.u32 $0x8, s21;
	vm2 =	vlt.f32 v19, v9;
	v20 =	vmin.f32 v12, v26;
	v24 =	vperm.xlane v18, v1  }
0xc9: {  	vm2 =	vmneg vm2;
	v26 =	vperm.xlane v21, v0;
	v25 =	vld [tilespmem:s23+$0x1A0];
	vm3 =	vlt.f32 v20, v9  }
0xca: {  	v29 =	vmov s0;
	v27 =	vsel vm2, $0x1, v6;
	v12 =	vsel vm2, v10, v19  }
0xcb: {  	v19 =	vmin.f32 v21, v26;
	v21 =	vperm.xlane v17, v1;
	vm2 =	vmneg vm3  }
0xcc: {  	v26 =	vsel vm1, v13, v9;
	v31 =	vsel vm2, $0x1, v6;
	v13 =	vsel vm2, v10, v20  }
0xcd: {  	v32 =	vperm.xlane v22, v1;
	v20 =	vperm.xlane v19, v1;
	(v2sf) =	vpush v27, $0x0  }
0xce: {  	vm1 =	vlt.f32 v25, v16;
	v16 =	vmin.f32 v23, v28;
	(v2sf) =	vpush v31, $0x0  }
0xcf: {  	v22 =	vmin.f32 v22, v32;
	v19 =	vmin.f32 v19, v20;
	v23 =	vperm.xlane v16, v2  }
0xd0: {  	v18 =	vmin.f32 v18, v24;
	v17 =	vmin.f32 v17, v21;
	v20 =	vperm.xlane v19, v2  }
0xd1: {  	v24 =	vperm.xlane v18, v2;
	v21 =	vmin.f32 v26, v30;
	v14 =	vsel vm1, v14, v9  }
0xd2: {  	v20 =	vmin.f32 v19, v20;
	v16 =	vmin.f32 v16, v23;
	v23 =	vperm.xlane v17, v2  }
0xd3: {  	v14 =	vmin.f32 v14, v15;
	v25 =	vperm.xlane v20, v5;
	v15 =	vperm.xlane v16, v5  }
0xd4: {  	v19 =	vmin.f32 v21, v14;
	v14 =	vperm.xlane v22, v2;
	v17 =	vmin.f32 v17, v23  }
0xd5: {  	v15 =	vmin.f32 v16, v15;
	v16 =	vmin.f32 v20, v25;
	v21 =	vperm.xlane v17, v5  }
.Ltmp2:
0xd6: {  	v18 =	vmin.f32 v18, v24;
	v20 =	vperm.xlane v19, v0;
	vm1 =	vlt.f32 v15, v9;
	(pc) =	sbr.rel @p0 .LBB2_2-.Ltmp2, $4  }
0xd7: {  	vm2 =	veq.s32 v29, v7;
	v22 =	vmin.f32 v22, v14;
	vm3 =	vlt.f32 v16, v9  }
0xd8: {  	v24 =	vperm.xlane v18, v5;
	v23 =	vperm.xlane v22, v5;
	vm3 =	vmneg vm3  }
0xd9: {  	v17 =	vmin.f32 v17, v21;
	v21 =	vsel vm3, $0x1, v6;
	v14 =	vsel vm3, v10, v16  }
0xda: {  	s23 =	sadd.s32 $0x400, s23;
	v18 =	vmin.f32 v18, v24;
	vm1 =	vmneg vm1;
	v16 =	vmin.f32 v22, v23  }
0xdb: {  	vm3 =	vlt.f32 v18, v9;
	v19 =	vmin.f32 v19, v20  }
0xdc: {  	vm4 =	vlt.f32 v17, v9;
	(v2sf) =	vpush v21, $0x0;
	vm6 =	vmneg vm3  }
0xdd: {  	vm15 =	vmneg vm4;
	v22 =	vperm.xlane v19, v1;
	v47 =	vsel vm6, $0x1, v6  }
0xde: {  	v49 =	vsel vm1, $0x1, v6;
	v48 =	vsel vm15, $0x1, v6;
	(v2sf) =	vpush v47, $0x0  }
0xdf: {  	vm8 =	vlt.f32 v16, v9;
	v19 =	vmin.f32 v19, v22;
	(v2sf) =	vpush v48, $0x0  }
0xe0: {  	vm5 =	vmneg vm8;
	v50 =	vperm.xlane v19, v2;
	(v2sf) =	vpush v49, $0x0  }
0xe1: {  	v51 =	vsel vm5, $0x1, v6  }
0xe2: {  	v19 =	vmin.f32 v19, v50;
	(v2sf) =	vpush v51, $0x0  }
0xe3: {  	v52 =	vperm.xlane v19, v5;
	_ =	sdelay $0x1  }
0xe4: {  	v19 =	vmin.f32 v19, v52  }
0xe5: {  	s3 =	sld [smem:$0x80];
	s10 =	simm.s32 $0x1;
	vm9 =	vlt.f32 v19, v9  }
0xe6: {  	s31 =	sadd.s32 $0x2, s21;
	s22 =	sadd.s32 $0x4, s21;
	s0 =	spop (v2sf);
	vm4 =	vmneg vm9  }
0xe7: {  	s24 =	sadd.s32 $0x5, s21;
	s25 =	simm.s32 $0x1;
	p0 =	sne.s32 s0, $0x0;
	v53 =	vsel vm4, $0x1, v6  }
0xe8: {  	s11 =	sand.u32 $0xA, s31;
	s29 =	spop (v2sf);
	s10 =	simm.s32 @!p0 $0x0;
	(v2sf) =	vpush v53, $0x0  }
0xe9: {  	p3 =	sne.s32 s29, $0x0;
	[smem:s3] =	sst s21;
	s30 =	sadd.s32 s10, s3  }
0xea: {  	s10 =	sadd.s32 $0x3, s21;
	s25 =	simm.s32 @!p3 $0x0;
	s3 =	simm.s32 $0x1  }
0xeb: {  	[smem:s30] =	sst s19;
	s19 =	sand.u32 $0xB, s10;
	s23 =	spop (v2sf)  }
0xec: {  	s0 =	sadd.s32 s25, s30;
	s30 =	sand.u32 $0xC, s22;
	s26 =	spop (v2sf)  }
0xed: {  	[smem:s0] =	sst s31;
	s31 =	sand.u32 $0xD, s24;
	s28 =	spop (v2sf)  }
0xee: {  	p2 =	sne.s32 s23, $0x0;
	s23 =	simm.s32 $0x1;
	s29 =	spop (v2sf)  }
0xef: {  	p0 =	sne.s32 s26, $0x0;
	s26 =	sadd.s32 $0x7, s21;
	p3 =	sne.s32 s29, $0x0  }
0xf0: {  	p1 =	sne.s32 s28, $0x0;
	s28 =	spop (v2sf);
	s23 =	simm.s32 @!p3 $0x0  }
0xf1: {  	v11 =	vsel vm2, v12, v11;
	s29 =	sand.u32 $0xF, s26;
	s3 =	simm.s32 @!p1 $0x0;
	s0 =	sadd.s32 s23, s0  }
0xf2: {  	v15 =	vsel vm1, v10, v15;
	v11 =	vsel vm0, v13, v11;
	s23 =	sadd.s32 $0x6, s21;
	[smem:s0] =	sst s10;
	s10 =	simm.s32 $0x1  }
0xf3: {  	v54 =	vmov s11;
	v56 =	vsel vm6, v10, v18;
	v57 =	vmov s30;
	p3 =	sne.s32 s28, $0x0;
	s30 =	sand.u32 $0xE, s23;
	s10 =	simm.s32 @!p2 $0x0  }
0xf4: {  	v59 =	vsel vm15, v10, v17;
	vm10 =	veq.s32 v54, v7;
	v55 =	vmov s19;
	p2 =	sne.s32 s29, $0xF;
	s0 =	sadd.s32 s10, s0;
	s10 =	simm.s32 $0x1  }
0xf5: {  	v60 =	vsel vm5, v10, v16;
	v11 =	vsel vm10, v15, v11;
	vm11 =	veq.s32 v55, v7;
	[smem:s0] =	sst s22;
	s22 =	simm.s32 $0x1;
	s10 =	simm.s32 @!p3 $0x0  }
0xf6: {  	v58 =	vmov s31;
	vm12 =	veq.s32 v57, v7;
	v11 =	vsel vm11, v14, v11;
	s22 =	simm.s32 @!p0 $0x0;
	s0 =	sadd.s32 s10, s0;
	s10 =	sand.u32 @!p2 $0x1C0, s20  }
0xf7: {  	vm13 =	veq.s32 v58, v7;
	v11 =	vsel vm12, v60, v11;
	v61 =	vmov s30;
	s31 =	spop (v2sf);
	[smem:s0] =	sst s24;
	s0 =	sadd.s32 s3, s0  }
0xf8: {  	v11 =	vsel vm13, v59, v11;
	v62 =	vmov s29;
	vm14 =	veq.s32 v61, v7;
	p0 =	sne.s32 s31, $0x0;
	s3 =	simm.s32 $0x1;
	s10 =	sshrl.u32 @!p2 s10, $0x2  }
0xf9: {  	v63 =	vsel vm4, v10, v19;
	vm15 =	veq.s32 v62, v7;
	v11 =	vsel vm14, v56, v11;
	[smem:s0] =	sst s23;
	s0 =	sadd.s32 s22, s0;
	s3 =	simm.s32 @!p0 $0x0  }
.Ltmp3:
0xfa: {  	v11 =	vsel vm15, v63, v11;
	[smem:s0] =	sst s26;
	s19 =	sadd.s32 s3, s0;
	(pc) =	sbr.rel .LBB2_4-.Ltmp3, $4  }
0xfb: {  	[tilespmem:s10+$0x9180] =	vst @!p2 v11;
	[smem:$0x80] =	sst s19  }
0xfc: {  	_ =	swait.ge [sflag:s16], $0x4000  }
0xfd: {  	[sflag:s16] =	ssyncset.done $0x0  }
0xfe: {  	s21 =	simm.s32 $0x0;
	s20 =	simm.s32 $0x0;
	[tilespmem:$0x1FF80] =	vst v10;
	[sflag:s16] =	ssyncadd.s32 $0xFFFFC000  }
.LBB2_7:
0xff: {  	s21 =	sadd.s32 $0x1, s21  }
0x100: {  	p0 =	sne.s32 s21, $0x10  }
.Ltmp4:
0x101: {  	_ = 	snop;
	(pc) =	sbr.rel @!p0 .LBB2_8-.Ltmp4, $2  }
0x102: {  	_ =	sdelay $0x2  }
0x103: {  	s19 =	smov.u32 s0  }
.LBB2_4:
0x104: {  	p0 =	slt.s32 s19, $0x1  }
.Ltmp5:
0x105: {  	_ = 	snop;
	(pc) =	sbr.rel @p0 .LBB2_7-.Ltmp5, $2  }
0x106: {  	_ =	sdelay $0x2  }
0x107: {  	[smem:$0x80] =	sst s20;
	s0 =	simm.s32 $0x0  }
0x108: {  	s0 =	sshll.u32 s21, $0x9  }
0x109: {  	s3 =	sshll.u32 s21, $0xC;
	s22 =	sand.u32 $0x3FFFFE00, s0  }
0x10a: {  	[dreg:$0x4] =	wrdreg s3;
	s0 =	sor.u32 $0x180, s22  }
0x10b: {  	s23 =	simm.s32 $0x0;
	[dreg:$0x6] =	wrdreg s0  }
.LBB2_6:
0x10c: {  	s24 =	sld [smem:s23+$0x0];
	_ =	sdelay $0x2  }
0x10d: {  	s25 =	sshra.s32 s24, $0x1F  }
0x10e: {  	s0 =	sshrl.u32 s25, $0x1D  }
0x10f: {  	s0 =	sadd.s32 s0, s24  }
0x110: {  	s3 =	sand.u32 $0xFFFFFFF8, s0  }
0x111: {  	p0 =	slt.s32 s24, $0x1;
	p1 =	sne.s32 s24, s3  }
0x112: {  	p1 =	por !p0, !p1  }
0x113: {  	s10 =	simm.s32 $0x1;
	s0 =	sshrl.u32 s0, $0x3;
	p1 =	por !p1, !p1  }
0x114: {  	s0 =	sadd.s32 s5, s0;
	s10 =	simm.s32 @!p1 $0x0  }
0x115: {  	s0 =	ssub.s32 s0, s10  }
0x116: {  	s11 =	rddreg [dreg:$0x4];
	s0 =	sshll.u32 s0, $0x10  }
0x117: {  	s0 =	sadd.s32 s11, s0  }
0x118: {  	s0 =	sshrl.u32 s0, $0x3  }
0x119: {  	s31 =	rddreg [dreg:$0x5];
	s3 =	ssub.s32 s24, s3;
	s0 =	sadd.s32 s1, s0  }
0x11a: {  	[tilespmem:s31], [sflag:$0x3] =	stream.linear.gather [hbm4b:s0+s2], $0x1000, $0x38;
	[tilespmem:$0x9200] =	vst v63  }
0x11b: {  	s10 =	sshll.u32 s3, $0x7;
	_ =	swait.ge [sflag:s14], $0x1000  }
0x11c: {  	s3 =	sand.u32 $0xFFFFF000, s3;
	s0 =	sand.u32 $0x380, s10;
	[sflag:s14] =	ssyncset.done $0x0  }
0x11d: {  	s26 =	sor.u32 s0, s3;
	[sflag:s14] =	ssyncadd.s32 $0xFFFFF000  }
0x11e: {  	v0 =	vld [tilespmem:s26+$0x8180]  }
0x11f: {  	s11 =	rddreg [dreg:$0x6];
	v61 =	vld [tilespmem:s22+$0x2180]  }
0x120: {  	v62 =	vld [tilespmem:s11+$0x0]  }
0x121: {  	v63 =	vld [tilespmem:s26+$0x8190]  }
0x122: {  	v12 =	vld [tilespmem:s22+$0x2190]  }
0x123: {  	v13 =	vld [tilespmem:s22+$0x190]  }
0x124: {  	v14 =	vld [tilespmem:s26+$0x81A0]  }
0x125: {  	v46 =	vld [tilespmem:s22+$0x21A0]  }
0x126: {  	v15 =	vld [tilespmem:s22+$0x1A0]  }
0x127: {  	v37 =	vld [tilespmem:s26+$0x81B0]  }
0x128: {  	v31 =	vld [tilespmem:s22+$0x21B0]  }
0x129: {  	v16 =	vld [tilespmem:s22+$0x1B0]  }
0x12a: {  	v23 =	vld [tilespmem:s26+$0x81C0]  }
0x12b: {  	v24 =	vld [tilespmem:s22+$0x21C0]  }
0x12c: {  	v17 =	vld [tilespmem:s22+$0x1C0]  }
0x12d: {  	v26 =	vld [tilespmem:s26+$0x81D0]  }
0x12e: {  	v27 =	vld [tilespmem:s22+$0x21D0]  }
0x12f: {  	v18 =	vld [tilespmem:s22+$0x1D0]  }
0x130: {  	v29 =	vld [tilespmem:s26+$0x81E0]  }
0x131: {  	v30 =	vld [tilespmem:s22+$0x21E0]  }
0x132: {  	v19 =	vld [tilespmem:s22+$0x1E0]  }
0x133: {  	v32 =	vld [tilespmem:s26+$0x81F0]  }
0x134: {  	v33 =	vld [tilespmem:s22+$0x21F0]  }
0x135: {  	v20 =	vld [tilespmem:s22+$0x1F0]  }
0x136: {  	v35 =	vld [tilespmem:s26+$0x8580]  }
0x137: {  	v36 =	vld [tilespmem:s22+$0x2200]  }
0x138: {  	v21 =	vld [tilespmem:s22+$0x200]  }
0x139: {  	v38 =	vld [tilespmem:s26+$0x8590]  }
0x13a: {  	v39 =	vld [tilespmem:s22+$0x2210]  }
0x13b: {  	v22 =	vld [tilespmem:s22+$0x210]  }
0x13c: {  	v41 =	vld [tilespmem:s26+$0x85A0]  }
0x13d: {  	v42 =	vld [tilespmem:s22+$0x2220]  }
0x13e: {  	v25 =	vld [tilespmem:s22+$0x220]  }
0x13f: {  	v44 =	vld [tilespmem:s26+$0x85B0]  }
0x140: {  	v45 =	vld [tilespmem:s22+$0x2230]  }
0x141: {  	v28 =	vld [tilespmem:s22+$0x230]  }
0x142: {  	v47 =	vld [tilespmem:s26+$0x85C0]  }
0x143: {  	v48 =	vld [tilespmem:s22+$0x2240]  }
0x144: {  	v34 =	vld [tilespmem:s22+$0x240]  }
0x145: {  	v50 =	vld [tilespmem:s26+$0x85D0]  }
0x146: {  	v51 =	vld [tilespmem:s22+$0x2250]  }
0x147: {  	v52 =	vld [tilespmem:s22+$0x250]  }
0x148: {  	v53 =	vld [tilespmem:s26+$0x85E0]  }
0x149: {  	v54 =	vld [tilespmem:s22+$0x2260]  }
0x14a: {  	v55 =	vld [tilespmem:s22+$0x260]  }
0x14b: {  	v56 =	vld [tilespmem:s26+$0x85F0]  }
0x14c: {  	v57 =	vld [tilespmem:s22+$0x2270]  }
0x14d: {  	v58 =	vld [tilespmem:s22+$0x270]  }
0x14e: {  	v59 =	vld [tilespmem:s26+$0x8980]  }
0x14f: {  	v60 =	vld [tilespmem:s22+$0x2280]  }
0x150: {  	v43 =	vld [tilespmem:s22+$0x290]  }
0x151: {  	v40 =	vld [tilespmem:s22+$0x2A0]  }
0x152: {  	v10 =	vld [tilespmem:s22+$0x22B0]  }
0x153: {  	v8 =	vld [tilespmem:s22+$0x22D0]  }
0x154: {  	v4 =	vld [tilespmem:s22+$0x22E0]  }
0x155: {  	v11 =	vld [tilespmem:s26+$0x89F0]  }
0x156: {  	v6 =	vld [tilespmem:s22+$0x22F0]  }
0x157: {  	v7 =	vld [tilespmem:s26+$0x8D80]  }
0x158: {  	v2 =	vld [tilespmem:s22+$0x2300]  }
0x159: {  	v3 =	vld [tilespmem:s26+$0x8D90]  }
0x15a: {  	v1 =	vld [tilespmem:s22+$0x2310]  }
0x15b: {  	v5 =	vld [tilespmem:s26+$0x8DA0]  }
0x15c: {  	[tilespmem:$0x1FE70] =	vst v61;
	v61 =	vld [tilespmem:s22+$0x280]  }
0x15d: {  	[tilespmem:$0x1FEB0] =	vst v62;
	v62 =	vld [tilespmem:s26+$0x8990]  }
0x15e: {  	[tilespmem:$0x1FE80] =	vst v63;
	v63 =	vld [tilespmem:s22+$0x2290]  }
0x15f: {  	[tilespmem:$0x1FF10] =	vst v19;
	v19 =	vld [tilespmem:s26+$0x89A0]  }
0x160: {  	[tilespmem:$0x1FEF0] =	vst v17;
	v17 =	vld [tilespmem:s22+$0x22A0]  }
0x161: {  	[tilespmem:$0x1FF00] =	vst v18;
	v18 =	vld [tilespmem:s26+$0x89B0]  }
0x162: {  	[tilespmem:$0x1FF70] =	vst v34;
	v34 =	vld [tilespmem:s22+$0x2B0]  }
0x163: {  	[tilespmem:$0x1FED0] =	vst v15;
	v15 =	vld [tilespmem:s26+$0x89C0]  }
0x164: {  	[tilespmem:$0x1FEC0] =	vst v13;
	v13 =	vld [tilespmem:s22+$0x22C0]  }
0x165: {  	[tilespmem:$0x1FF50] =	vst v25;
	v25 =	vld [tilespmem:s22+$0x2C0]  }
0x166: {  	[tilespmem:$0x1FEA0] =	vst v14;
	v14 =	vld [tilespmem:s26+$0x89D0]  }
0x167: {  	[tilespmem:$0x1FF60] =	vst v28;
	v28 =	vld [tilespmem:s22+$0x2D0]  }
0x168: {  	[tilespmem:$0x1FE90] =	vst v12;
	v12 =	vld [tilespmem:s26+$0x89E0]  }
0x169: {  	[tilespmem:$0x1FF20] =	vst v20;
	v20 =	vld [tilespmem:s22+$0x2E0]  }
0x16a: {  	vm4 =	vlt.f32 v23, v24;
	v23 =	vld [tilespmem:s22+$0x320]  }
0x16b: {  	[tilespmem:$0x1FE60] =	vst v0;
	v24 =	vld [tilespmem:s26+$0x8DB0]  }
0x16c: {  	v0 =	vld [tilespmem:$0x1FE60]  }
0x16d: {  	v49 =	vld [tilespmem:$0x1FE70]  }
0x16e: {  	vm5 =	vlt.f32 v26, v27;
	v27 =	vld [tilespmem:s22+$0x2330]  }
0x16f: {  	vm7 =	vlt.f32 v32, v33;
	v32 =	vld [tilespmem:s22+$0x330]  }
0x170: {  	vm10 =	vlt.f32 v59, v60;
	v60 =	vld [tilespmem:s26+$0x8DE0]  }
0x171: {  	vm8 =	vlt.f32 v35, v36;
	v35 =	vld [tilespmem:$0x1FEB0]  }
0x172: {  	vm0 =	vlt.f32 v0, v49;
	v0 =	vld [tilespmem:$0x1FE80]  }
0x173: {  	v49 =	vld [tilespmem:$0x1FE90]  }
0x174: {  	v36 =	vld [tilespmem:$0x1FEC0]  }
0x175: {  	vm15 =	vlt.f32 v38, v39;
	v39 =	vld [tilespmem:$0x1FEF0]  }
0x176: {  	[tilespmem:$0x1FEE0] =	vst v16;
	vm3 =	vlt.f32 v37, v31;
	v37 =	vld [tilespmem:$0x1FED0]  }
0x177: {  	v38 =	vld [tilespmem:$0x1FEE0]  }
0x178: {  	vm1 =	vlt.f32 v0, v49;
	v49 =	vld [tilespmem:$0x1FEA0]  }
0x179: {  	vm13 =	vlt.f32 v18, v10;
	v10 =	vld [tilespmem:s22+$0x2360]  }
0x17a: {  	[tilespmem:$0x1FF30] =	vst v21;
	v33 =	vsel vm4, v39, v9;
	vm4 =	vlt.f32 v41, v42;
	v41 =	vld [tilespmem:$0x1FF20]  }
0x17b: {  	v42 =	vld [tilespmem:$0x1FF30]  }
0x17c: {  	v0 =	vld [tilespmem:s22+$0x2320]  }
0x17d: {  	vm9 =	vlt.f32 v56, v57;
	vm2 =	vlt.f32 v49, v46;
	v46 =	vld [tilespmem:$0x1FF00]  }
0x17e: {  	vm6 =	vlt.f32 v29, v30;
	v59 =	vsel vm9, v58, v9;
	vm11 =	vlt.f32 v62, v63;
	v49 =	vld [tilespmem:$0x1FF10]  }
0x17f: {  	vm12 =	vlt.f32 v19, v17;
	v31 =	vsel vm3, v38, v9;
	v38 =	vsel vm7, v41, v9;
	v41 =	vld [tilespmem:s22+$0x2340]  }
0x180: {  	vm14 =	vlt.f32 v15, v13;
	vm9 =	vlt.f32 v24, v27;
	vm7 =	vlt.f32 v50, v51;
	v50 =	vld [tilespmem:s22+$0x2350]  }
0x181: {  	[tilespmem:$0x1FF40] =	vst v22;
	v62 =	vsel vm12, v40, v9;
	v63 =	vsel vm13, v34, v9;
	v29 =	vsel vm1, v36, v9;
	v36 =	vld [tilespmem:s26+$0x8DC0]  }
0x182: {  	v26 =	vsel vm0, v35, v9;
	v13 =	vmin.f32 v62, v63;
	v35 =	vsel vm5, v46, v9;
	v46 =	vld [tilespmem:$0x1FF40]  }
0x183: {  	vm12 =	vlt.f32 v60, v10;
	v30 =	vsel vm2, v37, v9;
	v37 =	vsel vm6, v49, v9;
	v49 =	vld [tilespmem:$0x1FF50]  }
0x184: {  	v39 =	vsel vm8, v42, v9;
	vm8 =	vlt.f32 v53, v54;
	vm6 =	vlt.f32 v47, v48;
	v48 =	vld [tilespmem:$0x1FF70]  }
0x185: {  	v54 =	vsel vm10, v61, v9;
	v61 =	vsel vm11, v43, v9;
	vm5 =	vlt.f32 v44, v45;
	v45 =	vld [tilespmem:s22+$0x340]  }
0x186: {  	v51 =	vsel vm8, v55, v9;
	v17 =	vmin.f32 v54, v61;
	vm8 =	vlt.f32 v5, v0;
	v47 =	vld [tilespmem:s26+$0x8DD0]  }
0x187: {  	v57 =	vld [tilespmem:s22+$0x350];
	v59 =	vmin.f32 v51, v59;
	v5 =	vsel vm8, v23, v9;
	vm10 =	vlt.f32 v36, v41  }
0x188: {  	v55 =	vmin.f32 v37, v38;
	v42 =	vsel vm15, v46, v9;
	v44 =	vsel vm4, v49, v9;
	v49 =	vld [tilespmem:$0x1FF60]  }
0x189: {  	v22 =	vld [tilespmem:s22+$0x2F0];
	v48 =	vsel vm6, v48, v9;
	vm15 =	vlt.f32 v14, v8;
	v8 =	vsel vm14, v25, v9  }
0x18a: {  	v21 =	vld [tilespmem:s22+$0x300];
	vm4 =	vlt.f32 v12, v4;
	vm6 =	vlt.f32 v7, v2;
	v7 =	vsel vm9, v32, v9  }
0x18b: {  	v16 =	vld [tilespmem:s22+$0x310];
	vm11 =	vlt.f32 v47, v50;
	v47 =	vsel vm10, v45, v9;
	v50 =	vmin.f32 v30, v31  }
0x18c: {  	v19 =	vld [tilespmem:s22+$0x360];
	v28 =	vsel vm15, v28, v9;
	v10 =	vsel vm11, v57, v9;
	v56 =	vmin.f32 v39, v42  }
0x18d: {  	v4 =	vld [tilespmem:s26+$0x8DF0];
	v8 =	vmin.f32 v8, v28;
	v46 =	vsel vm5, v49, v9;
	v49 =	vsel vm7, v52, v9  }
0x18e: {  	vm5 =	vlt.f32 v11, v6;
	v6 =	vsel vm4, v20, v9;
	v11 =	vld [tilespmem:s22+$0x2370];
	vm7 =	vlt.f32 v3, v1  }
0x18f: {  	v40 =	vld [tilespmem:s22+$0x370];
	v3 =	vsel vm6, v21, v9;
	v52 =	vmin.f32 v33, v35;
	v34 =	vsel vm5, v22, v9  }
0x190: {  	v43 =	vsel vm7, v16, v9;
	v57 =	vmin.f32 v44, v46;
	v58 =	vmin.f32 v48, v49  }
0x191: {  	v2 =	vmin.f32 v6, v34;
	v0 =	vmin.f32 v3, v43;
	v3 =	vmin.f32 v5, v7  }
0x192: {  	v5 =	vmin.f32 v47, v10;
	v6 =	vmin.f32 v52, v55;
	v7 =	vmin.f32 v56, v57  }
0x193: {  	v10 =	vmin.f32 v58, v59;
	v2 =	vmin.f32 v8, v2;
	vm13 =	vlt.f32 v4, v11  }
0x194: {  	v4 =	vsel vm12, v19, v9;
	v11 =	vmin.f32 v26, v29;
	v1 =	vsel vm13, v40, v9  }
0x195: {  	v8 =	vld [tilespmem:$0x1FF90];
	v0 =	vmin.f32 v0, v3;
	v1 =	vmin.f32 v4, v1;
	v4 =	vmin.f32 v11, v50  }
0x196: {  	v11 =	vmin.f32 v17, v13;
	v1 =	vmin.f32 v5, v1;
	v3 =	vmin.f32 v4, v6  }
0x197: {  	v4 =	vmin.f32 v7, v10;
	v2 =	vmin.f32 v11, v2;
	v0 =	vmin.f32 v0, v1  }
0x198: {  	v60 =	vmin.f32 v3, v4;
	v3 =	vld [tilespmem:$0x1FFA0];
	v0 =	vmin.f32 v2, v0  }
0x199: {  	v0 =	vmin.f32 v60, v0  }
0x19a: {  	v1 =	vperm.xlane v0, v8  }
0x19b: {  	v4 =	vld [tilespmem:$0x1FFB0]  }
0x19c: {  	v0 =	vmin.f32 v0, v1  }
0x19d: {  	v1 =	vperm.xlane v0, v3  }
0x19e: {  	v5 =	vld [tilespmem:$0x1FFF0]  }
0x19f: {  	v0 =	vmin.f32 v0, v1  }
0x1a0: {  	v1 =	vperm.xlane v0, v4;
	_ =	sdelay $0x1  }
0x1a1: {  	v0 =	vmin.f32 v0, v1  }
0x1a2: {  	v1 =	vperm.xlane v0, v5;
	_ =	sdelay $0x1  }
0x1a3: {  	v0 =	vmin.f32 v0, v1  }
0x1a4: {  	vm14 =	vlt.f32 v0, v9  }
0x1a5: {  	v6 =	vimm.s32 $0x0;
	vm0 =	vmneg vm14  }
0x1a6: {  	v61 =	vsel vm0, $0x1, v6  }
0x1a7: {  	(v2sf) =	vpush v61, $0x0;
	_ =	sdelay $0x5  }
0x1a8: {  	s26 =	sshrl.u32 s25, $0x1C  }
0x1a9: {  	s0 =	sadd.s32 s26, s24  }
0x1aa: {  	s28 =	sand.u32 $0xFFFFFFF0, s0  }
0x1ab: {  	p6 =	sne.s32 s24, s28  }
0x1ac: {  	p0 =	por !p0, !p6  }
0x1ad: {  	s10 =	simm.s32 $0x1;
	p0 =	por !p0, !p0  }
0x1ae: {  	s0 =	sshrl.u32 s0, $0x4;
	s10 =	simm.s32 @!p0 $0x0  }
0x1af: {  	s0 =	ssub.s32 s0, s10  }
0x1b0: {  	s0 =	sshll.u32 s0, $0x6  }
0x1b1: {  	s29 =	sshra.s32 s0, $0x2;
	v10 =	vld [tilespmem:$0x1FF80];
	s31 =	spop (v2sf)  }
0x1b2: {  	s11 =	simm.s32 $0x1;
	v62 =	vld [tilespmem:s29+$0x9180];
	p0 =	sne.s32 s31, $0x0  }
0x1b3: {  	s11 =	simm.s32 @!p0 $0x0;
	p0 =	sne.s32 s19, $0x1  }
.Ltmp6:
0x1b4: {  	s30 =	sld [smem:$0x80];
	s3 =	ssub.s32 s24, s28;
	(pc) =	sbr.rel @p0 .LBB2_6-.Ltmp6, $4  }
0x1b5: {  	v63 =	vmov s3;
	v7 =	vlaneseq.u32  }
0x1b6: {  	vm15 =	veq.s32 v63, v7;
	v0 =	vsel vm0, v10, v0  }
0x1b7: {  	[smem:s30] =	sst s24;
	v0 =	vsel vm15, v0, v62;
	s0 =	sadd.s32 s11, s30  }
0x1b8: {  	s23 =	sadd.s32 $0x1, s23;
	[tilespmem:s29+$0x9180] =	vst v0;
	s19 =	sadd.s32 $0xFFFFFFFF, s19;
	[smem:$0x80] =	sst s0  }
.Ltmp7:
0x1b9: {  	_ = 	snop;
	(pc) =	sbr.rel .LBB2_7-.Ltmp7, $1  }
0x1ba: {  	_ =	sdelay $0x3  }
.LBB2_9:
0x1bb: {  	_ =	sfence.sel $0x180000  }
0x1bc: {  	[bflag:$0x0] =	sbarrier.arrive $0xFFFF  }
0x1bd: {  	_ =	strace $0x90000047  }
0x1be: {  	s0 =	stileid.u32;
	[bflag:$0x2] =	sbarrier.arrive $0xFFFF  }
0x1bf: {  	p0 =	sne.s32 s0, $0x0;
	s0 =	rddreg [dreg:$0x3]  }
0x1c0: {  	s0 =	sadd.s32 @!p0 $0x100000, s0  }
0x1c1: {  	[sflag:s0] =	ssyncadd.tile.s32 @!p0 $0x1;
	_ =	shalt  }
.Lfunc_end2:
_tile_overlayer_lowered:
.L_overlay_start_2:
0x1c2: {  	(tag) =	ssettag $0x2  }
0x1c3: {  	s0 =	rddreg [dreg:$0x0];
	s2 =	stileid.u32  }
0x1c4: {  	s1 =	rddreg [dreg:$0x1];
	p0 =	sne.s32 s2, $0x0  }
0x1c5: {  	s3 =	rddreg [dreg:$0x2];
	[bflag:$0x3] =	sbarrier.arrive $0xFFFF;
	s2 =	simm.s32 @!p0 $0x1C03  }
0x1c6: {  	[timem:s3], [sflag:s2] =	dma.local @!p0 [hbm:s0], s1  }
0x1c7: {  	s0 =	simm.s32 @!p0 $0x3  }
0x1c8: {  	_ =	swait.ge @!p0 [sflag:s0], s1  }
0x1c9: {  	s1 =	ssub.s32 @!p0 $0x0, s1;
	[sflag:s0] =	ssyncset.done @!p0 $0x0  }
0x1ca: {  	[sflag:s0] =	ssyncadd.s32 @!p0 s1  }
0x1cb: {  	[bflag:$0x3] =	sbarrier.arrive $0xFFFF  }
0x1cc: {  	_ =	shalt  }

</sc_bundles>
